<compile_context>
chip_gen: v7x
topology: tpu7x:2x2x1
jax: 0.10.2.dev20260603
libtpu: 0.0.44.dev20260713+nightly
codegen_flags: <defaults>
</compile_context>

<pallas_src>
import functools
import jax
import jax.numpy as jnp
from jax import lax
from jax.experimental import pallas as pl
from jax.experimental.pallas import tpu as pltpu
from jax.experimental.pallas import tpu_sc as plsc

E = 8
TOPK = 2
N = 2048
D = 1024
I = 1024
SI = 1024
OUT = 1024

TMG = 256
G = N * TOPK + E * TMG
NT = G // TMG
TM = 256

NC, NS, L = 2, 16, 16
NW = NC * NS


def _leaky(v):
    return jnp.where(v >= 0, v, 0.01 * v)


def _dot_nt(a, b):
    return jax.lax.dot_general(a, b, (((1,), (1,)), ((), ())),
                               preferred_element_type=jnp.float32)



def _route_body(x_ref, gate_ref, wT_ref, posT_ref, te_ref, valid_ref,
                oh_s, a01_s, w01_s, tc_s):
    p = pl.program_id(0)
    t = pl.program_id(1)
    ntok = N // TM

    @pl.when(p == 0)
    def _pass0():
        scores = _dot_nt(x_ref[...], gate_ref[...])
        pr = jax.nn.softmax(scores, axis=-1)
        i1 = jnp.argmax(pr, axis=-1).astype(jnp.int32)
        m1 = jnp.max(pr, axis=-1)
        cols = jax.lax.broadcasted_iota(jnp.int32, pr.shape, 1)
        masked = jnp.where(cols == i1[:, None], -jnp.inf, pr)
        i2 = jnp.argmax(masked, axis=-1).astype(jnp.int32)
        m2 = jnp.max(masked, axis=-1)
        oh0 = (cols == i1[:, None]).astype(jnp.float32)
        oh1 = (cols == i2[:, None]).astype(jnp.float32)
        oh = oh0 + oh1
        sl = pl.ds(t * TM, TM)
        oh_s[sl, :] = oh
        a01_s[sl, :] = jnp.stack([i1, i2], axis=-1)
        w01_s[sl, :] = jnp.stack([m1, m2], axis=-1)
        tc_s[pl.ds(t, 1), :] = jnp.sum(oh, axis=0)[None, :]
        wT_ref[...] = jnp.stack([m1, m2], axis=0)
        posT_ref[...] = jnp.zeros_like(posT_ref)

    @pl.when(p == 1)
    def _pass1():
        tc = tc_s[...]
        counts = jnp.sum(tc, axis=0)
        padded = jnp.ceil(counts / TMG) * TMG
        er = jax.lax.broadcasted_iota(jnp.int32, (E, E), 0)
        ec = jax.lax.broadcasted_iota(jnp.int32, (E, E), 1)
        off = jnp.sum(jnp.where(ec < er, padded[None, :], 0.0), axis=1)
        cum = off + padded
        trow = jax.lax.broadcasted_iota(jnp.int32, (ntok, E), 0)
        prior = jnp.sum(jnp.where(trow < t, tc, 0.0), axis=0)
        base = t * TM
        rr = jax.lax.broadcasted_iota(jnp.int32, (TM, TM), 0)
        cc = jax.lax.broadcasted_iota(jnp.int32, (TM, TM), 1)
        tri = (cc < rr).astype(jnp.float32)
        oh_tile = oh_s[pl.ds(base, TM), :]
        c_in = jax.lax.dot_general(tri, oh_tile, (((1,), (0,)), ((), ())),
                                   preferred_element_type=jnp.float32)
        a01 = a01_s[pl.ds(base, TM), :]
        e8 = jax.lax.broadcasted_iota(jnp.int32, (TM, E), 1)
        val = (off + prior)[None, :] + c_in
        p0 = jnp.sum(jnp.where(e8 == a01[:, 0:1], val, 0.0), axis=1)
        p1 = jnp.sum(jnp.where(e8 == a01[:, 1:2], val, 0.0), axis=1)
        posT_ref[...] = jnp.stack([p0, p1], axis=0).astype(jnp.int32)
        w01 = w01_s[pl.ds(base, TM), :]
        wT_ref[...] = jnp.stack([w01[:, 0], w01[:, 1]], axis=0)

        @pl.when(t == 0)
        def _meta():
            tb = (jax.lax.broadcasted_iota(jnp.int32, (1, NT), 1) *
                  TMG).astype(jnp.float32)
            ge = (tb[None] >= cum[:, None, None]).astype(jnp.int32)
            te = jnp.minimum(jnp.sum(ge, axis=0), E - 1)
            te_ref[...] = te
            valid_ref[...] = (tb < cum[E - 1]).astype(jnp.int32)


def _routing(x, gate_w):
    return pl.pallas_call(
        _route_body,
        grid=(2, N // TM),
        in_specs=[
            pl.BlockSpec((TM, D), lambda p, t: (t * (1 - p), 0)),
            pl.BlockSpec((E, D), lambda p, t: (0, 0)),
        ],
        out_specs=[
            pl.BlockSpec((TOPK, TM), lambda p, t: (0, t)),
            pl.BlockSpec((TOPK, TM), lambda p, t: (0, t)),
            pl.BlockSpec((1, NT), lambda p, t: (0, 0)),
            pl.BlockSpec((1, NT), lambda p, t: (0, 0)),
        ],
        out_shape=[
            jax.ShapeDtypeStruct((TOPK, N), jnp.float32),
            jax.ShapeDtypeStruct((TOPK, N), jnp.int32),
            jax.ShapeDtypeStruct((1, NT), jnp.int32),
            jax.ShapeDtypeStruct((1, NT), jnp.int32),
        ],
        scratch_shapes=[
            pltpu.VMEM((N, E), jnp.float32),
            pltpu.VMEM((N, TOPK), jnp.int32),
            pltpu.VMEM((N, TOPK), jnp.float32),
            pltpu.VMEM((N // TM, E), jnp.float32),
        ],
        compiler_params=pltpu.CompilerParams(
            dimension_semantics=("arbitrary", "arbitrary")),
    )(x, gate_w)



def _ffn_body(te_ref, valid_ref, x_ref, posT_ref, wT_ref, w1_ref, w2_ref,
              w3_ref, b1_ref, b2_ref, b3_ref, eos_ref):
    j = pl.program_id(0)
    e = te_ref[0, j]

    @pl.when(valid_ref[0, j] == 1)
    def _compute():
        rr = jax.lax.broadcasted_iota(jnp.int32, (TMG, N), 0) + j * TMG
        m0 = (posT_ref[0:1, :] == rr).astype(jnp.float32)
        m1 = (posT_ref[1:2, :] == rr).astype(jnp.float32)
        onehot = m0 + m1
        xb = jax.lax.dot_general(onehot, x_ref[...],
                                 (((1,), (0,)), ((), ())),
                                 preferred_element_type=jnp.float32)
        ws = jnp.sum(m0 * wT_ref[0:1, :] + m1 * wT_ref[1:2, :],
                     axis=1)[:, None]
        h1 = _dot_nt(xb, w1_ref[0]) + b1_ref[e][None, :]
        h3 = _dot_nt(xb, w3_ref[0]) + b3_ref[e][None, :]
        eo = _dot_nt(_leaky(h1) * h3, w2_ref[0]) + b2_ref[e][None, :]
        eos_ref[...] = eo * ws

    @pl.when(valid_ref[0, j] == 0)
    def _skip():
        eos_ref[...] = jnp.zeros_like(eos_ref)


def _grouped_ffn(x, posT, wT, te, valid, W1, B1, W2, B2, W3, B3):
    grid_spec = pltpu.PrefetchScalarGridSpec(
        num_scalar_prefetch=2,
        grid=(NT,),
        in_specs=[
            pl.BlockSpec((N, D), lambda j, te, va: (0, 0)),
            pl.BlockSpec((TOPK, N), lambda j, te, va: (0, 0)),
            pl.BlockSpec((TOPK, N), lambda j, te, va: (0, 0)),
            pl.BlockSpec((1, I, D), lambda j, te, va: (te[0, j], 0, 0)),
            pl.BlockSpec((1, D, I), lambda j, te, va: (te[0, j], 0, 0)),
            pl.BlockSpec((1, I, D), lambda j, te, va: (te[0, j], 0, 0)),
            pl.BlockSpec((E, I), lambda j, te, va: (0, 0)),
            pl.BlockSpec((E, D), lambda j, te, va: (0, 0)),
            pl.BlockSpec((E, I), lambda j, te, va: (0, 0)),
        ],
        out_specs=pl.BlockSpec((TMG, D), lambda j, te, va: (j, 0)),
    )
    return pl.pallas_call(
        _ffn_body,
        grid_spec=grid_spec,
        out_shape=jax.ShapeDtypeStruct((G, D), jnp.float32),
        compiler_params=pltpu.CompilerParams(
            dimension_semantics=("arbitrary",)),
    )(te, valid, x, posT, wT, W1, W2, W3, B1, B2, B3)



_T_PER_W = N // NW
_T_CHUNK = 32
_A_CHUNK = _T_CHUNK * TOPK


@functools.lru_cache(maxsize=None)
def _make_sc_combine():
    @functools.partial(
        pl.kernel,
        mesh=plsc.VectorSubcoreMesh(core_axis_name="c", subcore_axis_name="s",
                                    num_cores=NC),
        out_type=jax.ShapeDtypeStruct((N, D), jnp.float32),
        scratch_types=[
            pltpu.VMEM((_A_CHUNK,), jnp.int32),
            pltpu.VMEM((_A_CHUNK, D), jnp.float32),
            pltpu.VMEM((_T_CHUNK, D), jnp.float32),
            pltpu.SemaphoreType.DMA,
        ],
    )
    def _sc_combine(eos_hbm, pos_hbm, yc_hbm, idx_v, rows_v, out_v, sem):
        for ci in range(_T_PER_W // _T_CHUNK):
            wid = lax.axis_index("s") * NC + lax.axis_index("c")
            t0 = wid * _T_PER_W + ci * _T_CHUNK
            pltpu.sync_copy(pos_hbm.at[0, pl.ds(t0, _T_CHUNK)],
                            idx_v.at[pl.ds(0, _T_CHUNK)])
            pltpu.sync_copy(pos_hbm.at[1, pl.ds(t0, _T_CHUNK)],
                            idx_v.at[pl.ds(_T_CHUNK, _T_CHUNK)])
            pltpu.async_copy(eos_hbm.at[idx_v], rows_v, sem).wait()

            def tok_body(t, carry):
                for c in range(D // L):
                    sl = pl.ds(c * L, L)
                    out_v[t, sl] = rows_v[t, sl] + rows_v[t + _T_CHUNK, sl]
                return carry

            lax.fori_loop(0, _T_CHUNK, tok_body, 0)
            pltpu.sync_copy(out_v, yc_hbm.at[pl.ds(t0, _T_CHUNK)])

    return _sc_combine



def _shared_body(x_ref, sw1_ref, sb1_ref, sw2_ref, sb2_ref, sw3_ref, sb3_ref,
                 z_ref):
    x = x_ref[...]
    s1 = _dot_nt(x, sw1_ref[...]) + sb1_ref[...]
    s3 = _dot_nt(x, sw3_ref[...]) + sb3_ref[...]
    z_ref[...] = _dot_nt(_leaky(s1) * s3, sw2_ref[...]) + sb2_ref[...]


def _shared(x, sw1, sb1, sw2, sb2, sw3, sb3):
    const2 = lambda t: (0, 0)
    return pl.pallas_call(
        _shared_body,
        grid=(N // TM,),
        in_specs=[
            pl.BlockSpec((TM, D), lambda t: (t, 0)),
            pl.BlockSpec((SI, D), const2),
            pl.BlockSpec((1, SI), const2),
            pl.BlockSpec((D, SI), const2),
            pl.BlockSpec((1, D), const2),
            pl.BlockSpec((SI, D), const2),
            pl.BlockSpec((1, SI), const2),
        ],
        out_specs=pl.BlockSpec((TM, D), lambda t: (t, 0)),
        out_shape=jax.ShapeDtypeStruct((N, D), jnp.float32),
    )(x, sw1, sb1.reshape(1, SI), sw2, sb2.reshape(1, D), sw3,
      sb3.reshape(1, SI))


def _final_body(yc_ref, z_ref, ow_ref, ob_ref, out_ref):
    out_ref[...] = _dot_nt(yc_ref[...] + z_ref[...],
                           ow_ref[...]) + ob_ref[...]


def _final(yc, z, out_w, out_b):
    const2 = lambda t: (0, 0)
    return pl.pallas_call(
        _final_body,
        grid=(N // TM,),
        in_specs=[
            pl.BlockSpec((TM, D), lambda t: (t, 0)),
            pl.BlockSpec((TM, D), lambda t: (t, 0)),
            pl.BlockSpec((OUT, D), const2),
            pl.BlockSpec((1, OUT), const2),
        ],
        out_specs=pl.BlockSpec((TM, OUT), lambda t: (t, 0)),
        out_shape=jax.ShapeDtypeStruct((N, OUT), jnp.float32),
    )(yc, z, out_w, out_b.reshape(1, OUT))



@jax.jit
def _moe(x, gate_w, W1, B1, W2, B2, W3, B3, sw1, sb1, sw2, sb2, sw3, sb3,
         out_w, out_b):
    wT, posT, te, valid = _routing(x, gate_w)
    eos = _grouped_ffn(x, posT, wT, te, valid, W1, B1, W2, B2, W3, B3)
    z = _shared(x, sw1, sb1, sw2, sb2, sw3, sb3)
    yc = _make_sc_combine()(eos, posT)
    return _final(yc, z, out_w, out_b)


def kernel(x, task_id, gate_w, W1, B1, W2, B2, W3, B3, sw1, sb1, sw2, sb2,
           sw3, sb3, out_w, out_b):
    xf = x.reshape(N, D)
    return _moe(xf, gate_w, W1, B1, W2, B2, W3, B3, sw1, sb1, sw2, sb2, sw3,
                sb3, out_w, out_b)

# --- scband reference (transcript-rebuilt; emitter-appended) ---
"""Pipeline reference for scband-mo-e-5265629905213 (READ-ONLY COPY).

The authoritative reference and input builder live on the scoring server;
editing this copy changes nothing except your own understanding.
"""

import jax, jax.numpy as jnp
import numpy as np

E = 8
TOPK = 2
N = 2048
D = 1024
I = 1024
SI = 1024
OUT = 1024
ROUTE_SCALE = 1.0


def _leaky_relu(x):
    return jnp.where(x >= 0, x, 0.01 * x)


def _xavier(k, shape):
    fan_out, fan_in = shape[-2], shape[-1]
    a = float(np.sqrt(6.0 / (fan_in + fan_out)))
    return jax.random.uniform(k, shape, jnp.float32, -a, a)


def _linear_init(k, shape):
    fan_in = shape[-1]
    a = float(1.0 / np.sqrt(fan_in))
    return jax.random.uniform(k, shape, jnp.float32, -a, a)


def setup_inputs(seed: int = 0) -> dict:
    key = jax.random.key(seed)
    ks = jax.random.split(key, 20)
    x = jax.random.normal(ks[0], (N, D), dtype=jnp.float32)
    gate_w = _xavier(ks[1], (E, D))
    W1 = _linear_init(ks[2], (E, I, D))
    B1 = _linear_init(ks[3], (E, I))
    W2 = _linear_init(ks[4], (E, D, I))
    B2 = _linear_init(ks[5], (E, D))
    W3 = _linear_init(ks[6], (E, I, D))
    B3 = _linear_init(ks[7], (E, I))
    sw1 = _linear_init(ks[8], (SI, D))
    sb1 = _linear_init(ks[9], (SI,))
    sw2 = _linear_init(ks[10], (D, SI))
    sb2 = _linear_init(ks[11], (D,))
    sw3 = _linear_init(ks[12], (SI, D))
    sb3 = _linear_init(ks[13], (SI,))
    out_w = _linear_init(ks[14], (OUT, D))
    out_b = _linear_init(ks[15], (OUT,))
    return {"x": x, "task_id": 0, "gate_w": gate_w, "W1": W1, "B1": B1, "W2": W2, "B2": B2, "W3": W3, "B3": B3, "sw1": sw1, "sb1": sb1, "sw2": sw2, "sb2": sb2, "sw3": sw3, "sb3": sb3, "out_w": out_w, "out_b": out_b}


def reference(x, task_id, gate_w, W1, B1, W2, B2, W3, B3, sw1, sb1, sw2, sb2, sw3, sb3, out_w, out_b):
    xf = x.reshape(x.shape[0], -1)
    # Gate: scores = x @ W^T (bias param exists but is unused in torch forward)
    scores = xf @ gate_w.T
    scores = jax.nn.softmax(scores.astype(jnp.float32), axis=-1)
    top_vals, top_idx = jax.lax.top_k(scores, TOPK)
    weights = (top_vals * ROUTE_SCALE).astype(xf.dtype)
    # Combine weights per (token, expert): equivalent to the masked index_add loop
    onehot = jax.nn.one_hot(top_idx, E, dtype=xf.dtype)  # [N, K, E]
    comb = jnp.einsum('nk,nke->ne', weights, onehot)      # [N, E]
    # Routed experts (dense-equivalent math): expert(x) = w2(leaky_relu(w1 x) * w3 x)
    h1 = jnp.einsum('nd,eid->nei', xf, W1) + B1[None]
    h3 = jnp.einsum('nd,eid->nei', xf, W3) + B3[None]
    h = _leaky_relu(h1) * h3
    eo = jnp.einsum('nei,edi->ned', h, W2) + B2[None]     # [N, E, D]
    y = jnp.einsum('ned,ne->nd', eo, comb)
    # Shared expert
    s1 = xf @ sw1.T + sb1
    s3 = xf @ sw3.T + sb3
    z = (_leaky_relu(s1) * s3) @ sw2.T + sb2
    out = (y + z) @ out_w.T + out_b
    return out.reshape(N, OUT)

if __name__ == "__main__":
    import jax
    _d = setup_inputs()
    print(jax.jit(kernel)(*tuple(_d.values())))

</pallas_src>

<mosaic_0001>
#map = affine_map<(d0, d1) -> (0, 0)>
module attributes {stable_mosaic.version = 14 : i64} {
  func.func @_sc_combine(%arg0: i32, %arg1: i32, %arg2: memref<6144x1024xf32, #tpu.memory_space<hbm>>, %arg3: memref<2x2048xi32, #tpu.memory_space<hbm>>, %arg4: memref<2048x1024xf32, #tpu.memory_space<hbm>>, %arg5: memref<64xi32, #tpu.memory_space<vmem>>, %arg6: memref<64x1024xf32, #tpu.memory_space<vmem>>, %arg7: memref<32x1024xf32, #tpu.memory_space<vmem>>, %arg8: memref<!tpu.dma_semaphore, #tpu.memory_space<semaphore_mem>>) attributes {dimension_semantics = [#tpu.dimension_semantics<core_parallel>, #tpu.dimension_semantics<subcore_parallel>], iteration_bounds = array<i64: 2, 16>, scalar_prefetch = 0 : i64, scratch_operands = 4 : i64, tpu.core_type = #tpu.core_type<sc_vector_subcore>, window_params = [{transform_indices = #map}, {transform_indices = #map}, {transform_indices = #map}]} {
    %mul3A = arith.constant 2 : i32
    %mul3A_0 = arith.muli %arg1, %mul3A : i32
    %add3A = arith.addi %mul3A_0, %arg0 : i32
    %mul3A_1 = arith.constant 64 : i32
    %mul3A_2 = arith.muli %add3A, %mul3A_1 : i32
    %add3A_3 = arith.constant 0 : i32
    %add3A_4 = arith.addi %mul3A_2, %add3A_3 : i32
    %run_scoped3A = arith.constant 0 : i32
    "tpu.region"() ({
      %run_scoped3A_36 = tpu.sem_alloc : memref<!tpu.dma_semaphore, #tpu.memory_space<semaphore_mem>>
      %dma_start3A_37 = arith.constant 0 : i32
      %dma_start3A_38 = tpu.memref_slice %arg5[%dma_start3A_37] : memref<64xi32, #tpu.memory_space<vmem>> -> memref<32xi32, #tpu.memory_space<vmem>>
      %dma_start3A_39 = tpu.memref_slice %arg3[%run_scoped3A, %add3A_4] : memref<2x2048xi32, #tpu.memory_space<hbm>> -> memref<1x32xi32, #tpu.memory_space<hbm>>
      %dma_start3A_40 = tpu.memref_squeeze %dma_start3A_39 : memref<1x32xi32, #tpu.memory_space<hbm>> -> memref<32xi32, #tpu.memory_space<hbm>>
      %dma_start3A_41 = arith.constant 0 : i32
      %dma_start3A_42 = tpu.memref_slice %arg5[%dma_start3A_41] : memref<64xi32, #tpu.memory_space<vmem>> -> memref<32xi32, #tpu.memory_space<vmem>>
      %dma_start3A_43 = tpu.memref_slice %arg3[%run_scoped3A, %add3A_4] : memref<2x2048xi32, #tpu.memory_space<hbm>> -> memref<1x32xi32, #tpu.memory_space<hbm>>
      %dma_start3A_44 = tpu.memref_squeeze %dma_start3A_43 : memref<1x32xi32, #tpu.memory_space<hbm>> -> memref<32xi32, #tpu.memory_space<hbm>>
      tpu.enqueue_dma source(%dma_start3A_44 : memref<32xi32, #tpu.memory_space<hbm>>) target(%dma_start3A_42 : memref<32xi32, #tpu.memory_space<vmem>>) target_semaphore(%run_scoped3A_36 : memref<!tpu.dma_semaphore, #tpu.memory_space<semaphore_mem>>)
      %dma_wait3A_45 = arith.constant 0 : i32
      %dma_wait3A_46 = tpu.memref_slice %arg5[%dma_wait3A_45] : memref<64xi32, #tpu.memory_space<vmem>> -> memref<32xi32, #tpu.memory_space<vmem>>
      %dma_wait3A_47 = tpu.memref_slice %arg3[%run_scoped3A, %add3A_4] : memref<2x2048xi32, #tpu.memory_space<hbm>> -> memref<1x32xi32, #tpu.memory_space<hbm>>
      %dma_wait3A_48 = tpu.memref_squeeze %dma_wait3A_47 : memref<1x32xi32, #tpu.memory_space<hbm>> -> memref<32xi32, #tpu.memory_space<hbm>>
      %dma_wait3A_49 = arith.constant 0 : i32
      %dma_wait3A_50 = tpu.memref_slice %arg5[%dma_wait3A_49] : memref<64xi32, #tpu.memory_space<vmem>> -> memref<32xi32, #tpu.memory_space<vmem>>
      %dma_wait3A_51 = tpu.memref_slice %arg3[%run_scoped3A, %add3A_4] : memref<2x2048xi32, #tpu.memory_space<hbm>> -> memref<1x32xi32, #tpu.memory_space<hbm>>
      %dma_wait3A_52 = tpu.memref_squeeze %dma_wait3A_51 : memref<1x32xi32, #tpu.memory_space<hbm>> -> memref<32xi32, #tpu.memory_space<hbm>>
      tpu.wait_dma2 semaphore(%run_scoped3A_36 : memref<!tpu.dma_semaphore, #tpu.memory_space<semaphore_mem>>) src(%dma_wait3A_52 : memref<32xi32, #tpu.memory_space<hbm>>) dst(%dma_wait3A_50 : memref<32xi32, #tpu.memory_space<vmem>>)
      tpu.yield
    }) : () -> ()
    %run_scoped3A_5 = arith.constant 1 : i32
    "tpu.region"() ({
      %run_scoped3A_36 = tpu.sem_alloc : memref<!tpu.dma_semaphore, #tpu.memory_space<semaphore_mem>>
      %dma_start3A_37 = arith.constant 32 : i32
      %dma_start3A_38 = tpu.memref_slice %arg5[%dma_start3A_37] : memref<64xi32, #tpu.memory_space<vmem>> -> memref<32xi32, #tpu.memory_space<vmem>>
      %dma_start3A_39 = tpu.memref_slice %arg3[%run_scoped3A_5, %add3A_4] : memref<2x2048xi32, #tpu.memory_space<hbm>> -> memref<1x32xi32, #tpu.memory_space<hbm>>
      %dma_start3A_40 = tpu.memref_squeeze %dma_start3A_39 : memref<1x32xi32, #tpu.memory_space<hbm>> -> memref<32xi32, #tpu.memory_space<hbm>>
      %dma_start3A_41 = arith.constant 32 : i32
      %dma_start3A_42 = tpu.memref_slice %arg5[%dma_start3A_41] : memref<64xi32, #tpu.memory_space<vmem>> -> memref<32xi32, #tpu.memory_space<vmem>>
      %dma_start3A_43 = tpu.memref_slice %arg3[%run_scoped3A_5, %add3A_4] : memref<2x2048xi32, #tpu.memory_space<hbm>> -> memref<1x32xi32, #tpu.memory_space<hbm>>
      %dma_start3A_44 = tpu.memref_squeeze %dma_start3A_43 : memref<1x32xi32, #tpu.memory_space<hbm>> -> memref<32xi32, #tpu.memory_space<hbm>>
      tpu.enqueue_dma source(%dma_start3A_44 : memref<32xi32, #tpu.memory_space<hbm>>) target(%dma_start3A_42 : memref<32xi32, #tpu.memory_space<vmem>>) target_semaphore(%run_scoped3A_36 : memref<!tpu.dma_semaphore, #tpu.memory_space<semaphore_mem>>)
      %dma_wait3A_45 = arith.constant 32 : i32
      %dma_wait3A_46 = tpu.memref_slice %arg5[%dma_wait3A_45] : memref<64xi32, #tpu.memory_space<vmem>> -> memref<32xi32, #tpu.memory_space<vmem>>
      %dma_wait3A_47 = tpu.memref_slice %arg3[%run_scoped3A_5, %add3A_4] : memref<2x2048xi32, #tpu.memory_space<hbm>> -> memref<1x32xi32, #tpu.memory_space<hbm>>
      %dma_wait3A_48 = tpu.memref_squeeze %dma_wait3A_47 : memref<1x32xi32, #tpu.memory_space<hbm>> -> memref<32xi32, #tpu.memory_space<hbm>>
      %dma_wait3A_49 = arith.constant 32 : i32
      %dma_wait3A_50 = tpu.memref_slice %arg5[%dma_wait3A_49] : memref<64xi32, #tpu.memory_space<vmem>> -> memref<32xi32, #tpu.memory_space<vmem>>
      %dma_wait3A_51 = tpu.memref_slice %arg3[%run_scoped3A_5, %add3A_4] : memref<2x2048xi32, #tpu.memory_space<hbm>> -> memref<1x32xi32, #tpu.memory_space<hbm>>
      %dma_wait3A_52 = tpu.memref_squeeze %dma_wait3A_51 : memref<1x32xi32, #tpu.memory_space<hbm>> -> memref<32xi32, #tpu.memory_space<hbm>>
      tpu.wait_dma2 semaphore(%run_scoped3A_36 : memref<!tpu.dma_semaphore, #tpu.memory_space<semaphore_mem>>) src(%dma_wait3A_52 : memref<32xi32, #tpu.memory_space<hbm>>) dst(%dma_wait3A_50 : memref<32xi32, #tpu.memory_space<vmem>>)
      tpu.yield
    }) : () -> ()
    %dma_start3A = arith.constant 0 : i32
    %dma_start3A_6 = arith.constant 0 : i32
    %dma_start3A_7 = tpu.memref_slice %arg2[%dma_start3A, %dma_start3A_6] : memref<6144x1024xf32, #tpu.memory_space<hbm>> -> memref<6144x1024xf32, #tpu.memory_space<hbm>>
    tpu.enqueue_indirect_dma source(%dma_start3A_7 : memref<6144x1024xf32, #tpu.memory_space<hbm>>) target(%arg6 : memref<64x1024xf32, #tpu.memory_space<vmem>>) offsets(%arg5 : memref<64xi32, #tpu.memory_space<vmem>>) semaphore(%arg8 : memref<!tpu.dma_semaphore, #tpu.memory_space<semaphore_mem>>)
    %dma_wait3A = arith.constant 0 : i32
    %dma_wait3A_8 = arith.constant 0 : i32
    %dma_wait3A_9 = tpu.memref_slice %arg2[%dma_wait3A, %dma_wait3A_8] : memref<6144x1024xf32, #tpu.memory_space<hbm>> -> memref<6144x1024xf32, #tpu.memory_space<hbm>>
    tpu.wait_indirect_dma semaphore(%arg8 : memref<!tpu.dma_semaphore, #tpu.memory_space<semaphore_mem>>) src(%dma_wait3A_9 : memref<6144x1024xf32, #tpu.memory_space<hbm>>) dst(%arg6 : memref<64x1024xf32, #tpu.memory_space<vmem>>)
    %scan3A = arith.constant 0 : i32
    %scan3A_10 = arith.constant 0 : i32
    %scan3A_11 = arith.constant 32 : i32
    %scan3A_12 = arith.addi %scan3A_10, %scan3A_11 : i32
    %scan3A_13 = arith.constant 1 : i32
    scf.for %scan3A_36 = %scan3A_10 to %scan3A_12 step %scan3A_13  : i32 {
      %get3A = arith.index_cast %scan3A_36 : i32 to index
      %get3A_37 = arith.constant 0 : index
      %get3A_38 = tpu.vector_load %arg6[%get3A, %get3A_37] {strides = array<i32>} : memref<64x1024xf32, #tpu.memory_space<vmem>>, vector<1x16xf32>,
      %get3A_39 = vector.shape_cast %get3A_38 : vector<1x16xf32> to vector<16xf32>
      %add3A_40 = arith.constant 32 : i32
      %add3A_41 = arith.addi %scan3A_36, %add3A_40 : i32
      %get3A_42 = arith.index_cast %add3A_41 : i32 to index
      %get3A_43 = arith.constant 0 : index
      %get3A_44 = tpu.vector_load %arg6[%get3A_42, %get3A_43] {strides = array<i32>} : memref<64x1024xf32, #tpu.memory_space<vmem>>, vector<1x16xf32>,
      %get3A_45 = vector.shape_cast %get3A_44 : vector<1x16xf32> to vector<16xf32>
      %add3A_46 = arith.addf %get3A_39, %get3A_45 : vector<16xf32>
      %swap3A = arith.index_cast %scan3A_36 : i32 to index
      %swap3A_47 = arith.constant 0 : index
      %swap3A_48 = tpu.vector_load %arg7[%swap3A, %swap3A_47] {strides = array<i32>} : memref<32x1024xf32, #tpu.memory_space<vmem>>, vector<1x16xf32>,
      %swap3A_49 = vector.shape_cast %swap3A_48 : vector<1x16xf32> to vector<16xf32>
      %swap3A_50 = vector.shape_cast %add3A_46 : vector<16xf32> to vector<1x16xf32>
      tpu.vector_store %arg7[%swap3A, %swap3A_47], %swap3A_50 {strides = array<i32>} : memref<32x1024xf32, #tpu.memory_space<vmem>>, vector<1x16xf32>,
      %get3A_51 = arith.index_cast %scan3A_36 : i32 to index
      %get3A_52 = arith.constant 16 : index
      %get3A_53 = tpu.vector_load %arg6[%get3A_51, %get3A_52] {strides = array<i32>} : memref<64x1024xf32, #tpu.memory_space<vmem>>, vector<1x16xf32>,
      %get3A_54 = vector.shape_cast %get3A_53 : vector<1x16xf32> to vector<16xf32>
      %add3A_55 = arith.constant 32 : i32
      %add3A_56 = arith.addi %scan3A_36, %add3A_55 : i32
      %get3A_57 = arith.index_cast %add3A_56 : i32 to index
      %get3A_58 = arith.constant 16 : index
      %get3A_59 = tpu.vector_load %arg6[%get3A_57, %get3A_58] {strides = array<i32>} : memref<64x1024xf32, #tpu.memory_space<vmem>>, vector<1x16xf32>,
      %get3A_60 = vector.shape_cast %get3A_59 : vector<1x16xf32> to vector<16xf32>
      %add3A_61 = arith.addf %get3A_54, %get3A_60 : vector<16xf32>
      %swap3A_62 = arith.index_cast %scan3A_36 : i32 to index
      %swap3A_63 = arith.constant 16 : index
      %swap3A_64 = tpu.vector_load %arg7[%swap3A_62, %swap3A_63] {strides = array<i32>} : memref<32x1024xf32, #tpu.memory_space<vmem>>, vector<1x16xf32>,
      %swap3A_65 = vector.shape_cast %swap3A_64 : vector<1x16xf32> to vector<16xf32>
      %swap3A_66 = vector.shape_cast %add3A_61 : vector<16xf32> to vector<1x16xf32>
      tpu.vector_store %arg7[%swap3A_62, %swap3A_63], %swap3A_66 {strides = array<i32>} : memref<32x1024xf32, #tpu.memory_space<vmem>>, vector<1x16xf32>,
      %get3A_67 = arith.index_cast %scan3A_36 : i32 to index
      %get3A_68 = arith.constant 32 : index
      %get3A_69 = tpu.vector_load %arg6[%get3A_67, %get3A_68] {strides = array<i32>} : memref<64x1024xf32, #tpu.memory_space<vmem>>, vector<1x16xf32>,
      %get3A_70 = vector.shape_cast %get3A_69 : vector<1x16xf32> to vector<16xf32>
      %add3A_71 = arith.constant 32 : i32
      %add3A_72 = arith.addi %scan3A_36, %add3A_71 : i32
      %get3A_73 = arith.index_cast %add3A_72 : i32 to index
      %get3A_74 = arith.constant 32 : index
      %get3A_75 = tpu.vector_load %arg6[%get3A_73, %get3A_74] {strides = array<i32>} : memref<64x1024xf32, #tpu.memory_space<vmem>>, vector<1x16xf32>,
      %get3A_76 = vector.shape_cast %get3A_75 : vector<1x16xf32> to vector<16xf32>
      %add3A_77 = arith.addf %get3A_70, %get3A_76 : vector<16xf32>
      %swap3A_78 = arith.index_cast %scan3A_36 : i32 to index
      %swap3A_79 = arith.constant 32 : index
      %swap3A_80 = tpu.vector_load %arg7[%swap3A_78, %swap3A_79] {strides = array<i32>} : memref<32x1024xf32, #tpu.memory_space<vmem>>, vector<1x16xf32>,
      %swap3A_81 = vector.shape_cast %swap3A_80 : vector<1x16xf32> to vector<16xf32>
      %swap3A_82 = vector.shape_cast %add3A_77 : vector<16xf32> to vector<1x16xf32>
      tpu.vector_store %arg7[%swap3A_78, %swap3A_79], %swap3A_82 {strides = array<i32>} : memref<32x1024xf32, #tpu.memory_space<vmem>>, vector<1x16xf32>,
      %get3A_83 = arith.index_cast %scan3A_36 : i32 to index
      %get3A_84 = arith.constant 48 : index
      %get3A_85 = tpu.vector_load %arg6[%get3A_83, %get3A_84] {strides = array<i32>} : memref<64x1024xf32, #tpu.memory_space<vmem>>, vector<1x16xf32>,
      %get3A_86 = vector.shape_cast %get3A_85 : vector<1x16xf32> to vector<16xf32>
      %add3A_87 = arith.constant 32 : i32
      %add3A_88 = arith.addi %scan3A_36, %add3A_87 : i32
      %get3A_89 = arith.index_cast %add3A_88 : i32 to index
      %get3A_90 = arith.constant 48 : index
      %get3A_91 = tpu.vector_load %arg6[%get3A_89, %get3A_90] {strides = array<i32>} : memref<64x1024xf32, #tpu.memory_space<vmem>>, vector<1x16xf32>,
      %get3A_92 = vector.shape_cast %get3A_91 : vector<1x16xf32> to vector<16xf32>
      %add3A_93 = arith.addf %get3A_86, %get3A_92 : vector<16xf32>
      %swap3A_94 = arith.index_cast %scan3A_36 : i32 to index
      %swap3A_95 = arith.constant 48 : index
      %swap3A_96 = tpu.vector_load %arg7[%swap3A_94, %swap3A_95] {strides = array<i32>} : memref<32x1024xf32, #tpu.memory_space<vmem>>, vector<1x16xf32>,
      %swap3A_97 = vector.shape_cast %swap3A_96 : vector<1x16xf32> to vector<16xf32>
      %swap3A_98 = vector.shape_cast %add3A_93 : vector<16xf32> to vector<1x16xf32>
      tpu.vector_store %arg7[%swap3A_94, %swap3A_95], %swap3A_98 {strides = array<i32>} : memref<32x1024xf32, #tpu.memory_space<vmem>>, vector<1x16xf32>,
      %get3A_99 = arith.index_cast %scan3A_36 : i32 to index
      %get3A_100 = arith.constant 64 : index
      %get3A_101 = tpu.vector_load %arg6[%get3A_99, %get3A_100] {strides = array<i32>} : memref<64x1024xf32, #tpu.memory_space<vmem>>, vector<1x16xf32>,
      %get3A_102 = vector.shape_cast %get3A_101 : vector<1x16xf32> to vector<16xf32>
      %add3A_103 = arith.constant 32 : i32
      %add3A_104 = arith.addi %scan3A_36, %add3A_103 : i32
      %get3A_105 = arith.index_cast %add3A_104 : i32 to index
      %get3A_106 = arith.constant 64 : index
      %get3A_107 = tpu.vector_load %arg6[%get3A_105, %get3A_106] {strides = array<i32>} : memref<64x1024xf32, #tpu.memory_space<vmem>>, vector<1x16xf32>,
      %get3A_108 = vector.shape_cast %get3A_107 : vector<1x16xf32> to vector<16xf32>
      %add3A_109 = arith.addf %get3A_102, %get3A_108 : vector<16xf32>
      %swap3A_110 = arith.index_cast %scan3A_36 : i32 to index
      %swap3A_111 = arith.constant 64 : index
      %swap3A_112 = tpu.vector_load %arg7[%swap3A_110, %swap3A_111] {strides = array<i32>} : memref<32x1024xf32, #tpu.memory_space<vmem>>, vector<1x16xf32>,
      %swap3A_113 = vector.shape_cast %swap3A_112 : vector<1x16xf32> to vector<16xf32>
      %swap3A_114 = vector.shape_cast %add3A_109 : vector<16xf32> to vector<1x16xf32>
      tpu.vector_store %arg7[%swap3A_110, %swap3A_111], %swap3A_114 {strides = array<i32>} : memref<32x1024xf32, #tpu.memory_space<vmem>>, vector<1x16xf32>,
      %get3A_115 = arith.index_cast %scan3A_36 : i32 to index
      %get3A_116 = arith.constant 80 : index
      %get3A_117 = tpu.vector_load %arg6[%get3A_115, %get3A_116] {strides = array<i32>} : memref<64x1024xf32, #tpu.memory_space<vmem>>, vector<1x16xf32>,
      %get3A_118 = vector.shape_cast %get3A_117 : vector<1x16xf32> to vector<16xf32>
      %add3A_119 = arith.constant 32 : i32
      %add3A_120 = arith.addi %scan3A_36, %add3A_119 : i32
      %get3A_121 = arith.index_cast %add3A_120 : i32 to index
      %get3A_122 = arith.constant 80 : index
      %get3A_123 = tpu.vector_load %arg6[%get3A_121, %get3A_122] {strides = array<i32>} : memref<64x1024xf32, #tpu.memory_space<vmem>>, vector<1x16xf32>,
      %get3A_124 = vector.shape_cast %get3A_123 : vector<1x16xf32> to vector<16xf32>
      %add3A_125 = arith.addf %get3A_118, %get3A_124 : vector<16xf32>
      %swap3A_126 = arith.index_cast %scan3A_36 : i32 to index
      %swap3A_127 = arith.constant 80 : index
      %swap3A_128 = tpu.vector_load %arg7[%swap3A_126, %swap3A_127] {strides = array<i32>} : memref<32x1024xf32, #tpu.memory_space<vmem>>, vector<1x16xf32>,
      %swap3A_129 = vector.shape_cast %swap3A_128 : vector<1x16xf32> to vector<16xf32>
      %swap3A_130 = vector.shape_cast %add3A_125 : vector<16xf32> to vector<1x16xf32>
      tpu.vector_store %arg7[%swap3A_126, %swap3A_127], %swap3A_130 {strides = array<i32>} : memref<32x1024xf32, #tpu.memory_space<vmem>>, vector<1x16xf32>,
      %get3A_131 = arith.index_cast %scan3A_36 : i32 to index
      %get3A_132 = arith.constant 96 : index
      %get3A_133 = tpu.vector_load %arg6[%get3A_131, %get3A_132] {strides = array<i32>} : memref<64x1024xf32, #tpu.memory_space<vmem>>, vector<1x16xf32>,
      %get3A_134 = vector.shape_cast %get3A_133 : vector<1x16xf32> to vector<16xf32>
      %add3A_135 = arith.constant 32 : i32
      %add3A_136 = arith.addi %scan3A_36, %add3A_135 : i32
      %get3A_137 = arith.index_cast %add3A_136 : i32 to index
      %get3A_138 = arith.constant 96 : index
      %get3A_139 = tpu.vector_load %arg6[%get3A_137, %get3A_138] {strides = array<i32>} : memref<64x1024xf32, #tpu.memory_space<vmem>>, vector<1x16xf32>,
      %get3A_140 = vector.shape_cast %get3A_139 : vector<1x16xf32> to vector<16xf32>
      %add3A_141 = arith.addf %get3A_134, %get3A_140 : vector<16xf32>
      %swap3A_142 = arith.index_cast %scan3A_36 : i32 to index
      %swap3A_143 = arith.constant 96 : index
      %swap3A_144 = tpu.vector_load %arg7[%swap3A_142, %swap3A_143] {strides = array<i32>} : memref<32x1024xf32, #tpu.memory_space<vmem>>, vector<1x16xf32>,
      %swap3A_145 = vector.shape_cast %swap3A_144 : vector<1x16xf32> to vector<16xf32>
      %swap3A_146 = vector.shape_cast %add3A_141 : vector<16xf32> to vector<1x16xf32>
      tpu.vector_store %arg7[%swap3A_142, %swap3A_143], %swap3A_146 {strides = array<i32>} : memref<32x1024xf32, #tpu.memory_space<vmem>>, vector<1x16xf32>,
      %get3A_147 = arith.index_cast %scan3A_36 : i32 to index
      %get3A_148 = arith.constant 112 : index
      %get3A_149 = tpu.vector_load %arg6[%get3A_147, %get3A_148] {strides = array<i32>} : memref<64x1024xf32, #tpu.memory_space<vmem>>, vector<1x16xf32>,
      %get3A_150 = vector.shape_cast %get3A_149 : vector<1x16xf32> to vector<16xf32>
      %add3A_151 = arith.constant 32 : i32
      %add3A_152 = arith.addi %scan3A_36, %add3A_151 : i32
      %get3A_153 = arith.index_cast %add3A_152 : i32 to index
      %get3A_154 = arith.constant 112 : index
      %get3A_155 = tpu.vector_load %arg6[%get3A_153, %get3A_154] {strides = array<i32>} : memref<64x1024xf32, #tpu.memory_space<vmem>>, vector<1x16xf32>,
      %get3A_156 = vector.shape_cast %get3A_155 : vector<1x16xf32> to vector<16xf32>
      %add3A_157 = arith.addf %get3A_150, %get3A_156 : vector<16xf32>
      %swap3A_158 = arith.index_cast %scan3A_36 : i32 to index
      %swap3A_159 = arith.constant 112 : index
      %swap3A_160 = tpu.vector_load %arg7[%swap3A_158, %swap3A_159] {strides = array<i32>} : memref<32x1024xf32, #tpu.memory_space<vmem>>, vector<1x16xf32>,
      %swap3A_161 = vector.shape_cast %swap3A_160 : vector<1x16xf32> to vector<16xf32>
      %swap3A_162 = vector.shape_cast %add3A_157 : vector<16xf32> to vector<1x16xf32>
      tpu.vector_store %arg7[%swap3A_158, %swap3A_159], %swap3A_162 {strides = array<i32>} : memref<32x1024xf32, #tpu.memory_space<vmem>>, vector<1x16xf32>,
      %get3A_163 = arith.index_cast %scan3A_36 : i32 to index
      %get3A_164 = arith.constant 128 : index
      %get3A_165 = tpu.vector_load %arg6[%get3A_163, %get3A_164] {strides = array<i32>} : memref<64x1024xf32, #tpu.memory_space<vmem>>, vector<1x16xf32>,
      %get3A_166 = vector.shape_cast %get3A_165 : vector<1x16xf32> to vector<16xf32>
      %add3A_167 = arith.constant 32 : i32
      %add3A_168 = arith.addi %scan3A_36, %add3A_167 : i32
      %get3A_169 = arith.index_cast %add3A_168 : i32 to index
      %get3A_170 = arith.constant 128 : index
      %get3A_171 = tpu.vector_load %arg6[%get3A_169, %get3A_170] {strides = array<i32>} : memref<64x1024xf32, #tpu.memory_space<vmem>>, vector<1x16xf32>,
      %get3A_172 = vector.shape_cast %get3A_171 : vector<1x16xf32> to vector<16xf32>
      %add3A_173 = arith.addf %get3A_166, %get3A_172 : vector<16xf32>
      %swap3A_174 = arith.index_cast %scan3A_36 : i32 to index
      %swap3A_175 = arith.constant 128 : index
      %swap3A_176 = tpu.vector_load %arg7[%swap3A_174, %swap3A_175] {strides = array<i32>} : memref<32x1024xf32, #tpu.memory_space<vmem>>, vector<1x16xf32>,
      %swap3A_177 = vector.shape_cast %swap3A_176 : vector<1x16xf32> to vector<16xf32>
      %swap3A_178 = vector.shape_cast %add3A_173 : vector<16xf32> to vector<1x16xf32>
      tpu.vector_store %arg7[%swap3A_174, %swap3A_175], %swap3A_178 {strides = array<i32>} : memref<32x1024xf32, #tpu.memory_space<vmem>>, vector<1x16xf32>,
      %get3A_179 = arith.index_cast %scan3A_36 : i32 to index
      %get3A_180 = arith.constant 144 : index
      %get3A_181 = tpu.vector_load %arg6[%get3A_179, %get3A_180] {strides = array<i32>} : memref<64x1024xf32, #tpu.memory_space<vmem>>, vector<1x16xf32>,
      %get3A_182 = vector.shape_cast %get3A_181 : vector<1x16xf32> to vector<16xf32>
      %add3A_183 = arith.constant 32 : i32
      %add3A_184 = arith.addi %scan3A_36, %add3A_183 : i32
      %get3A_185 = arith.index_cast %add3A_184 : i32 to index
      %get3A_186 = arith.constant 144 : index
      %get3A_187 = tpu.vector_load %arg6[%get3A_185, %get3A_186] {strides = array<i32>} : memref<64x1024xf32, #tpu.memory_space<vmem>>, vector<1x16xf32>,
      %get3A_188 = vector.shape_cast %get3A_187 : vector<1x16xf32> to vector<16xf32>
      %add3A_189 = arith.addf %get3A_182, %get3A_188 : vector<16xf32>
      %swap3A_190 = arith.index_cast %scan3A_36 : i32 to index
      %swap3A_191 = arith.constant 144 : index
      %swap3A_192 = tpu.vector_load %arg7[%swap3A_190, %swap3A_191] {strides = array<i32>} : memref<32x1024xf32, #tpu.memory_space<vmem>>, vector<1x16xf32>,
      %swap3A_193 = vector.shape_cast %swap3A_192 : vector<1x16xf32> to vector<16xf32>
      %swap3A_194 = vector.shape_cast %add3A_189 : vector<16xf32> to vector<1x16xf32>
      tpu.vector_store %arg7[%swap3A_190, %swap3A_191], %swap3A_194 {strides = array<i32>} : memref<32x1024xf32, #tpu.memory_space<vmem>>, vector<1x16xf32>,
      %get3A_195 = arith.index_cast %scan3A_36 : i32 to index
      %get3A_196 = arith.constant 160 : index
      %get3A_197 = tpu.vector_load %arg6[%get3A_195, %get3A_196] {strides = array<i32>} : memref<64x1024xf32, #tpu.memory_space<vmem>>, vector<1x16xf32>,
      %get3A_198 = vector.shape_cast %get3A_197 : vector<1x16xf32> to vector<16xf32>
      %add3A_199 = arith.constant 32 : i32
      %add3A_200 = arith.addi %scan3A_36, %add3A_199 : i32
      %get3A_201 = arith.index_cast %add3A_200 : i32 to index
      %get3A_202 = arith.constant 160 : index
      %get3A_203 = tpu.vector_load %arg6[%get3A_201, %get3A_202] {strides = array<i32>} : memref<64x1024xf32, #tpu.memory_space<vmem>>, vector<1x16xf32>,
      %get3A_204 = vector.shape_cast %get3A_203 : vector<1x16xf32> to vector<16xf32>
      %add3A_205 = arith.addf %get3A_198, %get3A_204 : vector<16xf32>
      %swap3A_206 = arith.index_cast %scan3A_36 : i32 to index
      %swap3A_207 = arith.constant 160 : index
      %swap3A_208 = tpu.vector_load %arg7[%swap3A_206, %swap3A_207] {strides = array<i32>} : memref<32x1024xf32, #tpu.memory_space<vmem>>, vector<1x16xf32>,
      %swap3A_209 = vector.shape_cast %swap3A_208 : vector<1x16xf32> to vector<16xf32>
      %swap3A_210 = vector.shape_cast %add3A_205 : vector<16xf32> to vector<1x16xf32>
      tpu.vector_store %arg7[%swap3A_206, %swap3A_207], %swap3A_210 {strides = array<i32>} : memref<32x1024xf32, #tpu.memory_space<vmem>>, vector<1x16xf32>,
      %get3A_211 = arith.index_cast %scan3A_36 : i32 to index
      %get3A_212 = arith.constant 176 : index
      %get3A_213 = tpu.vector_load %arg6[%get3A_211, %get3A_212] {strides = array<i32>} : memref<64x1024xf32, #tpu.memory_space<vmem>>, vector<1x16xf32>,
      %get3A_214 = vector.shape_cast %get3A_213 : vector<1x16xf32> to vector<16xf32>
      %add3A_215 = arith.constant 32 : i32
      %add3A_216 = arith.addi %scan3A_36, %add3A_215 : i32
      %get3A_217 = arith.index_cast %add3A_216 : i32 to index
      %get3A_218 = arith.constant 176 : index
      %get3A_219 = tpu.vector_load %arg6[%get3A_217, %get3A_218] {strides = array<i32>} : memref<64x1024xf32, #tpu.memory_space<vmem>>, vector<1x16xf32>,
      %get3A_220 = vector.shape_cast %get3A_219 : vector<1x16xf32> to vector<16xf32>
      %add3A_221 = arith.addf %get3A_214, %get3A_220 : vector<16xf32>
      %swap3A_222 = arith.index_cast %scan3A_36 : i32 to index
      %swap3A_223 = arith.constant 176 : index
      %swap3A_224 = tpu.vector_load %arg7[%swap3A_222, %swap3A_223] {strides = array<i32>} : memref<32x1024xf32, #tpu.memory_space<vmem>>, vector<1x16xf32>,
      %swap3A_225 = vector.shape_cast %swap3A_224 : vector<1x16xf32> to vector<16xf32>
      %swap3A_226 = vector.shape_cast %add3A_221 : vector<16xf32> to vector<1x16xf32>
      tpu.vector_store %arg7[%swap3A_222, %swap3A_223], %swap3A_226 {strides = array<i32>} : memref<32x1024xf32, #tpu.memory_space<vmem>>, vector<1x16xf32>,
      %get3A_227 = arith.index_cast %scan3A_36 : i32 to index
      %get3A_228 = arith.constant 192 : index
      %get3A_229 = tpu.vector_load %arg6[%get3A_227, %get3A_228] {strides = array<i32>} : memref<64x1024xf32, #tpu.memory_space<vmem>>, vector<1x16xf32>,
      %get3A_230 = vector.shape_cast %get3A_229 : vector<1x16xf32> to vector<16xf32>
      %add3A_231 = arith.constant 32 : i32
      %add3A_232 = arith.addi %scan3A_36, %add3A_231 : i32
      %get3A_233 = arith.index_cast %add3A_232 : i32 to index
      %get3A_234 = arith.constant 192 : index
      %get3A_235 = tpu.vector_load %arg6[%get3A_233, %get3A_234] {strides = array<i32>} : memref<64x1024xf32, #tpu.memory_space<vmem>>, vector<1x16xf32>,
      %get3A_236 = vector.shape_cast %get3A_235 : vector<1x16xf32> to vector<16xf32>
      %add3A_237 = arith.addf %get3A_230, %get3A_236 : vector<16xf32>
      %swap3A_238 = arith.index_cast %scan3A_36 : i32 to index
      %swap3A_239 = arith.constant 192 : index
      %swap3A_240 = tpu.vector_load %arg7[%swap3A_238, %swap3A_239] {strides = array<i32>} : memref<32x1024xf32, #tpu.memory_space<vmem>>, vector<1x16xf32>,
      %swap3A_241 = vector.shape_cast %swap3A_240 : vector<1x16xf32> to vector<16xf32>
      %swap3A_242 = vector.shape_cast %add3A_237 : vector<16xf32> to vector<1x16xf32>
      tpu.vector_store %arg7[%swap3A_238, %swap3A_239], %swap3A_242 {strides = array<i32>} : memref<32x1024xf32, #tpu.memory_space<vmem>>, vector<1x16xf32>,
      %get3A_243 = arith.index_cast %scan3A_36 : i32 to index
      %get3A_244 = arith.constant 208 : index
      %get3A_245 = tpu.vector_load %arg6[%get3A_243, %get3A_244] {strides = array<i32>} : memref<64x1024xf32, #tpu.memory_space<vmem>>, vector<1x16xf32>,
      %get3A_246 = vector.shape_cast %get3A_245 : vector<1x16xf32> to vector<16xf32>
      %add3A_247 = arith.constant 32 : i32
      %add3A_248 = arith.addi %scan3A_36, %add3A_247 : i32
      %get3A_249 = arith.index_cast %add3A_248 : i32 to index
      %get3A_250 = arith.constant 208 : index
      %get3A_251 = tpu.vector_load %arg6[%get3A_249, %get3A_250] {strides = array<i32>} : memref<64x1024xf32, #tpu.memory_space<vmem>>, vector<1x16xf32>,
      %get3A_252 = vector.shape_cast %get3A_251 : vector<1x16xf32> to vector<16xf32>
      %add3A_253 = arith.addf %get3A_246, %get3A_252 : vector<16xf32>
      %swap3A_254 = arith.index_cast %scan3A_36 : i32 to index
      %swap3A_255 = arith.constant 208 : index
      %swap3A_256 = tpu.vector_load %arg7[%swap3A_254, %swap3A_255] {strides = array<i32>} : memref<32x1024xf32, #tpu.memory_space<vmem>>, vector<1x16xf32>,
      %swap3A_257 = vector.shape_cast %swap3A_256 : vector<1x16xf32> to vector<16xf32>
      %swap3A_258 = vector.shape_cast %add3A_253 : vector<16xf32> to vector<1x16xf32>
      tpu.vector_store %arg7[%swap3A_254, %swap3A_255], %swap3A_258 {strides = array<i32>} : memref<32x1024xf32, #tpu.memory_space<vmem>>, vector<1x16xf32>,
      %get3A_259 = arith.index_cast %scan3A_36 : i32 to index
      %get3A_260 = arith.constant 224 : index
      %get3A_261 = tpu.vector_load %arg6[%get3A_259, %get3A_260] {strides = array<i32>} : memref<64x1024xf32, #tpu.memory_space<vmem>>, vector<1x16xf32>,
      %get3A_262 = vector.shape_cast %get3A_261 : vector<1x16xf32> to vector<16xf32>
      %add3A_263 = arith.constant 32 : i32
      %add3A_264 = arith.addi %scan3A_36, %add3A_263 : i32
      %get3A_265 = arith.index_cast %add3A_264 : i32 to index
      %get3A_266 = arith.constant 224 : index
      %get3A_267 = tpu.vector_load %arg6[%get3A_265, %get3A_266] {strides = array<i32>} : memref<64x1024xf32, #tpu.memory_space<vmem>>, vector<1x16xf32>,
      %get3A_268 = vector.shape_cast %get3A_267 : vector<1x16xf32> to vector<16xf32>
      %add3A_269 = arith.addf %get3A_262, %get3A_268 : vector<16xf32>
      %swap3A_270 = arith.index_cast %scan3A_36 : i32 to index
      %swap3A_271 = arith.constant 224 : index
      %swap3A_272 = tpu.vector_load %arg7[%swap3A_270, %swap3A_271] {strides = array<i32>} : memref<32x1024xf32, #tpu.memory_space<vmem>>, vector<1x16xf32>,
      %swap3A_273 = vector.shape_cast %swap3A_272 : vector<1x16xf32> to vector<16xf32>
      %swap3A_274 = vector.shape_cast %add3A_269 : vector<16xf32> to vector<1x16xf32>
      tpu.vector_store %arg7[%swap3A_270, %swap3A_271], %swap3A_274 {strides = array<i32>} : memref<32x1024xf32, #tpu.memory_space<vmem>>, vector<1x16xf32>,
      %get3A_275 = arith.index_cast %scan3A_36 : i32 to index
      %get3A_276 = arith.constant 240 : index
      %get3A_277 = tpu.vector_load %arg6[%get3A_275, %get3A_276] {strides = array<i32>} : memref<64x1024xf32, #tpu.memory_space<vmem>>, vector<1x16xf32>,
      %get3A_278 = vector.shape_cast %get3A_277 : vector<1x16xf32> to vector<16xf32>
      %add3A_279 = arith.constant 32 : i32
      %add3A_280 = arith.addi %scan3A_36, %add3A_279 : i32
      %get3A_281 = arith.index_cast %add3A_280 : i32 to index
      %get3A_282 = arith.constant 240 : index
      %get3A_283 = tpu.vector_load %arg6[%get3A_281, %get3A_282] {strides = array<i32>} : memref<64x1024xf32, #tpu.memory_space<vmem>>, vector<1x16xf32>,
      %get3A_284 = vector.shape_cast %get3A_283 : vector<1x16xf32> to vector<16xf32>
      %add3A_285 = arith.addf %get3A_278, %get3A_284 : vector<16xf32>
      %swap3A_286 = arith.index_cast %scan3A_36 : i32 to index
      %swap3A_287 = arith.constant 240 : index
      %swap3A_288 = tpu.vector_load %arg7[%swap3A_286, %swap3A_287] {strides = array<i32>} : memref<32x1024xf32, #tpu.memory_space<vmem>>, vector<1x16xf32>,
      %swap3A_289 = vector.shape_cast %swap3A_288 : vector<1x16xf32> to vector<16xf32>
      %swap3A_290 = vector.shape_cast %add3A_285 : vector<16xf32> to vector<1x16xf32>
      tpu.vector_store %arg7[%swap3A_286, %swap3A_287], %swap3A_290 {strides = array<i32>} : memref<32x1024xf32, #tpu.memory_space<vmem>>, vector<1x16xf32>,
      %get3A_291 = arith.index_cast %scan3A_36 : i32 to index
      %get3A_292 = arith.constant 256 : index
      %get3A_293 = tpu.vector_load %arg6[%get3A_291, %get3A_292] {strides = array<i32>} : memref<64x1024xf32, #tpu.memory_space<vmem>>, vector<1x16xf32>,
      %get3A_294 = vector.shape_cast %get3A_293 : vector<1x16xf32> to vector<16xf32>
      %add3A_295 = arith.constant 32 : i32
      %add3A_296 = arith.addi %scan3A_36, %add3A_295 : i32
      %get3A_297 = arith.index_cast %add3A_296 : i32 to index
      %get3A_298 = arith.constant 256 : index
      %get3A_299 = tpu.vector_load %arg6[%get3A_297, %get3A_298] {strides = array<i32>} : memref<64x1024xf32, #tpu.memory_space<vmem>>, vector<1x16xf32>,
      %get3A_300 = vector.shape_cast %get3A_299 : vector<1x16xf32> to vector<16xf32>
      %add3A_301 = arith.addf %get3A_294, %get3A_300 : vector<16xf32>
      %swap3A_302 = arith.index_cast %scan3A_36 : i32 to index
      %swap3A_303 = arith.constant 256 : index
      %swap3A_304 = tpu.vector_load %arg7[%swap3A_302, %swap3A_303] {strides = array<i32>} : memref<32x1024xf32, #tpu.memory_space<vmem>>, vector<1x16xf32>,
      %swap3A_305 = vector.shape_cast %swap3A_304 : vector<1x16xf32> to vector<16xf32>
      %swap3A_306 = vector.shape_cast %add3A_301 : vector<16xf32> to vector<1x16xf32>
      tpu.vector_store %arg7[%swap3A_302, %swap3A_303], %swap3A_306 {strides = array<i32>} : memref<32x1024xf32, #tpu.memory_space<vmem>>, vector<1x16xf32>,
      %get3A_307 = arith.index_cast %scan3A_36 : i32 to index
      %get3A_308 = arith.constant 272 : index
      %get3A_309 = tpu.vector_load %arg6[%get3A_307, %get3A_308] {strides = array<i32>} : memref<64x1024xf32, #tpu.memory_space<vmem>>, vector<1x16xf32>,
      %get3A_310 = vector.shape_cast %get3A_309 : vector<1x16xf32> to vector<16xf32>
      %add3A_311 = arith.constant 32 : i32
      %add3A_312 = arith.addi %scan3A_36, %add3A_311 : i32
      %get3A_313 = arith.index_cast %add3A_312 : i32 to index
      %get3A_314 = arith.constant 272 : index
      %get3A_315 = tpu.vector_load %arg6[%get3A_313, %get3A_314] {strides = array<i32>} : memref<64x1024xf32, #tpu.memory_space<vmem>>, vector<1x16xf32>,
      %get3A_316 = vector.shape_cast %get3A_315 : vector<1x16xf32> to vector<16xf32>
      %add3A_317 = arith.addf %get3A_310, %get3A_316 : vector<16xf32>
      %swap3A_318 = arith.index_cast %scan3A_36 : i32 to index
      %swap3A_319 = arith.constant 272 : index
      %swap3A_320 = tpu.vector_load %arg7[%swap3A_318, %swap3A_319] {strides = array<i32>} : memref<32x1024xf32, #tpu.memory_space<vmem>>, vector<1x16xf32>,
      %swap3A_321 = vector.shape_cast %swap3A_320 : vector<1x16xf32> to vector<16xf32>
      %swap3A_322 = vector.shape_cast %add3A_317 : vector<16xf32> to vector<1x16xf32>
      tpu.vector_store %arg7[%swap3A_318, %swap3A_319], %swap3A_322 {strides = array<i32>} : memref<32x1024xf32, #tpu.memory_space<vmem>>, vector<1x16xf32>,
      %get3A_323 = arith.index_cast %scan3A_36 : i32 to index
      %get3A_324 = arith.constant 288 : index
      %get3A_325 = tpu.vector_load %arg6[%get3A_323, %get3A_324] {strides = array<i32>} : memref<64x1024xf32, #tpu.memory_space<vmem>>, vector<1x16xf32>,
      %get3A_326 = vector.shape_cast %get3A_325 : vector<1x16xf32> to vector<16xf32>
      %add3A_327 = arith.constant 32 : i32
      %add3A_328 = arith.addi %scan3A_36, %add3A_327 : i32
      %get3A_329 = arith.index_cast %add3A_328 : i32 to index
      %get3A_330 = arith.constant 288 : index
      %get3A_331 = tpu.vector_load %arg6[%get3A_329, %get3A_330] {strides = array<i32>} : memref<64x1024xf32, #tpu.memory_space<vmem>>, vector<1x16xf32>,
      %get3A_332 = vector.shape_cast %get3A_331 : vector<1x16xf32> to vector<16xf32>
      %add3A_333 = arith.addf %get3A_326, %get3A_332 : vector<16xf32>
      %swap3A_334 = arith.index_cast %scan3A_36 : i32 to index
      %swap3A_335 = arith.constant 288 : index
      %swap3A_336 = tpu.vector_load %arg7[%swap3A_334, %swap3A_335] {strides = array<i32>} : memref<32x1024xf32, #tpu.memory_space<vmem>>, vector<1x16xf32>,
      %swap3A_337 = vector.shape_cast %swap3A_336 : vector<1x16xf32> to vector<16xf32>
      %swap3A_338 = vector.shape_cast %add3A_333 : vector<16xf32> to vector<1x16xf32>
      tpu.vector_store %arg7[%swap3A_334, %swap3A_335], %swap3A_338 {strides = array<i32>} : memref<32x1024xf32, #tpu.memory_space<vmem>>, vector<1x16xf32>,
      %get3A_339 = arith.index_cast %scan3A_36 : i32 to index
      %get3A_340 = arith.constant 304 : index
      %get3A_341 = tpu.vector_load %arg6[%get3A_339, %get3A_340] {strides = array<i32>} : memref<64x1024xf32, #tpu.memory_space<vmem>>, vector<1x16xf32>,
      %get3A_342 = vector.shape_cast %get3A_341 : vector<1x16xf32> to vector<16xf32>
      %add3A_343 = arith.constant 32 : i32
      %add3A_344 = arith.addi %scan3A_36, %add3A_343 : i32
      %get3A_345 = arith.index_cast %add3A_344 : i32 to index
      %get3A_346 = arith.constant 304 : index
      %get3A_347 = tpu.vector_load %arg6[%get3A_345, %get3A_346] {strides = array<i32>} : memref<64x1024xf32, #tpu.memory_space<vmem>>, vector<1x16xf32>,
      %get3A_348 = vector.shape_cast %get3A_347 : vector<1x16xf32> to vector<16xf32>
      %add3A_349 = arith.addf %get3A_342, %get3A_348 : vector<16xf32>
      %swap3A_350 = arith.index_cast %scan3A_36 : i32 to index
      %swap3A_351 = arith.constant 304 : index
      %swap3A_352 = tpu.vector_load %arg7[%swap3A_350, %swap3A_351] {strides = array<i32>} : memref<32x1024xf32, #tpu.memory_space<vmem>>, vector<1x16xf32>,
      %swap3A_353 = vector.shape_cast %swap3A_352 : vector<1x16xf32> to vector<16xf32>
      %swap3A_354 = vector.shape_cast %add3A_349 : vector<16xf32> to vector<1x16xf32>
      tpu.vector_store %arg7[%swap3A_350, %swap3A_351], %swap3A_354 {strides = array<i32>} : memref<32x1024xf32, #tpu.memory_space<vmem>>, vector<1x16xf32>,
      %get3A_355 = arith.index_cast %scan3A_36 : i32 to index
      %get3A_356 = arith.constant 320 : index
      %get3A_357 = tpu.vector_load %arg6[%get3A_355, %get3A_356] {strides = array<i32>} : memref<64x1024xf32, #tpu.memory_space<vmem>>, vector<1x16xf32>,
      %get3A_358 = vector.shape_cast %get3A_357 : vector<1x16xf32> to vector<16xf32>
      %add3A_359 = arith.constant 32 : i32
      %add3A_360 = arith.addi %scan3A_36, %add3A_359 : i32
      %get3A_361 = arith.index_cast %add3A_360 : i32 to index
      %get3A_362 = arith.constant 320 : index
      %get3A_363 = tpu.vector_load %arg6[%get3A_361, %get3A_362] {strides = array<i32>} : memref<64x1024xf32, #tpu.memory_space<vmem>>, vector<1x16xf32>,
      %get3A_364 = vector.shape_cast %get3A_363 : vector<1x16xf32> to vector<16xf32>
      %add3A_365 = arith.addf %get3A_358, %get3A_364 : vector<16xf32>
      %swap3A_366 = arith.index_cast %scan3A_36 : i32 to index
      %swap3A_367 = arith.constant 320 : index
      %swap3A_368 = tpu.vector_load %arg7[%swap3A_366, %swap3A_367] {strides = array<i32>} : memref<32x1024xf32, #tpu.memory_space<vmem>>, vector<1x16xf32>,
      %swap3A_369 = vector.shape_cast %swap3A_368 : vector<1x16xf32> to vector<16xf32>
      %swap3A_370 = vector.shape_cast %add3A_365 : vector<16xf32> to vector<1x16xf32>
      tpu.vector_store %arg7[%swap3A_366, %swap3A_367], %swap3A_370 {strides = array<i32>} : memref<32x1024xf32, #tpu.memory_space<vmem>>, vector<1x16xf32>,
      %get3A_371 = arith.index_cast %scan3A_36 : i32 to index
      %get3A_372 = arith.constant 336 : index
      %get3A_373 = tpu.vector_load %arg6[%get3A_371, %get3A_372] {strides = array<i32>} : memref<64x1024xf32, #tpu.memory_space<vmem>>, vector<1x16xf32>,
      %get3A_374 = vector.shape_cast %get3A_373 : vector<1x16xf32> to vector<16xf32>
      %add3A_375 = arith.constant 32 : i32
      %add3A_376 = arith.addi %scan3A_36, %add3A_375 : i32
      %get3A_377 = arith.index_cast %add3A_376 : i32 to index
      %get3A_378 = arith.constant 336 : index
      %get3A_379 = tpu.vector_load %arg6[%get3A_377, %get3A_378] {strides = array<i32>} : memref<64x1024xf32, #tpu.memory_space<vmem>>, vector<1x16xf32>,
      %get3A_380 = vector.shape_cast %get3A_379 : vector<1x16xf32> to vector<16xf32>
      %add3A_381 = arith.addf %get3A_374, %get3A_380 : vector<16xf32>
      %swap3A_382 = arith.index_cast %scan3A_36 : i32 to index
      %swap3A_383 = arith.constant 336 : index
      %swap3A_384 = tpu.vector_load %arg7[%swap3A_382, %swap3A_383] {strides = array<i32>} : memref<32x1024xf32, #tpu.memory_space<vmem>>, vector<1x16xf32>,
      %swap3A_385 = vector.shape_cast %swap3A_384 : vector<1x16xf32> to vector<16xf32>
      %swap3A_386 = vector.shape_cast %add3A_381 : vector<16xf32> to vector<1x16xf32>
      tpu.vector_store %arg7[%swap3A_382, %swap3A_383], %swap3A_386 {strides = array<i32>} : memref<32x1024xf32, #tpu.memory_space<vmem>>, vector<1x16xf32>,
      %get3A_387 = arith.index_cast %scan3A_36 : i32 to index
      %get3A_388 = arith.constant 352 : index
      %get3A_389 = tpu.vector_load %arg6[%get3A_387, %get3A_388] {strides = array<i32>} : memref<64x1024xf32, #tpu.memory_space<vmem>>, vector<1x16xf32>,
      %get3A_390 = vector.shape_cast %get3A_389 : vector<1x16xf32> to vector<16xf32>
      %add3A_391 = arith.constant 32 : i32
      %add3A_392 = arith.addi %scan3A_36, %add3A_391 : i32
      %get3A_393 = arith.index_cast %add3A_392 : i32 to index
      %get3A_394 = arith.constant 352 : index
      %get3A_395 = tpu.vector_load %arg6[%get3A_393, %get3A_394] {strides = array<i32>} : memref<64x1024xf32, #tpu.memory_space<vmem>>, vector<1x16xf32>,
      %get3A_396 = vector.shape_cast %get3A_395 : vector<1x16xf32> to vector<16xf32>
      %add3A_397 = arith.addf %get3A_390, %get3A_396 : vector<16xf32>
      %swap3A_398 = arith.index_cast %scan3A_36 : i32 to index
      %swap3A_399 = arith.constant 352 : index
      %swap3A_400 = tpu.vector_load %arg7[%swap3A_398, %swap3A_399] {strides = array<i32>} : memref<32x1024xf32, #tpu.memory_space<vmem>>, vector<1x16xf32>,
      %swap3A_401 = vector.shape_cast %swap3A_400 : vector<1x16xf32> to vector<16xf32>
      %swap3A_402 = vector.shape_cast %add3A_397 : vector<16xf32> to vector<1x16xf32>
      tpu.vector_store %arg7[%swap3A_398, %swap3A_399], %swap3A_402 {strides = array<i32>} : memref<32x1024xf32, #tpu.memory_space<vmem>>, vector<1x16xf32>,
      %get3A_403 = arith.index_cast %scan3A_36 : i32 to index
      %get3A_404 = arith.constant 368 : index
      %get3A_405 = tpu.vector_load %arg6[%get3A_403, %get3A_404] {strides = array<i32>} : memref<64x1024xf32, #tpu.memory_space<vmem>>, vector<1x16xf32>,
      %get3A_406 = vector.shape_cast %get3A_405 : vector<1x16xf32> to vector<16xf32>
      %add3A_407 = arith.constant 32 : i32
      %add3A_408 = arith.addi %scan3A_36, %add3A_407 : i32
      %get3A_409 = arith.index_cast %add3A_408 : i32 to index
      %get3A_410 = arith.constant 368 : index
      %get3A_411 = tpu.vector_load %arg6[%get3A_409, %get3A_410] {strides = array<i32>} : memref<64x1024xf32, #tpu.memory_space<vmem>>, vector<1x16xf32>,
      %get3A_412 = vector.shape_cast %get3A_411 : vector<1x16xf32> to vector<16xf32>
      %add3A_413 = arith.addf %get3A_406, %get3A_412 : vector<16xf32>
      %swap3A_414 = arith.index_cast %scan3A_36 : i32 to index
      %swap3A_415 = arith.constant 368 : index
      %swap3A_416 = tpu.vector_load %arg7[%swap3A_414, %swap3A_415] {strides = array<i32>} : memref<32x1024xf32, #tpu.memory_space<vmem>>, vector<1x16xf32>,
      %swap3A_417 = vector.shape_cast %swap3A_416 : vector<1x16xf32> to vector<16xf32>
      %swap3A_418 = vector.shape_cast %add3A_413 : vector<16xf32> to vector<1x16xf32>
      tpu.vector_store %arg7[%swap3A_414, %swap3A_415], %swap3A_418 {strides = array<i32>} : memref<32x1024xf32, #tpu.memory_space<vmem>>, vector<1x16xf32>,
      %get3A_419 = arith.index_cast %scan3A_36 : i32 to index
      %get3A_420 = arith.constant 384 : index
      %get3A_421 = tpu.vector_load %arg6[%get3A_419, %get3A_420] {strides = array<i32>} : memref<64x1024xf32, #tpu.memory_space<vmem>>, vector<1x16xf32>,
      %get3A_422 = vector.shape_cast %get3A_421 : vector<1x16xf32> to vector<16xf32>
      %add3A_423 = arith.constant 32 : i32
      %add3A_424 = arith.addi %scan3A_36, %add3A_423 : i32
      %get3A_425 = arith.index_cast %add3A_424 : i32 to index
      %get3A_426 = arith.constant 384 : index
      %get3A_427 = tpu.vector_load %arg6[%get3A_425, %get3A_426] {strides = array<i32>} : memref<64x1024xf32, #tpu.memory_space<vmem>>, vector<1x16xf32>,
      %get3A_428 = vector.shape_cast %get3A_427 : vector<1x16xf32> to vector<16xf32>
      %add3A_429 = arith.addf %get3A_422, %get3A_428 : vector<16xf32>
      %swap3A_430 = arith.index_cast %scan3A_36 : i32 to index
      %swap3A_431 = arith.constant 384 : index
      %swap3A_432 = tpu.vector_load %arg7[%swap3A_430, %swap3A_431] {strides = array<i32>} : memref<32x1024xf32, #tpu.memory_space<vmem>>, vector<1x16xf32>,
      %swap3A_433 = vector.shape_cast %swap3A_432 : vector<1x16xf32> to vector<16xf32>
      %swap3A_434 = vector.shape_cast %add3A_429 : vector<16xf32> to vector<1x16xf32>
      tpu.vector_store %arg7[%swap3A_430, %swap3A_431], %swap3A_434 {strides = array<i32>} : memref<32x1024xf32, #tpu.memory_space<vmem>>, vector<1x16xf32>,
      %get3A_435 = arith.index_cast %scan3A_36 : i32 to index
      %get3A_436 = arith.constant 400 : index
      %get3A_437 = tpu.vector_load %arg6[%get3A_435, %get3A_436] {strides = array<i32>} : memref<64x1024xf32, #tpu.memory_space<vmem>>, vector<1x16xf32>,
      %get3A_438 = vector.shape_cast %get3A_437 : vector<1x16xf32> to vector<16xf32>
      %add3A_439 = arith.constant 32 : i32
      %add3A_440 = arith.addi %scan3A_36, %add3A_439 : i32
      %get3A_441 = arith.index_cast %add3A_440 : i32 to index
      %get3A_442 = arith.constant 400 : index
      %get3A_443 = tpu.vector_load %arg6[%get3A_441, %get3A_442] {strides = array<i32>} : memref<64x1024xf32, #tpu.memory_space<vmem>>, vector<1x16xf32>,
      %get3A_444 = vector.shape_cast %get3A_443 : vector<1x16xf32> to vector<16xf32>
      %add3A_445 = arith.addf %get3A_438, %get3A_444 : vector<16xf32>
      %swap3A_446 = arith.index_cast %scan3A_36 : i32 to index
      %swap3A_447 = arith.constant 400 : index
      %swap3A_448 = tpu.vector_load %arg7[%swap3A_446, %swap3A_447] {strides = array<i32>} : memref<32x1024xf32, #tpu.memory_space<vmem>>, vector<1x16xf32>,
      %swap3A_449 = vector.shape_cast %swap3A_448 : vector<1x16xf32> to vector<16xf32>
      %swap3A_450 = vector.shape_cast %add3A_445 : vector<16xf32> to vector<1x16xf32>
      tpu.vector_store %arg7[%swap3A_446, %swap3A_447], %swap3A_450 {strides = array<i32>} : memref<32x1024xf32, #tpu.memory_space<vmem>>, vector<1x16xf32>,
      %get3A_451 = arith.index_cast %scan3A_36 : i32 to index
      %get3A_452 = arith.constant 416 : index
      %get3A_453 = tpu.vector_load %arg6[%get3A_451, %get3A_452] {strides = array<i32>} : memref<64x1024xf32, #tpu.memory_space<vmem>>, vector<1x16xf32>,
      %get3A_454 = vector.shape_cast %get3A_453 : vector<1x16xf32> to vector<16xf32>
      %add3A_455 = arith.constant 32 : i32
      %add3A_456 = arith.addi %scan3A_36, %add3A_455 : i32
      %get3A_457 = arith.index_cast %add3A_456 : i32 to index
      %get3A_458 = arith.constant 416 : index
      %get3A_459 = tpu.vector_load %arg6[%get3A_457, %get3A_458] {strides = array<i32>} : memref<64x1024xf32, #tpu.memory_space<vmem>>, vector<1x16xf32>,
      %get3A_460 = vector.shape_cast %get3A_459 : vector<1x16xf32> to vector<16xf32>
      %add3A_461 = arith.addf %get3A_454, %get3A_460 : vector<16xf32>
      %swap3A_462 = arith.index_cast %scan3A_36 : i32 to index
      %swap3A_463 = arith.constant 416 : index
      %swap3A_464 = tpu.vector_load %arg7[%swap3A_462, %swap3A_463] {strides = array<i32>} : memref<32x1024xf32, #tpu.memory_space<vmem>>, vector<1x16xf32>,
      %swap3A_465 = vector.shape_cast %swap3A_464 : vector<1x16xf32> to vector<16xf32>
      %swap3A_466 = vector.shape_cast %add3A_461 : vector<16xf32> to vector<1x16xf32>
      tpu.vector_store %arg7[%swap3A_462, %swap3A_463], %swap3A_466 {strides = array<i32>} : memref<32x1024xf32, #tpu.memory_space<vmem>>, vector<1x16xf32>,
      %get3A_467 = arith.index_cast %scan3A_36 : i32 to index
      %get3A_468 = arith.constant 432 : index
      %get3A_469 = tpu.vector_load %arg6[%get3A_467, %get3A_468] {strides = array<i32>} : memref<64x1024xf32, #tpu.memory_space<vmem>>, vector<1x16xf32>,
      %get3A_470 = vector.shape_cast %get3A_469 : vector<1x16xf32> to vector<16xf32>
      %add3A_471 = arith.constant 32 : i32
      %add3A_472 = arith.addi %scan3A_36, %add3A_471 : i32
      %get3A_473 = arith.index_cast %add3A_472 : i32 to index
      %get3A_474 = arith.constant 432 : index
      %get3A_475 = tpu.vector_load %arg6[%get3A_473, %get3A_474] {strides = array<i32>} : memref<64x1024xf32, #tpu.memory_space<vmem>>, vector<1x16xf32>,
      %get3A_476 = vector.shape_cast %get3A_475 : vector<1x16xf32> to vector<16xf32>
      %add3A_477 = arith.addf %get3A_470, %get3A_476 : vector<16xf32>
      %swap3A_478 = arith.index_cast %scan3A_36 : i32 to index
      %swap3A_479 = arith.constant 432 : index
      %swap3A_480 = tpu.vector_load %arg7[%swap3A_478, %swap3A_479] {strides = array<i32>} : memref<32x1024xf32, #tpu.memory_space<vmem>>, vector<1x16xf32>,
      %swap3A_481 = vector.shape_cast %swap3A_480 : vector<1x16xf32> to vector<16xf32>
      %swap3A_482 = vector.shape_cast %add3A_477 : vector<16xf32> to vector<1x16xf32>
      tpu.vector_store %arg7[%swap3A_478, %swap3A_479], %swap3A_482 {strides = array<i32>} : memref<32x1024xf32, #tpu.memory_space<vmem>>, vector<1x16xf32>,
      %get3A_483 = arith.index_cast %scan3A_36 : i32 to index
      %get3A_484 = arith.constant 448 : index
      %get3A_485 = tpu.vector_load %arg6[%get3A_483, %get3A_484] {strides = array<i32>} : memref<64x1024xf32, #tpu.memory_space<vmem>>, vector<1x16xf32>,
      %get3A_486 = vector.shape_cast %get3A_485 : vector<1x16xf32> to vector<16xf32>
      %add3A_487 = arith.constant 32 : i32
      %add3A_488 = arith.addi %scan3A_36, %add3A_487 : i32
      %get3A_489 = arith.index_cast %add3A_488 : i32 to index
      %get3A_490 = arith.constant 448 : index
      %get3A_491 = tpu.vector_load %arg6[%get3A_489, %get3A_490] {strides = array<i32>} : memref<64x1024xf32, #tpu.memory_space<vmem>>, vector<1x16xf32>,
      %get3A_492 = vector.shape_cast %get3A_491 : vector<1x16xf32> to vector<16xf32>
      %add3A_493 = arith.addf %get3A_486, %get3A_492 : vector<16xf32>
      %swap3A_494 = arith.index_cast %scan3A_36 : i32 to index
      %swap3A_495 = arith.constant 448 : index
      %swap3A_496 = tpu.vector_load %arg7[%swap3A_494, %swap3A_495] {strides = array<i32>} : memref<32x1024xf32, #tpu.memory_space<vmem>>, vector<1x16xf32>,
      %swap3A_497 = vector.shape_cast %swap3A_496 : vector<1x16xf32> to vector<16xf32>
      %swap3A_498 = vector.shape_cast %add3A_493 : vector<16xf32> to vector<1x16xf32>
      tpu.vector_store %arg7[%swap3A_494, %swap3A_495], %swap3A_498 {strides = array<i32>} : memref<32x1024xf32, #tpu.memory_space<vmem>>, vector<1x16xf32>,
      %get3A_499 = arith.index_cast %scan3A_36 : i32 to index
      %get3A_500 = arith.constant 464 : index
      %get3A_501 = tpu.vector_load %arg6[%get3A_499, %get3A_500] {strides = array<i32>} : memref<64x1024xf32, #tpu.memory_space<vmem>>, vector<1x16xf32>,
      %get3A_502 = vector.shape_cast %get3A_501 : vector<1x16xf32> to vector<16xf32>
      %add3A_503 = arith.constant 32 : i32
      %add3A_504 = arith.addi %scan3A_36, %add3A_503 : i32
      %get3A_505 = arith.index_cast %add3A_504 : i32 to index
      %get3A_506 = arith.constant 464 : index
      %get3A_507 = tpu.vector_load %arg6[%get3A_505, %get3A_506] {strides = array<i32>} : memref<64x1024xf32, #tpu.memory_space<vmem>>, vector<1x16xf32>,
      %get3A_508 = vector.shape_cast %get3A_507 : vector<1x16xf32> to vector<16xf32>
      %add3A_509 = arith.addf %get3A_502, %get3A_508 : vector<16xf32>
      %swap3A_510 = arith.index_cast %scan3A_36 : i32 to index
      %swap3A_511 = arith.constant 464 : index
      %swap3A_512 = tpu.vector_load %arg7[%swap3A_510, %swap3A_511] {strides = array<i32>} : memref<32x1024xf32, #tpu.memory_space<vmem>>, vector<1x16xf32>,
      %swap3A_513 = vector.shape_cast %swap3A_512 : vector<1x16xf32> to vector<16xf32>
      %swap3A_514 = vector.shape_cast %add3A_509 : vector<16xf32> to vector<1x16xf32>
      tpu.vector_store %arg7[%swap3A_510, %swap3A_511], %swap3A_514 {strides = array<i32>} : memref<32x1024xf32, #tpu.memory_space<vmem>>, vector<1x16xf32>,
      %get3A_515 = arith.index_cast %scan3A_36 : i32 to index
      %get3A_516 = arith.constant 480 : index
      %get3A_517 = tpu.vector_load %arg6[%get3A_515, %get3A_516] {strides = array<i32>} : memref<64x1024xf32, #tpu.memory_space<vmem>>, vector<1x16xf32>,
      %get3A_518 = vector.shape_cast %get3A_517 : vector<1x16xf32> to vector<16xf32>
      %add3A_519 = arith.constant 32 : i32
      %add3A_520 = arith.addi %scan3A_36, %add3A_519 : i32
      %get3A_521 = arith.index_cast %add3A_520 : i32 to index
      %get3A_522 = arith.constant 480 : index
      %get3A_523 = tpu.vector_load %arg6[%get3A_521, %get3A_522] {strides = array<i32>} : memref<64x1024xf32, #tpu.memory_space<vmem>>, vector<1x16xf32>,
      %get3A_524 = vector.shape_cast %get3A_523 : vector<1x16xf32> to vector<16xf32>
      %add3A_525 = arith.addf %get3A_518, %get3A_524 : vector<16xf32>
      %swap3A_526 = arith.index_cast %scan3A_36 : i32 to index
      %swap3A_527 = arith.constant 480 : index
      %swap3A_528 = tpu.vector_load %arg7[%swap3A_526, %swap3A_527] {strides = array<i32>} : memref<32x1024xf32, #tpu.memory_space<vmem>>, vector<1x16xf32>,
      %swap3A_529 = vector.shape_cast %swap3A_528 : vector<1x16xf32> to vector<16xf32>
      %swap3A_530 = vector.shape_cast %add3A_525 : vector<16xf32> to vector<1x16xf32>
      tpu.vector_store %arg7[%swap3A_526, %swap3A_527], %swap3A_530 {strides = array<i32>} : memref<32x1024xf32, #tpu.memory_space<vmem>>, vector<1x16xf32>,
      %get3A_531 = arith.index_cast %scan3A_36 : i32 to index
      %get3A_532 = arith.constant 496 : index
      %get3A_533 = tpu.vector_load %arg6[%get3A_531, %get3A_532] {strides = array<i32>} : memref<64x1024xf32, #tpu.memory_space<vmem>>, vector<1x16xf32>,
      %get3A_534 = vector.shape_cast %get3A_533 : vector<1x16xf32> to vector<16xf32>
      %add3A_535 = arith.constant 32 : i32
      %add3A_536 = arith.addi %scan3A_36, %add3A_535 : i32
      %get3A_537 = arith.index_cast %add3A_536 : i32 to index
      %get3A_538 = arith.constant 496 : index
      %get3A_539 = tpu.vector_load %arg6[%get3A_537, %get3A_538] {strides = array<i32>} : memref<64x1024xf32, #tpu.memory_space<vmem>>, vector<1x16xf32>,
      %get3A_540 = vector.shape_cast %get3A_539 : vector<1x16xf32> to vector<16xf32>
      %add3A_541 = arith.addf %get3A_534, %get3A_540 : vector<16xf32>
      %swap3A_542 = arith.index_cast %scan3A_36 : i32 to index
      %swap3A_543 = arith.constant 496 : index
      %swap3A_544 = tpu.vector_load %arg7[%swap3A_542, %swap3A_543] {strides = array<i32>} : memref<32x1024xf32, #tpu.memory_space<vmem>>, vector<1x16xf32>,
      %swap3A_545 = vector.shape_cast %swap3A_544 : vector<1x16xf32> to vector<16xf32>
      %swap3A_546 = vector.shape_cast %add3A_541 : vector<16xf32> to vector<1x16xf32>
      tpu.vector_store %arg7[%swap3A_542, %swap3A_543], %swap3A_546 {strides = array<i32>} : memref<32x1024xf32, #tpu.memory_space<vmem>>, vector<1x16xf32>,
      %get3A_547 = arith.index_cast %scan3A_36 : i32 to index
      %get3A_548 = arith.constant 512 : index
      %get3A_549 = tpu.vector_load %arg6[%get3A_547, %get3A_548] {strides = array<i32>} : memref<64x1024xf32, #tpu.memory_space<vmem>>, vector<1x16xf32>,
      %get3A_550 = vector.shape_cast %get3A_549 : vector<1x16xf32> to vector<16xf32>
      %add3A_551 = arith.constant 32 : i32
      %add3A_552 = arith.addi %scan3A_36, %add3A_551 : i32
      %get3A_553 = arith.index_cast %add3A_552 : i32 to index
      %get3A_554 = arith.constant 512 : index
      %get3A_555 = tpu.vector_load %arg6[%get3A_553, %get3A_554] {strides = array<i32>} : memref<64x1024xf32, #tpu.memory_space<vmem>>, vector<1x16xf32>,
      %get3A_556 = vector.shape_cast %get3A_555 : vector<1x16xf32> to vector<16xf32>
      %add3A_557 = arith.addf %get3A_550, %get3A_556 : vector<16xf32>
      %swap3A_558 = arith.index_cast %scan3A_36 : i32 to index
      %swap3A_559 = arith.constant 512 : index
      %swap3A_560 = tpu.vector_load %arg7[%swap3A_558, %swap3A_559] {strides = array<i32>} : memref<32x1024xf32, #tpu.memory_space<vmem>>, vector<1x16xf32>,
      %swap3A_561 = vector.shape_cast %swap3A_560 : vector<1x16xf32> to vector<16xf32>
      %swap3A_562 = vector.shape_cast %add3A_557 : vector<16xf32> to vector<1x16xf32>
      tpu.vector_store %arg7[%swap3A_558, %swap3A_559], %swap3A_562 {strides = array<i32>} : memref<32x1024xf32, #tpu.memory_space<vmem>>, vector<1x16xf32>,
      %get3A_563 = arith.index_cast %scan3A_36 : i32 to index
      %get3A_564 = arith.constant 528 : index
      %get3A_565 = tpu.vector_load %arg6[%get3A_563, %get3A_564] {strides = array<i32>} : memref<64x1024xf32, #tpu.memory_space<vmem>>, vector<1x16xf32>,
      %get3A_566 = vector.shape_cast %get3A_565 : vector<1x16xf32> to vector<16xf32>
      %add3A_567 = arith.constant 32 : i32
      %add3A_568 = arith.addi %scan3A_36, %add3A_567 : i32
      %get3A_569 = arith.index_cast %add3A_568 : i32 to index
      %get3A_570 = arith.constant 528 : index
      %get3A_571 = tpu.vector_load %arg6[%get3A_569, %get3A_570] {strides = array<i32>} : memref<64x1024xf32, #tpu.memory_space<vmem>>, vector<1x16xf32>,
      %get3A_572 = vector.shape_cast %get3A_571 : vector<1x16xf32> to vector<16xf32>
      %add3A_573 = arith.addf %get3A_566, %get3A_572 : vector<16xf32>
      %swap3A_574 = arith.index_cast %scan3A_36 : i32 to index
      %swap3A_575 = arith.constant 528 : index
      %swap3A_576 = tpu.vector_load %arg7[%swap3A_574, %swap3A_575] {strides = array<i32>} : memref<32x1024xf32, #tpu.memory_space<vmem>>, vector<1x16xf32>,
      %swap3A_577 = vector.shape_cast %swap3A_576 : vector<1x16xf32> to vector<16xf32>
      %swap3A_578 = vector.shape_cast %add3A_573 : vector<16xf32> to vector<1x16xf32>
      tpu.vector_store %arg7[%swap3A_574, %swap3A_575], %swap3A_578 {strides = array<i32>} : memref<32x1024xf32, #tpu.memory_space<vmem>>, vector<1x16xf32>,
      %get3A_579 = arith.index_cast %scan3A_36 : i32 to index
      %get3A_580 = arith.constant 544 : index
      %get3A_581 = tpu.vector_load %arg6[%get3A_579, %get3A_580] {strides = array<i32>} : memref<64x1024xf32, #tpu.memory_space<vmem>>, vector<1x16xf32>,
      %get3A_582 = vector.shape_cast %get3A_581 : vector<1x16xf32> to vector<16xf32>
      %add3A_583 = arith.constant 32 : i32
      %add3A_584 = arith.addi %scan3A_36, %add3A_583 : i32
      %get3A_585 = arith.index_cast %add3A_584 : i32 to index
      %get3A_586 = arith.constant 544 : index
      %get3A_587 = tpu.vector_load %arg6[%get3A_585, %get3A_586] {strides = array<i32>} : memref<64x1024xf32, #tpu.memory_space<vmem>>, vector<1x16xf32>,
      %get3A_588 = vector.shape_cast %get3A_587 : vector<1x16xf32> to vector<16xf32>
      %add3A_589 = arith.addf %get3A_582, %get3A_588 : vector<16xf32>
      %swap3A_590 = arith.index_cast %scan3A_36 : i32 to index
      %swap3A_591 = arith.constant 544 : index
      %swap3A_592 = tpu.vector_load %arg7[%swap3A_590, %swap3A_591] {strides = array<i32>} : memref<32x1024xf32, #tpu.memory_space<vmem>>, vector<1x16xf32>,
      %swap3A_593 = vector.shape_cast %swap3A_592 : vector<1x16xf32> to vector<16xf32>
      %swap3A_594 = vector.shape_cast %add3A_589 : vector<16xf32> to vector<1x16xf32>
      tpu.vector_store %arg7[%swap3A_590, %swap3A_591], %swap3A_594 {strides = array<i32>} : memref<32x1024xf32, #tpu.memory_space<vmem>>, vector<1x16xf32>,
      %get3A_595 = arith.index_cast %scan3A_36 : i32 to index
      %get3A_596 = arith.constant 560 : index
      %get3A_597 = tpu.vector_load %arg6[%get3A_595, %get3A_596] {strides = array<i32>} : memref<64x1024xf32, #tpu.memory_space<vmem>>, vector<1x16xf32>,
      %get3A_598 = vector.shape_cast %get3A_597 : vector<1x16xf32> to vector<16xf32>
      %add3A_599 = arith.constant 32 : i32
      %add3A_600 = arith.addi %scan3A_36, %add3A_599 : i32
      %get3A_601 = arith.index_cast %add3A_600 : i32 to index
      %get3A_602 = arith.constant 560 : index
      %get3A_603 = tpu.vector_load %arg6[%get3A_601, %get3A_602] {strides = array<i32>} : memref<64x1024xf32, #tpu.memory_space<vmem>>, vector<1x16xf32>,
      %get3A_604 = vector.shape_cast %get3A_603 : vector<1x16xf32> to vector<16xf32>
      %add3A_605 = arith.addf %get3A_598, %get3A_604 : vector<16xf32>
      %swap3A_606 = arith.index_cast %scan3A_36 : i32 to index
      %swap3A_607 = arith.constant 560 : index
      %swap3A_608 = tpu.vector_load %arg7[%swap3A_606, %swap3A_607] {strides = array<i32>} : memref<32x1024xf32, #tpu.memory_space<vmem>>, vector<1x16xf32>,
      %swap3A_609 = vector.shape_cast %swap3A_608 : vector<1x16xf32> to vector<16xf32>
      %swap3A_610 = vector.shape_cast %add3A_605 : vector<16xf32> to vector<1x16xf32>
      tpu.vector_store %arg7[%swap3A_606, %swap3A_607], %swap3A_610 {strides = array<i32>} : memref<32x1024xf32, #tpu.memory_space<vmem>>, vector<1x16xf32>,
      %get3A_611 = arith.index_cast %scan3A_36 : i32 to index
      %get3A_612 = arith.constant 576 : index
      %get3A_613 = tpu.vector_load %arg6[%get3A_611, %get3A_612] {strides = array<i32>} : memref<64x1024xf32, #tpu.memory_space<vmem>>, vector<1x16xf32>,
      %get3A_614 = vector.shape_cast %get3A_613 : vector<1x16xf32> to vector<16xf32>
      %add3A_615 = arith.constant 32 : i32
      %add3A_616 = arith.addi %scan3A_36, %add3A_615 : i32
      %get3A_617 = arith.index_cast %add3A_616 : i32 to index
      %get3A_618 = arith.constant 576 : index
      %get3A_619 = tpu.vector_load %arg6[%get3A_617, %get3A_618] {strides = array<i32>} : memref<64x1024xf32, #tpu.memory_space<vmem>>, vector<1x16xf32>,
      %get3A_620 = vector.shape_cast %get3A_619 : vector<1x16xf32> to vector<16xf32>
      %add3A_621 = arith.addf %get3A_614, %get3A_620 : vector<16xf32>
      %swap3A_622 = arith.index_cast %scan3A_36 : i32 to index
      %swap3A_623 = arith.constant 576 : index
      %swap3A_624 = tpu.vector_load %arg7[%swap3A_622, %swap3A_623] {strides = array<i32>} : memref<32x1024xf32, #tpu.memory_space<vmem>>, vector<1x16xf32>,
      %swap3A_625 = vector.shape_cast %swap3A_624 : vector<1x16xf32> to vector<16xf32>
      %swap3A_626 = vector.shape_cast %add3A_621 : vector<16xf32> to vector<1x16xf32>
      tpu.vector_store %arg7[%swap3A_622, %swap3A_623], %swap3A_626 {strides = array<i32>} : memref<32x1024xf32, #tpu.memory_space<vmem>>, vector<1x16xf32>,
      %get3A_627 = arith.index_cast %scan3A_36 : i32 to index
      %get3A_628 = arith.constant 592 : index
      %get3A_629 = tpu.vector_load %arg6[%get3A_627, %get3A_628] {strides = array<i32>} : memref<64x1024xf32, #tpu.memory_space<vmem>>, vector<1x16xf32>,
      %get3A_630 = vector.shape_cast %get3A_629 : vector<1x16xf32> to vector<16xf32>
      %add3A_631 = arith.constant 32 : i32
      %add3A_632 = arith.addi %scan3A_36, %add3A_631 : i32
      %get3A_633 = arith.index_cast %add3A_632 : i32 to index
      %get3A_634 = arith.constant 592 : index
      %get3A_635 = tpu.vector_load %arg6[%get3A_633, %get3A_634] {strides = array<i32>} : memref<64x1024xf32, #tpu.memory_space<vmem>>, vector<1x16xf32>,
      %get3A_636 = vector.shape_cast %get3A_635 : vector<1x16xf32> to vector<16xf32>
      %add3A_637 = arith.addf %get3A_630, %get3A_636 : vector<16xf32>
      %swap3A_638 = arith.index_cast %scan3A_36 : i32 to index
      %swap3A_639 = arith.constant 592 : index
      %swap3A_640 = tpu.vector_load %arg7[%swap3A_638, %swap3A_639] {strides = array<i32>} : memref<32x1024xf32, #tpu.memory_space<vmem>>, vector<1x16xf32>,
      %swap3A_641 = vector.shape_cast %swap3A_640 : vector<1x16xf32> to vector<16xf32>
      %swap3A_642 = vector.shape_cast %add3A_637 : vector<16xf32> to vector<1x16xf32>
      tpu.vector_store %arg7[%swap3A_638, %swap3A_639], %swap3A_642 {strides = array<i32>} : memref<32x1024xf32, #tpu.memory_space<vmem>>, vector<1x16xf32>,
      %get3A_643 = arith.index_cast %scan3A_36 : i32 to index
      %get3A_644 = arith.constant 608 : index
      %get3A_645 = tpu.vector_load %arg6[%get3A_643, %get3A_644] {strides = array<i32>} : memref<64x1024xf32, #tpu.memory_space<vmem>>, vector<1x16xf32>,
      %get3A_646 = vector.shape_cast %get3A_645 : vector<1x16xf32> to vector<16xf32>
      %add3A_647 = arith.constant 32 : i32
      %add3A_648 = arith.addi %scan3A_36, %add3A_647 : i32
      %get3A_649 = arith.index_cast %add3A_648 : i32 to index
      %get3A_650 = arith.constant 608 : index
      %get3A_651 = tpu.vector_load %arg6[%get3A_649, %get3A_650] {strides = array<i32>} : memref<64x1024xf32, #tpu.memory_space<vmem>>, vector<1x16xf32>,
      %get3A_652 = vector.shape_cast %get3A_651 : vector<1x16xf32> to vector<16xf32>
      %add3A_653 = arith.addf %get3A_646, %get3A_652 : vector<16xf32>
      %swap3A_654 = arith.index_cast %scan3A_36 : i32 to index
      %swap3A_655 = arith.constant 608 : index
      %swap3A_656 = tpu.vector_load %arg7[%swap3A_654, %swap3A_655] {strides = array<i32>} : memref<32x1024xf32, #tpu.memory_space<vmem>>, vector<1x16xf32>,
      %swap3A_657 = vector.shape_cast %swap3A_656 : vector<1x16xf32> to vector<16xf32>
      %swap3A_658 = vector.shape_cast %add3A_653 : vector<16xf32> to vector<1x16xf32>
      tpu.vector_store %arg7[%swap3A_654, %swap3A_655], %swap3A_658 {strides = array<i32>} : memref<32x1024xf32, #tpu.memory_space<vmem>>, vector<1x16xf32>,
      %get3A_659 = arith.index_cast %scan3A_36 : i32 to index
      %get3A_660 = arith.constant 624 : index
      %get3A_661 = tpu.vector_load %arg6[%get3A_659, %get3A_660] {strides = array<i32>} : memref<64x1024xf32, #tpu.memory_space<vmem>>, vector<1x16xf32>,
      %get3A_662 = vector.shape_cast %get3A_661 : vector<1x16xf32> to vector<16xf32>
      %add3A_663 = arith.constant 32 : i32
      %add3A_664 = arith.addi %scan3A_36, %add3A_663 : i32
      %get3A_665 = arith.index_cast %add3A_664 : i32 to index
      %get3A_666 = arith.constant 624 : index
      %get3A_667 = tpu.vector_load %arg6[%get3A_665, %get3A_666] {strides = array<i32>} : memref<64x1024xf32, #tpu.memory_space<vmem>>, vector<1x16xf32>,
      %get3A_668 = vector.shape_cast %get3A_667 : vector<1x16xf32> to vector<16xf32>
      %add3A_669 = arith.addf %get3A_662, %get3A_668 : vector<16xf32>
      %swap3A_670 = arith.index_cast %scan3A_36 : i32 to index
      %swap3A_671 = arith.constant 624 : index
      %swap3A_672 = tpu.vector_load %arg7[%swap3A_670, %swap3A_671] {strides = array<i32>} : memref<32x1024xf32, #tpu.memory_space<vmem>>, vector<1x16xf32>,
      %swap3A_673 = vector.shape_cast %swap3A_672 : vector<1x16xf32> to vector<16xf32>
      %swap3A_674 = vector.shape_cast %add3A_669 : vector<16xf32> to vector<1x16xf32>
      tpu.vector_store %arg7[%swap3A_670, %swap3A_671], %swap3A_674 {strides = array<i32>} : memref<32x1024xf32, #tpu.memory_space<vmem>>, vector<1x16xf32>,
      %get3A_675 = arith.index_cast %scan3A_36 : i32 to index
      %get3A_676 = arith.constant 640 : index
      %get3A_677 = tpu.vector_load %arg6[%get3A_675, %get3A_676] {strides = array<i32>} : memref<64x1024xf32, #tpu.memory_space<vmem>>, vector<1x16xf32>,
      %get3A_678 = vector.shape_cast %get3A_677 : vector<1x16xf32> to vector<16xf32>
      %add3A_679 = arith.constant 32 : i32
      %add3A_680 = arith.addi %scan3A_36, %add3A_679 : i32
      %get3A_681 = arith.index_cast %add3A_680 : i32 to index
      %get3A_682 = arith.constant 640 : index
      %get3A_683 = tpu.vector_load %arg6[%get3A_681, %get3A_682] {strides = array<i32>} : memref<64x1024xf32, #tpu.memory_space<vmem>>, vector<1x16xf32>,
      %get3A_684 = vector.shape_cast %get3A_683 : vector<1x16xf32> to vector<16xf32>
      %add3A_685 = arith.addf %get3A_678, %get3A_684 : vector<16xf32>
      %swap3A_686 = arith.index_cast %scan3A_36 : i32 to index
      %swap3A_687 = arith.constant 640 : index
      %swap3A_688 = tpu.vector_load %arg7[%swap3A_686, %swap3A_687] {strides = array<i32>} : memref<32x1024xf32, #tpu.memory_space<vmem>>, vector<1x16xf32>,
      %swap3A_689 = vector.shape_cast %swap3A_688 : vector<1x16xf32> to vector<16xf32>
      %swap3A_690 = vector.shape_cast %add3A_685 : vector<16xf32> to vector<1x16xf32>
      tpu.vector_store %arg7[%swap3A_686, %swap3A_687], %swap3A_690 {strides = array<i32>} : memref<32x1024xf32, #tpu.memory_space<vmem>>, vector<1x16xf32>,
      %get3A_691 = arith.index_cast %scan3A_36 : i32 to index
      %get3A_692 = arith.constant 656 : index
      %get3A_693 = tpu.vector_load %arg6[%get3A_691, %get3A_692] {strides = array<i32>} : memref<64x1024xf32, #tpu.memory_space<vmem>>, vector<1x16xf32>,
      %get3A_694 = vector.shape_cast %get3A_693 : vector<1x16xf32> to vector<16xf32>
      %add3A_695 = arith.constant 32 : i32
      %add3A_696 = arith.addi %scan3A_36, %add3A_695 : i32
      %get3A_697 = arith.index_cast %add3A_696 : i32 to index
      %get3A_698 = arith.constant 656 : index
      %get3A_699 = tpu.vector_load %arg6[%get3A_697, %get3A_698] {strides = array<i32>} : memref<64x1024xf32, #tpu.memory_space<vmem>>, vector<1x16xf32>,
      %get3A_700 = vector.shape_cast %get3A_699 : vector<1x16xf32> to vector<16xf32>
      %add3A_701 = arith.addf %get3A_694, %get3A_700 : vector<16xf32>
      %swap3A_702 = arith.index_cast %scan3A_36 : i32 to index
      %swap3A_703 = arith.constant 656 : index
      %swap3A_704 = tpu.vector_load %arg7[%swap3A_702, %swap3A_703] {strides = array<i32>} : memref<32x1024xf32, #tpu.memory_space<vmem>>, vector<1x16xf32>,
      %swap3A_705 = vector.shape_cast %swap3A_704 : vector<1x16xf32> to vector<16xf32>
      %swap3A_706 = vector.shape_cast %add3A_701 : vector<16xf32> to vector<1x16xf32>
      tpu.vector_store %arg7[%swap3A_702, %swap3A_703], %swap3A_706 {strides = array<i32>} : memref<32x1024xf32, #tpu.memory_space<vmem>>, vector<1x16xf32>,
      %get3A_707 = arith.index_cast %scan3A_36 : i32 to index
      %get3A_708 = arith.constant 672 : index
      %get3A_709 = tpu.vector_load %arg6[%get3A_707, %get3A_708] {strides = array<i32>} : memref<64x1024xf32, #tpu.memory_space<vmem>>, vector<1x16xf32>,
      %get3A_710 = vector.shape_cast %get3A_709 : vector<1x16xf32> to vector<16xf32>
      %add3A_711 = arith.constant 32 : i32
      %add3A_712 = arith.addi %scan3A_36, %add3A_711 : i32
      %get3A_713 = arith.index_cast %add3A_712 : i32 to index
      %get3A_714 = arith.constant 672 : index
      %get3A_715 = tpu.vector_load %arg6[%get3A_713, %get3A_714] {strides = array<i32>} : memref<64x1024xf32, #tpu.memory_space<vmem>>, vector<1x16xf32>,
      %get3A_716 = vector.shape_cast %get3A_715 : vector<1x16xf32> to vector<16xf32>
      %add3A_717 = arith.addf %get3A_710, %get3A_716 : vector<16xf32>
      %swap3A_718 = arith.index_cast %scan3A_36 : i32 to index
      %swap3A_719 = arith.constant 672 : index
      %swap3A_720 = tpu.vector_load %arg7[%swap3A_718, %swap3A_719] {strides = array<i32>} : memref<32x1024xf32, #tpu.memory_space<vmem>>, vector<1x16xf32>,
      %swap3A_721 = vector.shape_cast %swap3A_720 : vector<1x16xf32> to vector<16xf32>
      %swap3A_722 = vector.shape_cast %add3A_717 : vector<16xf32> to vector<1x16xf32>
      tpu.vector_store %arg7[%swap3A_718, %swap3A_719], %swap3A_722 {strides = array<i32>} : memref<32x1024xf32, #tpu.memory_space<vmem>>, vector<1x16xf32>,
      %get3A_723 = arith.index_cast %scan3A_36 : i32 to index
      %get3A_724 = arith.constant 688 : index
      %get3A_725 = tpu.vector_load %arg6[%get3A_723, %get3A_724] {strides = array<i32>} : memref<64x1024xf32, #tpu.memory_space<vmem>>, vector<1x16xf32>,
      %get3A_726 = vector.shape_cast %get3A_725 : vector<1x16xf32> to vector<16xf32>
      %add3A_727 = arith.constant 32 : i32
      %add3A_728 = arith.addi %scan3A_36, %add3A_727 : i32
      %get3A_729 = arith.index_cast %add3A_728 : i32 to index
      %get3A_730 = arith.constant 688 : index
      %get3A_731 = tpu.vector_load %arg6[%get3A_729, %get3A_730] {strides = array<i32>} : memref<64x1024xf32, #tpu.memory_space<vmem>>, vector<1x16xf32>,
      %get3A_732 = vector.shape_cast %get3A_731 : vector<1x16xf32> to vector<16xf32>
      %add3A_733 = arith.addf %get3A_726, %get3A_732 : vector<16xf32>
      %swap3A_734 = arith.index_cast %scan3A_36 : i32 to index
      %swap3A_735 = arith.constant 688 : index
      %swap3A_736 = tpu.vector_load %arg7[%swap3A_734, %swap3A_735] {strides = array<i32>} : memref<32x1024xf32, #tpu.memory_space<vmem>>, vector<1x16xf32>,
      %swap3A_737 = vector.shape_cast %swap3A_736 : vector<1x16xf32> to vector<16xf32>
      %swap3A_738 = vector.shape_cast %add3A_733 : vector<16xf32> to vector<1x16xf32>
      tpu.vector_store %arg7[%swap3A_734, %swap3A_735], %swap3A_738 {strides = array<i32>} : memref<32x1024xf32, #tpu.memory_space<vmem>>, vector<1x16xf32>,
      %get3A_739 = arith.index_cast %scan3A_36 : i32 to index
      %get3A_740 = arith.constant 704 : index
      %get3A_741 = tpu.vector_load %arg6[%get3A_739, %get3A_740] {strides = array<i32>} : memref<64x1024xf32, #tpu.memory_space<vmem>>, vector<1x16xf32>,
      %get3A_742 = vector.shape_cast %get3A_741 : vector<1x16xf32> to vector<16xf32>
      %add3A_743 = arith.constant 32 : i32
      %add3A_744 = arith.addi %scan3A_36, %add3A_743 : i32
      %get3A_745 = arith.index_cast %add3A_744 : i32 to index
      %get3A_746 = arith.constant 704 : index
      %get3A_747 = tpu.vector_load %arg6[%get3A_745, %get3A_746] {strides = array<i32>} : memref<64x1024xf32, #tpu.memory_space<vmem>>, vector<1x16xf32>,
      %get3A_748 = vector.shape_cast %get3A_747 : vector<1x16xf32> to vector<16xf32>
      %add3A_749 = arith.addf %get3A_742, %get3A_748 : vector<16xf32>
      %swap3A_750 = arith.index_cast %scan3A_36 : i32 to index
      %swap3A_751 = arith.constant 704 : index
      %swap3A_752 = tpu.vector_load %arg7[%swap3A_750, %swap3A_751] {strides = array<i32>} : memref<32x1024xf32, #tpu.memory_space<vmem>>, vector<1x16xf32>,
      %swap3A_753 = vector.shape_cast %swap3A_752 : vector<1x16xf32> to vector<16xf32>
      %swap3A_754 = vector.shape_cast %add3A_749 : vector<16xf32> to vector<1x16xf32>
      tpu.vector_store %arg7[%swap3A_750, %swap3A_751], %swap3A_754 {strides = array<i32>} : memref<32x1024xf32, #tpu.memory_space<vmem>>, vector<1x16xf32>,
      %get3A_755 = arith.index_cast %scan3A_36 : i32 to index
      %get3A_756 = arith.constant 720 : index
      %get3A_757 = tpu.vector_load %arg6[%get3A_755, %get3A_756] {strides = array<i32>} : memref<64x1024xf32, #tpu.memory_space<vmem>>, vector<1x16xf32>,
      %get3A_758 = vector.shape_cast %get3A_757 : vector<1x16xf32> to vector<16xf32>
      %add3A_759 = arith.constant 32 : i32
      %add3A_760 = arith.addi %scan3A_36, %add3A_759 : i32
      %get3A_761 = arith.index_cast %add3A_760 : i32 to index
      %get3A_762 = arith.constant 720 : index
      %get3A_763 = tpu.vector_load %arg6[%get3A_761, %get3A_762] {strides = array<i32>} : memref<64x1024xf32, #tpu.memory_space<vmem>>, vector<1x16xf32>,
      %get3A_764 = vector.shape_cast %get3A_763 : vector<1x16xf32> to vector<16xf32>
      %add3A_765 = arith.addf %get3A_758, %get3A_764 : vector<16xf32>
      %swap3A_766 = arith.index_cast %scan3A_36 : i32 to index
      %swap3A_767 = arith.constant 720 : index
      %swap3A_768 = tpu.vector_load %arg7[%swap3A_766, %swap3A_767] {strides = array<i32>} : memref<32x1024xf32, #tpu.memory_space<vmem>>, vector<1x16xf32>,
      %swap3A_769 = vector.shape_cast %swap3A_768 : vector<1x16xf32> to vector<16xf32>
      %swap3A_770 = vector.shape_cast %add3A_765 : vector<16xf32> to vector<1x16xf32>
      tpu.vector_store %arg7[%swap3A_766, %swap3A_767], %swap3A_770 {strides = array<i32>} : memref<32x1024xf32, #tpu.memory_space<vmem>>, vector<1x16xf32>,
      %get3A_771 = arith.index_cast %scan3A_36 : i32 to index
      %get3A_772 = arith.constant 736 : index
      %get3A_773 = tpu.vector_load %arg6[%get3A_771, %get3A_772] {strides = array<i32>} : memref<64x1024xf32, #tpu.memory_space<vmem>>, vector<1x16xf32>,
      %get3A_774 = vector.shape_cast %get3A_773 : vector<1x16xf32> to vector<16xf32>
      %add3A_775 = arith.constant 32 : i32
      %add3A_776 = arith.addi %scan3A_36, %add3A_775 : i32
      %get3A_777 = arith.index_cast %add3A_776 : i32 to index
      %get3A_778 = arith.constant 736 : index
      %get3A_779 = tpu.vector_load %arg6[%get3A_777, %get3A_778] {strides = array<i32>} : memref<64x1024xf32, #tpu.memory_space<vmem>>, vector<1x16xf32>,
      %get3A_780 = vector.shape_cast %get3A_779 : vector<1x16xf32> to vector<16xf32>
      %add3A_781 = arith.addf %get3A_774, %get3A_780 : vector<16xf32>
      %swap3A_782 = arith.index_cast %scan3A_36 : i32 to index
      %swap3A_783 = arith.constant 736 : index
      %swap3A_784 = tpu.vector_load %arg7[%swap3A_782, %swap3A_783] {strides = array<i32>} : memref<32x1024xf32, #tpu.memory_space<vmem>>, vector<1x16xf32>,
      %swap3A_785 = vector.shape_cast %swap3A_784 : vector<1x16xf32> to vector<16xf32>
      %swap3A_786 = vector.shape_cast %add3A_781 : vector<16xf32> to vector<1x16xf32>
      tpu.vector_store %arg7[%swap3A_782, %swap3A_783], %swap3A_786 {strides = array<i32>} : memref<32x1024xf32, #tpu.memory_space<vmem>>, vector<1x16xf32>,
      %get3A_787 = arith.index_cast %scan3A_36 : i32 to index
      %get3A_788 = arith.constant 752 : index
      %get3A_789 = tpu.vector_load %arg6[%get3A_787, %get3A_788] {strides = array<i32>} : memref<64x1024xf32, #tpu.memory_space<vmem>>, vector<1x16xf32>,
      %get3A_790 = vector.shape_cast %get3A_789 : vector<1x16xf32> to vector<16xf32>
      %add3A_791 = arith.constant 32 : i32
      %add3A_792 = arith.addi %scan3A_36, %add3A_791 : i32
      %get3A_793 = arith.index_cast %add3A_792 : i32 to index
      %get3A_794 = arith.constant 752 : index
      %get3A_795 = tpu.vector_load %arg6[%get3A_793, %get3A_794] {strides = array<i32>} : memref<64x1024xf32, #tpu.memory_space<vmem>>, vector<1x16xf32>,
      %get3A_796 = vector.shape_cast %get3A_795 : vector<1x16xf32> to vector<16xf32>
      %add3A_797 = arith.addf %get3A_790, %get3A_796 : vector<16xf32>
      %swap3A_798 = arith.index_cast %scan3A_36 : i32 to index
      %swap3A_799 = arith.constant 752 : index
      %swap3A_800 = tpu.vector_load %arg7[%swap3A_798, %swap3A_799] {strides = array<i32>} : memref<32x1024xf32, #tpu.memory_space<vmem>>, vector<1x16xf32>,
      %swap3A_801 = vector.shape_cast %swap3A_800 : vector<1x16xf32> to vector<16xf32>
      %swap3A_802 = vector.shape_cast %add3A_797 : vector<16xf32> to vector<1x16xf32>
      tpu.vector_store %arg7[%swap3A_798, %swap3A_799], %swap3A_802 {strides = array<i32>} : memref<32x1024xf32, #tpu.memory_space<vmem>>, vector<1x16xf32>,
      %get3A_803 = arith.index_cast %scan3A_36 : i32 to index
      %get3A_804 = arith.constant 768 : index
      %get3A_805 = tpu.vector_load %arg6[%get3A_803, %get3A_804] {strides = array<i32>} : memref<64x1024xf32, #tpu.memory_space<vmem>>, vector<1x16xf32>,
      %get3A_806 = vector.shape_cast %get3A_805 : vector<1x16xf32> to vector<16xf32>
      %add3A_807 = arith.constant 32 : i32
      %add3A_808 = arith.addi %scan3A_36, %add3A_807 : i32
      %get3A_809 = arith.index_cast %add3A_808 : i32 to index
      %get3A_810 = arith.constant 768 : index
      %get3A_811 = tpu.vector_load %arg6[%get3A_809, %get3A_810] {strides = array<i32>} : memref<64x1024xf32, #tpu.memory_space<vmem>>, vector<1x16xf32>,
      %get3A_812 = vector.shape_cast %get3A_811 : vector<1x16xf32> to vector<16xf32>
      %add3A_813 = arith.addf %get3A_806, %get3A_812 : vector<16xf32>
      %swap3A_814 = arith.index_cast %scan3A_36 : i32 to index
      %swap3A_815 = arith.constant 768 : index
      %swap3A_816 = tpu.vector_load %arg7[%swap3A_814, %swap3A_815] {strides = array<i32>} : memref<32x1024xf32, #tpu.memory_space<vmem>>, vector<1x16xf32>,
      %swap3A_817 = vector.shape_cast %swap3A_816 : vector<1x16xf32> to vector<16xf32>
      %swap3A_818 = vector.shape_cast %add3A_813 : vector<16xf32> to vector<1x16xf32>
      tpu.vector_store %arg7[%swap3A_814, %swap3A_815], %swap3A_818 {strides = array<i32>} : memref<32x1024xf32, #tpu.memory_space<vmem>>, vector<1x16xf32>,
      %get3A_819 = arith.index_cast %scan3A_36 : i32 to index
      %get3A_820 = arith.constant 784 : index
      %get3A_821 = tpu.vector_load %arg6[%get3A_819, %get3A_820] {strides = array<i32>} : memref<64x1024xf32, #tpu.memory_space<vmem>>, vector<1x16xf32>,
      %get3A_822 = vector.shape_cast %get3A_821 : vector<1x16xf32> to vector<16xf32>
      %add3A_823 = arith.constant 32 : i32
      %add3A_824 = arith.addi %scan3A_36, %add3A_823 : i32
      %get3A_825 = arith.index_cast %add3A_824 : i32 to index
      %get3A_826 = arith.constant 784 : index
      %get3A_827 = tpu.vector_load %arg6[%get3A_825, %get3A_826] {strides = array<i32>} : memref<64x1024xf32, #tpu.memory_space<vmem>>, vector<1x16xf32>,
      %get3A_828 = vector.shape_cast %get3A_827 : vector<1x16xf32> to vector<16xf32>
      %add3A_829 = arith.addf %get3A_822, %get3A_828 : vector<16xf32>
      %swap3A_830 = arith.index_cast %scan3A_36 : i32 to index
      %swap3A_831 = arith.constant 784 : index
      %swap3A_832 = tpu.vector_load %arg7[%swap3A_830, %swap3A_831] {strides = array<i32>} : memref<32x1024xf32, #tpu.memory_space<vmem>>, vector<1x16xf32>,
      %swap3A_833 = vector.shape_cast %swap3A_832 : vector<1x16xf32> to vector<16xf32>
      %swap3A_834 = vector.shape_cast %add3A_829 : vector<16xf32> to vector<1x16xf32>
      tpu.vector_store %arg7[%swap3A_830, %swap3A_831], %swap3A_834 {strides = array<i32>} : memref<32x1024xf32, #tpu.memory_space<vmem>>, vector<1x16xf32>,
      %get3A_835 = arith.index_cast %scan3A_36 : i32 to index
      %get3A_836 = arith.constant 800 : index
      %get3A_837 = tpu.vector_load %arg6[%get3A_835, %get3A_836] {strides = array<i32>} : memref<64x1024xf32, #tpu.memory_space<vmem>>, vector<1x16xf32>,
      %get3A_838 = vector.shape_cast %get3A_837 : vector<1x16xf32> to vector<16xf32>
      %add3A_839 = arith.constant 32 : i32
      %add3A_840 = arith.addi %scan3A_36, %add3A_839 : i32
      %get3A_841 = arith.index_cast %add3A_840 : i32 to index
      %get3A_842 = arith.constant 800 : index
      %get3A_843 = tpu.vector_load %arg6[%get3A_841, %get3A_842] {strides = array<i32>} : memref<64x1024xf32, #tpu.memory_space<vmem>>, vector<1x16xf32>,
      %get3A_844 = vector.shape_cast %get3A_843 : vector<1x16xf32> to vector<16xf32>
      %add3A_845 = arith.addf %get3A_838, %get3A_844 : vector<16xf32>
      %swap3A_846 = arith.index_cast %scan3A_36 : i32 to index
      %swap3A_847 = arith.constant 800 : index
      %swap3A_848 = tpu.vector_load %arg7[%swap3A_846, %swap3A_847] {strides = array<i32>} : memref<32x1024xf32, #tpu.memory_space<vmem>>, vector<1x16xf32>,
      %swap3A_849 = vector.shape_cast %swap3A_848 : vector<1x16xf32> to vector<16xf32>
      %swap3A_850 = vector.shape_cast %add3A_845 : vector<16xf32> to vector<1x16xf32>
      tpu.vector_store %arg7[%swap3A_846, %swap3A_847], %swap3A_850 {strides = array<i32>} : memref<32x1024xf32, #tpu.memory_space<vmem>>, vector<1x16xf32>,
      %get3A_851 = arith.index_cast %scan3A_36 : i32 to index
      %get3A_852 = arith.constant 816 : index
      %get3A_853 = tpu.vector_load %arg6[%get3A_851, %get3A_852] {strides = array<i32>} : memref<64x1024xf32, #tpu.memory_space<vmem>>, vector<1x16xf32>,
      %get3A_854 = vector.shape_cast %get3A_853 : vector<1x16xf32> to vector<16xf32>
      %add3A_855 = arith.constant 32 : i32
      %add3A_856 = arith.addi %scan3A_36, %add3A_855 : i32
      %get3A_857 = arith.index_cast %add3A_856 : i32 to index
      %get3A_858 = arith.constant 816 : index
      %get3A_859 = tpu.vector_load %arg6[%get3A_857, %get3A_858] {strides = array<i32>} : memref<64x1024xf32, #tpu.memory_space<vmem>>, vector<1x16xf32>,
      %get3A_860 = vector.shape_cast %get3A_859 : vector<1x16xf32> to vector<16xf32>
      %add3A_861 = arith.addf %get3A_854, %get3A_860 : vector<16xf32>
      %swap3A_862 = arith.index_cast %scan3A_36 : i32 to index
      %swap3A_863 = arith.constant 816 : index
      %swap3A_864 = tpu.vector_load %arg7[%swap3A_862, %swap3A_863] {strides = array<i32>} : memref<32x1024xf32, #tpu.memory_space<vmem>>, vector<1x16xf32>,
      %swap3A_865 = vector.shape_cast %swap3A_864 : vector<1x16xf32> to vector<16xf32>
      %swap3A_866 = vector.shape_cast %add3A_861 : vector<16xf32> to vector<1x16xf32>
      tpu.vector_store %arg7[%swap3A_862, %swap3A_863], %swap3A_866 {strides = array<i32>} : memref<32x1024xf32, #tpu.memory_space<vmem>>, vector<1x16xf32>,
      %get3A_867 = arith.index_cast %scan3A_36 : i32 to index
      %get3A_868 = arith.constant 832 : index
      %get3A_869 = tpu.vector_load %arg6[%get3A_867, %get3A_868] {strides = array<i32>} : memref<64x1024xf32, #tpu.memory_space<vmem>>, vector<1x16xf32>,
      %get3A_870 = vector.shape_cast %get3A_869 : vector<1x16xf32> to vector<16xf32>
      %add3A_871 = arith.constant 32 : i32
      %add3A_872 = arith.addi %scan3A_36, %add3A_871 : i32
      %get3A_873 = arith.index_cast %add3A_872 : i32 to index
      %get3A_874 = arith.constant 832 : index
      %get3A_875 = tpu.vector_load %arg6[%get3A_873, %get3A_874] {strides = array<i32>} : memref<64x1024xf32, #tpu.memory_space<vmem>>, vector<1x16xf32>,
      %get3A_876 = vector.shape_cast %get3A_875 : vector<1x16xf32> to vector<16xf32>
      %add3A_877 = arith.addf %get3A_870, %get3A_876 : vector<16xf32>
      %swap3A_878 = arith.index_cast %scan3A_36 : i32 to index
      %swap3A_879 = arith.constant 832 : index
      %swap3A_880 = tpu.vector_load %arg7[%swap3A_878, %swap3A_879] {strides = array<i32>} : memref<32x1024xf32, #tpu.memory_space<vmem>>, vector<1x16xf32>,
      %swap3A_881 = vector.shape_cast %swap3A_880 : vector<1x16xf32> to vector<16xf32>
      %swap3A_882 = vector.shape_cast %add3A_877 : vector<16xf32> to vector<1x16xf32>
      tpu.vector_store %arg7[%swap3A_878, %swap3A_879], %swap3A_882 {strides = array<i32>} : memref<32x1024xf32, #tpu.memory_space<vmem>>, vector<1x16xf32>,
      %get3A_883 = arith.index_cast %scan3A_36 : i32 to index
      %get3A_884 = arith.constant 848 : index
      %get3A_885 = tpu.vector_load %arg6[%get3A_883, %get3A_884] {strides = array<i32>} : memref<64x1024xf32, #tpu.memory_space<vmem>>, vector<1x16xf32>,
      %get3A_886 = vector.shape_cast %get3A_885 : vector<1x16xf32> to vector<16xf32>
      %add3A_887 = arith.constant 32 : i32
      %add3A_888 = arith.addi %scan3A_36, %add3A_887 : i32
      %get3A_889 = arith.index_cast %add3A_888 : i32 to index
      %get3A_890 = arith.constant 848 : index
      %get3A_891 = tpu.vector_load %arg6[%get3A_889, %get3A_890] {strides = array<i32>} : memref<64x1024xf32, #tpu.memory_space<vmem>>, vector<1x16xf32>,
      %get3A_892 = vector.shape_cast %get3A_891 : vector<1x16xf32> to vector<16xf32>
      %add3A_893 = arith.addf %get3A_886, %get3A_892 : vector<16xf32>
      %swap3A_894 = arith.index_cast %scan3A_36 : i32 to index
      %swap3A_895 = arith.constant 848 : index
      %swap3A_896 = tpu.vector_load %arg7[%swap3A_894, %swap3A_895] {strides = array<i32>} : memref<32x1024xf32, #tpu.memory_space<vmem>>, vector<1x16xf32>,
      %swap3A_897 = vector.shape_cast %swap3A_896 : vector<1x16xf32> to vector<16xf32>
      %swap3A_898 = vector.shape_cast %add3A_893 : vector<16xf32> to vector<1x16xf32>
      tpu.vector_store %arg7[%swap3A_894, %swap3A_895], %swap3A_898 {strides = array<i32>} : memref<32x1024xf32, #tpu.memory_space<vmem>>, vector<1x16xf32>,
      %get3A_899 = arith.index_cast %scan3A_36 : i32 to index
      %get3A_900 = arith.constant 864 : index
      %get3A_901 = tpu.vector_load %arg6[%get3A_899, %get3A_900] {strides = array<i32>} : memref<64x1024xf32, #tpu.memory_space<vmem>>, vector<1x16xf32>,
      %get3A_902 = vector.shape_cast %get3A_901 : vector<1x16xf32> to vector<16xf32>
      %add3A_903 = arith.constant 32 : i32
      %add3A_904 = arith.addi %scan3A_36, %add3A_903 : i32
      %get3A_905 = arith.index_cast %add3A_904 : i32 to index
      %get3A_906 = arith.constant 864 : index
      %get3A_907 = tpu.vector_load %arg6[%get3A_905, %get3A_906] {strides = array<i32>} : memref<64x1024xf32, #tpu.memory_space<vmem>>, vector<1x16xf32>,
      %get3A_908 = vector.shape_cast %get3A_907 : vector<1x16xf32> to vector<16xf32>
      %add3A_909 = arith.addf %get3A_902, %get3A_908 : vector<16xf32>
      %swap3A_910 = arith.index_cast %scan3A_36 : i32 to index
      %swap3A_911 = arith.constant 864 : index
      %swap3A_912 = tpu.vector_load %arg7[%swap3A_910, %swap3A_911] {strides = array<i32>} : memref<32x1024xf32, #tpu.memory_space<vmem>>, vector<1x16xf32>,
      %swap3A_913 = vector.shape_cast %swap3A_912 : vector<1x16xf32> to vector<16xf32>
      %swap3A_914 = vector.shape_cast %add3A_909 : vector<16xf32> to vector<1x16xf32>
      tpu.vector_store %arg7[%swap3A_910, %swap3A_911], %swap3A_914 {strides = array<i32>} : memref<32x1024xf32, #tpu.memory_space<vmem>>, vector<1x16xf32>,
      %get3A_915 = arith.index_cast %scan3A_36 : i32 to index
      %get3A_916 = arith.constant 880 : index
      %get3A_917 = tpu.vector_load %arg6[%get3A_915, %get3A_916] {strides = array<i32>} : memref<64x1024xf32, #tpu.memory_space<vmem>>, vector<1x16xf32>,
      %get3A_918 = vector.shape_cast %get3A_917 : vector<1x16xf32> to vector<16xf32>
      %add3A_919 = arith.constant 32 : i32
      %add3A_920 = arith.addi %scan3A_36, %add3A_919 : i32
      %get3A_921 = arith.index_cast %add3A_920 : i32 to index
      %get3A_922 = arith.constant 880 : index
      %get3A_923 = tpu.vector_load %arg6[%get3A_921, %get3A_922] {strides = array<i32>} : memref<64x1024xf32, #tpu.memory_space<vmem>>, vector<1x16xf32>,
      %get3A_924 = vector.shape_cast %get3A_923 : vector<1x16xf32> to vector<16xf32>
      %add3A_925 = arith.addf %get3A_918, %get3A_924 : vector<16xf32>
      %swap3A_926 = arith.index_cast %scan3A_36 : i32 to index
      %swap3A_927 = arith.constant 880 : index
      %swap3A_928 = tpu.vector_load %arg7[%swap3A_926, %swap3A_927] {strides = array<i32>} : memref<32x1024xf32, #tpu.memory_space<vmem>>, vector<1x16xf32>,
      %swap3A_929 = vector.shape_cast %swap3A_928 : vector<1x16xf32> to vector<16xf32>
      %swap3A_930 = vector.shape_cast %add3A_925 : vector<16xf32> to vector<1x16xf32>
      tpu.vector_store %arg7[%swap3A_926, %swap3A_927], %swap3A_930 {strides = array<i32>} : memref<32x1024xf32, #tpu.memory_space<vmem>>, vector<1x16xf32>,
      %get3A_931 = arith.index_cast %scan3A_36 : i32 to index
      %get3A_932 = arith.constant 896 : index
      %get3A_933 = tpu.vector_load %arg6[%get3A_931, %get3A_932] {strides = array<i32>} : memref<64x1024xf32, #tpu.memory_space<vmem>>, vector<1x16xf32>,
      %get3A_934 = vector.shape_cast %get3A_933 : vector<1x16xf32> to vector<16xf32>
      %add3A_935 = arith.constant 32 : i32
      %add3A_936 = arith.addi %scan3A_36, %add3A_935 : i32
      %get3A_937 = arith.index_cast %add3A_936 : i32 to index
      %get3A_938 = arith.constant 896 : index
      %get3A_939 = tpu.vector_load %arg6[%get3A_937, %get3A_938] {strides = array<i32>} : memref<64x1024xf32, #tpu.memory_space<vmem>>, vector<1x16xf32>,
      %get3A_940 = vector.shape_cast %get3A_939 : vector<1x16xf32> to vector<16xf32>
      %add3A_941 = arith.addf %get3A_934, %get3A_940 : vector<16xf32>
      %swap3A_942 = arith.index_cast %scan3A_36 : i32 to index
      %swap3A_943 = arith.constant 896 : index
      %swap3A_944 = tpu.vector_load %arg7[%swap3A_942, %swap3A_943] {strides = array<i32>} : memref<32x1024xf32, #tpu.memory_space<vmem>>, vector<1x16xf32>,
      %swap3A_945 = vector.shape_cast %swap3A_944 : vector<1x16xf32> to vector<16xf32>
      %swap3A_946 = vector.shape_cast %add3A_941 : vector<16xf32> to vector<1x16xf32>
      tpu.vector_store %arg7[%swap3A_942, %swap3A_943], %swap3A_946 {strides = array<i32>} : memref<32x1024xf32, #tpu.memory_space<vmem>>, vector<1x16xf32>,
      %get3A_947 = arith.index_cast %scan3A_36 : i32 to index
      %get3A_948 = arith.constant 912 : index
      %get3A_949 = tpu.vector_load %arg6[%get3A_947, %get3A_948] {strides = array<i32>} : memref<64x1024xf32, #tpu.memory_space<vmem>>, vector<1x16xf32>,
      %get3A_950 = vector.shape_cast %get3A_949 : vector<1x16xf32> to vector<16xf32>
      %add3A_951 = arith.constant 32 : i32
      %add3A_952 = arith.addi %scan3A_36, %add3A_951 : i32
      %get3A_953 = arith.index_cast %add3A_952 : i32 to index
      %get3A_954 = arith.constant 912 : index
      %get3A_955 = tpu.vector_load %arg6[%get3A_953, %get3A_954] {strides = array<i32>} : memref<64x1024xf32, #tpu.memory_space<vmem>>, vector<1x16xf32>,
      %get3A_956 = vector.shape_cast %get3A_955 : vector<1x16xf32> to vector<16xf32>
      %add3A_957 = arith.addf %get3A_950, %get3A_956 : vector<16xf32>
      %swap3A_958 = arith.index_cast %scan3A_36 : i32 to index
      %swap3A_959 = arith.constant 912 : index
      %swap3A_960 = tpu.vector_load %arg7[%swap3A_958, %swap3A_959] {strides = array<i32>} : memref<32x1024xf32, #tpu.memory_space<vmem>>, vector<1x16xf32>,
      %swap3A_961 = vector.shape_cast %swap3A_960 : vector<1x16xf32> to vector<16xf32>
      %swap3A_962 = vector.shape_cast %add3A_957 : vector<16xf32> to vector<1x16xf32>
      tpu.vector_store %arg7[%swap3A_958, %swap3A_959], %swap3A_962 {strides = array<i32>} : memref<32x1024xf32, #tpu.memory_space<vmem>>, vector<1x16xf32>,
      %get3A_963 = arith.index_cast %scan3A_36 : i32 to index
      %get3A_964 = arith.constant 928 : index
      %get3A_965 = tpu.vector_load %arg6[%get3A_963, %get3A_964] {strides = array<i32>} : memref<64x1024xf32, #tpu.memory_space<vmem>>, vector<1x16xf32>,
      %get3A_966 = vector.shape_cast %get3A_965 : vector<1x16xf32> to vector<16xf32>
      %add3A_967 = arith.constant 32 : i32
      %add3A_968 = arith.addi %scan3A_36, %add3A_967 : i32
      %get3A_969 = arith.index_cast %add3A_968 : i32 to index
      %get3A_970 = arith.constant 928 : index
      %get3A_971 = tpu.vector_load %arg6[%get3A_969, %get3A_970] {strides = array<i32>} : memref<64x1024xf32, #tpu.memory_space<vmem>>, vector<1x16xf32>,
      %get3A_972 = vector.shape_cast %get3A_971 : vector<1x16xf32> to vector<16xf32>
      %add3A_973 = arith.addf %get3A_966, %get3A_972 : vector<16xf32>
      %swap3A_974 = arith.index_cast %scan3A_36 : i32 to index
      %swap3A_975 = arith.constant 928 : index
      %swap3A_976 = tpu.vector_load %arg7[%swap3A_974, %swap3A_975] {strides = array<i32>} : memref<32x1024xf32, #tpu.memory_space<vmem>>, vector<1x16xf32>,
      %swap3A_977 = vector.shape_cast %swap3A_976 : vector<1x16xf32> to vector<16xf32>
      %swap3A_978 = vector.shape_cast %add3A_973 : vector<16xf32> to vector<1x16xf32>
      tpu.vector_store %arg7[%swap3A_974, %swap3A_975], %swap3A_978 {strides = array<i32>} : memref<32x1024xf32, #tpu.memory_space<vmem>>, vector<1x16xf32>,
      %get3A_979 = arith.index_cast %scan3A_36 : i32 to index
      %get3A_980 = arith.constant 944 : index
      %get3A_981 = tpu.vector_load %arg6[%get3A_979, %get3A_980] {strides = array<i32>} : memref<64x1024xf32, #tpu.memory_space<vmem>>, vector<1x16xf32>,
      %get3A_982 = vector.shape_cast %get3A_981 : vector<1x16xf32> to vector<16xf32>
      %add3A_983 = arith.constant 32 : i32
      %add3A_984 = arith.addi %scan3A_36, %add3A_983 : i32
      %get3A_985 = arith.index_cast %add3A_984 : i32 to index
      %get3A_986 = arith.constant 944 : index
      %get3A_987 = tpu.vector_load %arg6[%get3A_985, %get3A_986] {strides = array<i32>} : memref<64x1024xf32, #tpu.memory_space<vmem>>, vector<1x16xf32>,
      %get3A_988 = vector.shape_cast %get3A_987 : vector<1x16xf32> to vector<16xf32>
      %add3A_989 = arith.addf %get3A_982, %get3A_988 : vector<16xf32>
      %swap3A_990 = arith.index_cast %scan3A_36 : i32 to index
      %swap3A_991 = arith.constant 944 : index
      %swap3A_992 = tpu.vector_load %arg7[%swap3A_990, %swap3A_991] {strides = array<i32>} : memref<32x1024xf32, #tpu.memory_space<vmem>>, vector<1x16xf32>,
      %swap3A_993 = vector.shape_cast %swap3A_992 : vector<1x16xf32> to vector<16xf32>
      %swap3A_994 = vector.shape_cast %add3A_989 : vector<16xf32> to vector<1x16xf32>
      tpu.vector_store %arg7[%swap3A_990, %swap3A_991], %swap3A_994 {strides = array<i32>} : memref<32x1024xf32, #tpu.memory_space<vmem>>, vector<1x16xf32>,
      %get3A_995 = arith.index_cast %scan3A_36 : i32 to index
      %get3A_996 = arith.constant 960 : index
      %get3A_997 = tpu.vector_load %arg6[%get3A_995, %get3A_996] {strides = array<i32>} : memref<64x1024xf32, #tpu.memory_space<vmem>>, vector<1x16xf32>,
      %get3A_998 = vector.shape_cast %get3A_997 : vector<1x16xf32> to vector<16xf32>
      %add3A_999 = arith.constant 32 : i32
      %add3A_1000 = arith.addi %scan3A_36, %add3A_999 : i32
      %get3A_1001 = arith.index_cast %add3A_1000 : i32 to index
      %get3A_1002 = arith.constant 960 : index
      %get3A_1003 = tpu.vector_load %arg6[%get3A_1001, %get3A_1002] {strides = array<i32>} : memref<64x1024xf32, #tpu.memory_space<vmem>>, vector<1x16xf32>,
      %get3A_1004 = vector.shape_cast %get3A_1003 : vector<1x16xf32> to vector<16xf32>
      %add3A_1005 = arith.addf %get3A_998, %get3A_1004 : vector<16xf32>
      %swap3A_1006 = arith.index_cast %scan3A_36 : i32 to index
      %swap3A_1007 = arith.constant 960 : index
      %swap3A_1008 = tpu.vector_load %arg7[%swap3A_1006, %swap3A_1007] {strides = array<i32>} : memref<32x1024xf32, #tpu.memory_space<vmem>>, vector<1x16xf32>,
      %swap3A_1009 = vector.shape_cast %swap3A_1008 : vector<1x16xf32> to vector<16xf32>
      %swap3A_1010 = vector.shape_cast %add3A_1005 : vector<16xf32> to vector<1x16xf32>
      tpu.vector_store %arg7[%swap3A_1006, %swap3A_1007], %swap3A_1010 {strides = array<i32>} : memref<32x1024xf32, #tpu.memory_space<vmem>>, vector<1x16xf32>,
      %get3A_1011 = arith.index_cast %scan3A_36 : i32 to index
      %get3A_1012 = arith.constant 976 : index
      %get3A_1013 = tpu.vector_load %arg6[%get3A_1011, %get3A_1012] {strides = array<i32>} : memref<64x1024xf32, #tpu.memory_space<vmem>>, vector<1x16xf32>,
      %get3A_1014 = vector.shape_cast %get3A_1013 : vector<1x16xf32> to vector<16xf32>
      %add3A_1015 = arith.constant 32 : i32
      %add3A_1016 = arith.addi %scan3A_36, %add3A_1015 : i32
      %get3A_1017 = arith.index_cast %add3A_1016 : i32 to index
      %get3A_1018 = arith.constant 976 : index
      %get3A_1019 = tpu.vector_load %arg6[%get3A_1017, %get3A_1018] {strides = array<i32>} : memref<64x1024xf32, #tpu.memory_space<vmem>>, vector<1x16xf32>,
      %get3A_1020 = vector.shape_cast %get3A_1019 : vector<1x16xf32> to vector<16xf32>
      %add3A_1021 = arith.addf %get3A_1014, %get3A_1020 : vector<16xf32>
      %swap3A_1022 = arith.index_cast %scan3A_36 : i32 to index
      %swap3A_1023 = arith.constant 976 : index
      %swap3A_1024 = tpu.vector_load %arg7[%swap3A_1022, %swap3A_1023] {strides = array<i32>} : memref<32x1024xf32, #tpu.memory_space<vmem>>, vector<1x16xf32>,
      %swap3A_1025 = vector.shape_cast %swap3A_1024 : vector<1x16xf32> to vector<16xf32>
      %swap3A_1026 = vector.shape_cast %add3A_1021 : vector<16xf32> to vector<1x16xf32>
      tpu.vector_store %arg7[%swap3A_1022, %swap3A_1023], %swap3A_1026 {strides = array<i32>} : memref<32x1024xf32, #tpu.memory_space<vmem>>, vector<1x16xf32>,
      %get3A_1027 = arith.index_cast %scan3A_36 : i32 to index
      %get3A_1028 = arith.constant 992 : index
      %get3A_1029 = tpu.vector_load %arg6[%get3A_1027, %get3A_1028] {strides = array<i32>} : memref<64x1024xf32, #tpu.memory_space<vmem>>, vector<1x16xf32>,
      %get3A_1030 = vector.shape_cast %get3A_1029 : vector<1x16xf32> to vector<16xf32>
      %add3A_1031 = arith.constant 32 : i32
      %add3A_1032 = arith.addi %scan3A_36, %add3A_1031 : i32
      %get3A_1033 = arith.index_cast %add3A_1032 : i32 to index
      %get3A_1034 = arith.constant 992 : index
      %get3A_1035 = tpu.vector_load %arg6[%get3A_1033, %get3A_1034] {strides = array<i32>} : memref<64x1024xf32, #tpu.memory_space<vmem>>, vector<1x16xf32>,
      %get3A_1036 = vector.shape_cast %get3A_1035 : vector<1x16xf32> to vector<16xf32>
      %add3A_1037 = arith.addf %get3A_1030, %get3A_1036 : vector<16xf32>
      %swap3A_1038 = arith.index_cast %scan3A_36 : i32 to index
      %swap3A_1039 = arith.constant 992 : index
      %swap3A_1040 = tpu.vector_load %arg7[%swap3A_1038, %swap3A_1039] {strides = array<i32>} : memref<32x1024xf32, #tpu.memory_space<vmem>>, vector<1x16xf32>,
      %swap3A_1041 = vector.shape_cast %swap3A_1040 : vector<1x16xf32> to vector<16xf32>
      %swap3A_1042 = vector.shape_cast %add3A_1037 : vector<16xf32> to vector<1x16xf32>
      tpu.vector_store %arg7[%swap3A_1038, %swap3A_1039], %swap3A_1042 {strides = array<i32>} : memref<32x1024xf32, #tpu.memory_space<vmem>>, vector<1x16xf32>,
      %get3A_1043 = arith.index_cast %scan3A_36 : i32 to index
      %get3A_1044 = arith.constant 1008 : index
      %get3A_1045 = tpu.vector_load %arg6[%get3A_1043, %get3A_1044] {strides = array<i32>} : memref<64x1024xf32, #tpu.memory_space<vmem>>, vector<1x16xf32>,
      %get3A_1046 = vector.shape_cast %get3A_1045 : vector<1x16xf32> to vector<16xf32>
      %add3A_1047 = arith.constant 32 : i32
      %add3A_1048 = arith.addi %scan3A_36, %add3A_1047 : i32
      %get3A_1049 = arith.index_cast %add3A_1048 : i32 to index
      %get3A_1050 = arith.constant 1008 : index
      %get3A_1051 = tpu.vector_load %arg6[%get3A_1049, %get3A_1050] {strides = array<i32>} : memref<64x1024xf32, #tpu.memory_space<vmem>>, vector<1x16xf32>,
      %get3A_1052 = vector.shape_cast %get3A_1051 : vector<1x16xf32> to vector<16xf32>
      %add3A_1053 = arith.addf %get3A_1046, %get3A_1052 : vector<16xf32>
      %swap3A_1054 = arith.index_cast %scan3A_36 : i32 to index
      %swap3A_1055 = arith.constant 1008 : index
      %swap3A_1056 = tpu.vector_load %arg7[%swap3A_1054, %swap3A_1055] {strides = array<i32>} : memref<32x1024xf32, #tpu.memory_space<vmem>>, vector<1x16xf32>,
      %swap3A_1057 = vector.shape_cast %swap3A_1056 : vector<1x16xf32> to vector<16xf32>
      %swap3A_1058 = vector.shape_cast %add3A_1053 : vector<16xf32> to vector<1x16xf32>
      tpu.vector_store %arg7[%swap3A_1054, %swap3A_1055], %swap3A_1058 {strides = array<i32>} : memref<32x1024xf32, #tpu.memory_space<vmem>>, vector<1x16xf32>,
    }
    %scan3A_14 = arith.constant 32 : i32
    "tpu.region"() ({
      %run_scoped3A_36 = tpu.sem_alloc : memref<!tpu.dma_semaphore, #tpu.memory_space<semaphore_mem>>
      %dma_start3A_37 = arith.constant 0 : i32
      %dma_start3A_38 = tpu.memref_slice %arg4[%add3A_4, %dma_start3A_37] : memref<2048x1024xf32, #tpu.memory_space<hbm>> -> memref<32x1024xf32, #tpu.memory_space<hbm>>
      %dma_start3A_39 = arith.constant 0 : i32
      %dma_start3A_40 = tpu.memref_slice %arg4[%add3A_4, %dma_start3A_39] : memref<2048x1024xf32, #tpu.memory_space<hbm>> -> memref<32x1024xf32, #tpu.memory_space<hbm>>
      tpu.enqueue_dma source(%arg7 : memref<32x1024xf32, #tpu.memory_space<vmem>>) target(%dma_start3A_40 : memref<32x1024xf32, #tpu.memory_space<hbm>>) target_semaphore(%run_scoped3A_36 : memref<!tpu.dma_semaphore, #tpu.memory_space<semaphore_mem>>)
      %dma_wait3A_41 = arith.constant 0 : i32
      %dma_wait3A_42 = tpu.memref_slice %arg4[%add3A_4, %dma_wait3A_41] : memref<2048x1024xf32, #tpu.memory_space<hbm>> -> memref<32x1024xf32, #tpu.memory_space<hbm>>
      %dma_wait3A_43 = arith.constant 0 : i32
      %dma_wait3A_44 = tpu.memref_slice %arg4[%add3A_4, %dma_wait3A_43] : memref<2048x1024xf32, #tpu.memory_space<hbm>> -> memref<32x1024xf32, #tpu.memory_space<hbm>>
      tpu.wait_dma2 semaphore(%run_scoped3A_36 : memref<!tpu.dma_semaphore, #tpu.memory_space<semaphore_mem>>) src(%arg7 : memref<32x1024xf32, #tpu.memory_space<vmem>>) dst(%dma_wait3A_44 : memref<32x1024xf32, #tpu.memory_space<hbm>>)
      tpu.yield
    }) : () -> ()
    %mul3A_15 = arith.constant 2 : i32
    %mul3A_16 = arith.muli %arg1, %mul3A_15 : i32
    %add3A_17 = arith.addi %mul3A_16, %arg0 : i32
    %mul3A_18 = arith.constant 64 : i32
    %mul3A_19 = arith.muli %add3A_17, %mul3A_18 : i32
    %add3A_20 = arith.constant 32 : i32
    %add3A_21 = arith.addi %mul3A_19, %add3A_20 : i32
    %run_scoped3A_22 = arith.constant 0 : i32
    "tpu.region"() ({
      %run_scoped3A_36 = tpu.sem_alloc : memref<!tpu.dma_semaphore, #tpu.memory_space<semaphore_mem>>
      %dma_start3A_37 = arith.constant 0 : i32
      %dma_start3A_38 = tpu.memref_slice %arg5[%dma_start3A_37] : memref<64xi32, #tpu.memory_space<vmem>> -> memref<32xi32, #tpu.memory_space<vmem>>
      %dma_start3A_39 = tpu.memref_slice %arg3[%run_scoped3A_22, %add3A_21] : memref<2x2048xi32, #tpu.memory_space<hbm>> -> memref<1x32xi32, #tpu.memory_space<hbm>>
      %dma_start3A_40 = tpu.memref_squeeze %dma_start3A_39 : memref<1x32xi32, #tpu.memory_space<hbm>> -> memref<32xi32, #tpu.memory_space<hbm>>
      %dma_start3A_41 = arith.constant 0 : i32
      %dma_start3A_42 = tpu.memref_slice %arg5[%dma_start3A_41] : memref<64xi32, #tpu.memory_space<vmem>> -> memref<32xi32, #tpu.memory_space<vmem>>
      %dma_start3A_43 = tpu.memref_slice %arg3[%run_scoped3A_22, %add3A_21] : memref<2x2048xi32, #tpu.memory_space<hbm>> -> memref<1x32xi32, #tpu.memory_space<hbm>>
      %dma_start3A_44 = tpu.memref_squeeze %dma_start3A_43 : memref<1x32xi32, #tpu.memory_space<hbm>> -> memref<32xi32, #tpu.memory_space<hbm>>
      tpu.enqueue_dma source(%dma_start3A_44 : memref<32xi32, #tpu.memory_space<hbm>>) target(%dma_start3A_42 : memref<32xi32, #tpu.memory_space<vmem>>) target_semaphore(%run_scoped3A_36 : memref<!tpu.dma_semaphore, #tpu.memory_space<semaphore_mem>>)
      %dma_wait3A_45 = arith.constant 0 : i32
      %dma_wait3A_46 = tpu.memref_slice %arg5[%dma_wait3A_45] : memref<64xi32, #tpu.memory_space<vmem>> -> memref<32xi32, #tpu.memory_space<vmem>>
      %dma_wait3A_47 = tpu.memref_slice %arg3[%run_scoped3A_22, %add3A_21] : memref<2x2048xi32, #tpu.memory_space<hbm>> -> memref<1x32xi32, #tpu.memory_space<hbm>>
      %dma_wait3A_48 = tpu.memref_squeeze %dma_wait3A_47 : memref<1x32xi32, #tpu.memory_space<hbm>> -> memref<32xi32, #tpu.memory_space<hbm>>
      %dma_wait3A_49 = arith.constant 0 : i32
      %dma_wait3A_50 = tpu.memref_slice %arg5[%dma_wait3A_49] : memref<64xi32, #tpu.memory_space<vmem>> -> memref<32xi32, #tpu.memory_space<vmem>>
      %dma_wait3A_51 = tpu.memref_slice %arg3[%run_scoped3A_22, %add3A_21] : memref<2x2048xi32, #tpu.memory_space<hbm>> -> memref<1x32xi32, #tpu.memory_space<hbm>>
      %dma_wait3A_52 = tpu.memref_squeeze %dma_wait3A_51 : memref<1x32xi32, #tpu.memory_space<hbm>> -> memref<32xi32, #tpu.memory_space<hbm>>
      tpu.wait_dma2 semaphore(%run_scoped3A_36 : memref<!tpu.dma_semaphore, #tpu.memory_space<semaphore_mem>>) src(%dma_wait3A_52 : memref<32xi32, #tpu.memory_space<hbm>>) dst(%dma_wait3A_50 : memref<32xi32, #tpu.memory_space<vmem>>)
      tpu.yield
    }) : () -> ()
    %run_scoped3A_23 = arith.constant 1 : i32
    "tpu.region"() ({
      %run_scoped3A_36 = tpu.sem_alloc : memref<!tpu.dma_semaphore, #tpu.memory_space<semaphore_mem>>
      %dma_start3A_37 = arith.constant 32 : i32
      %dma_start3A_38 = tpu.memref_slice %arg5[%dma_start3A_37] : memref<64xi32, #tpu.memory_space<vmem>> -> memref<32xi32, #tpu.memory_space<vmem>>
      %dma_start3A_39 = tpu.memref_slice %arg3[%run_scoped3A_23, %add3A_21] : memref<2x2048xi32, #tpu.memory_space<hbm>> -> memref<1x32xi32, #tpu.memory_space<hbm>>
      %dma_start3A_40 = tpu.memref_squeeze %dma_start3A_39 : memref<1x32xi32, #tpu.memory_space<hbm>> -> memref<32xi32, #tpu.memory_space<hbm>>
      %dma_start3A_41 = arith.constant 32 : i32
      %dma_start3A_42 = tpu.memref_slice %arg5[%dma_start3A_41] : memref<64xi32, #tpu.memory_space<vmem>> -> memref<32xi32, #tpu.memory_space<vmem>>
      %dma_start3A_43 = tpu.memref_slice %arg3[%run_scoped3A_23, %add3A_21] : memref<2x2048xi32, #tpu.memory_space<hbm>> -> memref<1x32xi32, #tpu.memory_space<hbm>>
      %dma_start3A_44 = tpu.memref_squeeze %dma_start3A_43 : memref<1x32xi32, #tpu.memory_space<hbm>> -> memref<32xi32, #tpu.memory_space<hbm>>
      tpu.enqueue_dma source(%dma_start3A_44 : memref<32xi32, #tpu.memory_space<hbm>>) target(%dma_start3A_42 : memref<32xi32, #tpu.memory_space<vmem>>) target_semaphore(%run_scoped3A_36 : memref<!tpu.dma_semaphore, #tpu.memory_space<semaphore_mem>>)
      %dma_wait3A_45 = arith.constant 32 : i32
      %dma_wait3A_46 = tpu.memref_slice %arg5[%dma_wait3A_45] : memref<64xi32, #tpu.memory_space<vmem>> -> memref<32xi32, #tpu.memory_space<vmem>>
      %dma_wait3A_47 = tpu.memref_slice %arg3[%run_scoped3A_23, %add3A_21] : memref<2x2048xi32, #tpu.memory_space<hbm>> -> memref<1x32xi32, #tpu.memory_space<hbm>>
      %dma_wait3A_48 = tpu.memref_squeeze %dma_wait3A_47 : memref<1x32xi32, #tpu.memory_space<hbm>> -> memref<32xi32, #tpu.memory_space<hbm>>
      %dma_wait3A_49 = arith.constant 32 : i32
      %dma_wait3A_50 = tpu.memref_slice %arg5[%dma_wait3A_49] : memref<64xi32, #tpu.memory_space<vmem>> -> memref<32xi32, #tpu.memory_space<vmem>>
      %dma_wait3A_51 = tpu.memref_slice %arg3[%run_scoped3A_23, %add3A_21] : memref<2x2048xi32, #tpu.memory_space<hbm>> -> memref<1x32xi32, #tpu.memory_space<hbm>>
      %dma_wait3A_52 = tpu.memref_squeeze %dma_wait3A_51 : memref<1x32xi32, #tpu.memory_space<hbm>> -> memref<32xi32, #tpu.memory_space<hbm>>
      tpu.wait_dma2 semaphore(%run_scoped3A_36 : memref<!tpu.dma_semaphore, #tpu.memory_space<semaphore_mem>>) src(%dma_wait3A_52 : memref<32xi32, #tpu.memory_space<hbm>>) dst(%dma_wait3A_50 : memref<32xi32, #tpu.memory_space<vmem>>)
      tpu.yield
    }) : () -> ()
    %dma_start3A_24 = arith.constant 0 : i32
    %dma_start3A_25 = arith.constant 0 : i32
    %dma_start3A_26 = tpu.memref_slice %arg2[%dma_start3A_24, %dma_start3A_25] : memref<6144x1024xf32, #tpu.memory_space<hbm>> -> memref<6144x1024xf32, #tpu.memory_space<hbm>>
    tpu.enqueue_indirect_dma source(%dma_start3A_26 : memref<6144x1024xf32, #tpu.memory_space<hbm>>) target(%arg6 : memref<64x1024xf32, #tpu.memory_space<vmem>>) offsets(%arg5 : memref<64xi32, #tpu.memory_space<vmem>>) semaphore(%arg8 : memref<!tpu.dma_semaphore, #tpu.memory_space<semaphore_mem>>)
    %dma_wait3A_27 = arith.constant 0 : i32
    %dma_wait3A_28 = arith.constant 0 : i32
    %dma_wait3A_29 = tpu.memref_slice %arg2[%dma_wait3A_27, %dma_wait3A_28] : memref<6144x1024xf32, #tpu.memory_space<hbm>> -> memref<6144x1024xf32, #tpu.memory_space<hbm>>
    tpu.wait_indirect_dma semaphore(%arg8 : memref<!tpu.dma_semaphore, #tpu.memory_space<semaphore_mem>>) src(%dma_wait3A_29 : memref<6144x1024xf32, #tpu.memory_space<hbm>>) dst(%arg6 : memref<64x1024xf32, #tpu.memory_space<vmem>>)
    %scan3A_30 = arith.constant 0 : i32
    %scan3A_31 = arith.constant 0 : i32
    %scan3A_32 = arith.constant 32 : i32
    %scan3A_33 = arith.addi %scan3A_31, %scan3A_32 : i32
    %scan3A_34 = arith.constant 1 : i32
    scf.for %scan3A_36 = %scan3A_31 to %scan3A_33 step %scan3A_34  : i32 {
      %get3A = arith.index_cast %scan3A_36 : i32 to index
      %get3A_37 = arith.constant 0 : index
      %get3A_38 = tpu.vector_load %arg6[%get3A, %get3A_37] {strides = array<i32>} : memref<64x1024xf32, #tpu.memory_space<vmem>>, vector<1x16xf32>,
      %get3A_39 = vector.shape_cast %get3A_38 : vector<1x16xf32> to vector<16xf32>
      %add3A_40 = arith.constant 32 : i32
      %add3A_41 = arith.addi %scan3A_36, %add3A_40 : i32
      %get3A_42 = arith.index_cast %add3A_41 : i32 to index
      %get3A_43 = arith.constant 0 : index
      %get3A_44 = tpu.vector_load %arg6[%get3A_42, %get3A_43] {strides = array<i32>} : memref<64x1024xf32, #tpu.memory_space<vmem>>, vector<1x16xf32>,
      %get3A_45 = vector.shape_cast %get3A_44 : vector<1x16xf32> to vector<16xf32>
      %add3A_46 = arith.addf %get3A_39, %get3A_45 : vector<16xf32>
      %swap3A = arith.index_cast %scan3A_36 : i32 to index
      %swap3A_47 = arith.constant 0 : index
      %swap3A_48 = tpu.vector_load %arg7[%swap3A, %swap3A_47] {strides = array<i32>} : memref<32x1024xf32, #tpu.memory_space<vmem>>, vector<1x16xf32>,
      %swap3A_49 = vector.shape_cast %swap3A_48 : vector<1x16xf32> to vector<16xf32>
      %swap3A_50 = vector.shape_cast %add3A_46 : vector<16xf32> to vector<1x16xf32>
      tpu.vector_store %arg7[%swap3A, %swap3A_47], %swap3A_50 {strides = array<i32>} : memref<32x1024xf32, #tpu.memory_space<vmem>>, vector<1x16xf32>,
      %get3A_51 = arith.index_cast %scan3A_36 : i32 to index
      %get3A_52 = arith.constant 16 : index
      %get3A_53 = tpu.vector_load %arg6[%get3A_51, %get3A_52] {strides = array<i32>} : memref<64x1024xf32, #tpu.memory_space<vmem>>, vector<1x16xf32>,
      %get3A_54 = vector.shape_cast %get3A_53 : vector<1x16xf32> to vector<16xf32>
      %add3A_55 = arith.constant 32 : i32
      %add3A_56 = arith.addi %scan3A_36, %add3A_55 : i32
      %get3A_57 = arith.index_cast %add3A_56 : i32 to index
      %get3A_58 = arith.constant 16 : index
      %get3A_59 = tpu.vector_load %arg6[%get3A_57, %get3A_58] {strides = array<i32>} : memref<64x1024xf32, #tpu.memory_space<vmem>>, vector<1x16xf32>,
      %get3A_60 = vector.shape_cast %get3A_59 : vector<1x16xf32> to vector<16xf32>
      %add3A_61 = arith.addf %get3A_54, %get3A_60 : vector<16xf32>
      %swap3A_62 = arith.index_cast %scan3A_36 : i32 to index
      %swap3A_63 = arith.constant 16 : index
      %swap3A_64 = tpu.vector_load %arg7[%swap3A_62, %swap3A_63] {strides = array<i32>} : memref<32x1024xf32, #tpu.memory_space<vmem>>, vector<1x16xf32>,
      %swap3A_65 = vector.shape_cast %swap3A_64 : vector<1x16xf32> to vector<16xf32>
      %swap3A_66 = vector.shape_cast %add3A_61 : vector<16xf32> to vector<1x16xf32>
      tpu.vector_store %arg7[%swap3A_62, %swap3A_63], %swap3A_66 {strides = array<i32>} : memref<32x1024xf32, #tpu.memory_space<vmem>>, vector<1x16xf32>,
      %get3A_67 = arith.index_cast %scan3A_36 : i32 to index
      %get3A_68 = arith.constant 32 : index
      %get3A_69 = tpu.vector_load %arg6[%get3A_67, %get3A_68] {strides = array<i32>} : memref<64x1024xf32, #tpu.memory_space<vmem>>, vector<1x16xf32>,
      %get3A_70 = vector.shape_cast %get3A_69 : vector<1x16xf32> to vector<16xf32>
      %add3A_71 = arith.constant 32 : i32
      %add3A_72 = arith.addi %scan3A_36, %add3A_71 : i32
      %get3A_73 = arith.index_cast %add3A_72 : i32 to index
      %get3A_74 = arith.constant 32 : index
      %get3A_75 = tpu.vector_load %arg6[%get3A_73, %get3A_74] {strides = array<i32>} : memref<64x1024xf32, #tpu.memory_space<vmem>>, vector<1x16xf32>,
      %get3A_76 = vector.shape_cast %get3A_75 : vector<1x16xf32> to vector<16xf32>
      %add3A_77 = arith.addf %get3A_70, %get3A_76 : vector<16xf32>
      %swap3A_78 = arith.index_cast %scan3A_36 : i32 to index
      %swap3A_79 = arith.constant 32 : index
      %swap3A_80 = tpu.vector_load %arg7[%swap3A_78, %swap3A_79] {strides = array<i32>} : memref<32x1024xf32, #tpu.memory_space<vmem>>, vector<1x16xf32>,
      %swap3A_81 = vector.shape_cast %swap3A_80 : vector<1x16xf32> to vector<16xf32>
      %swap3A_82 = vector.shape_cast %add3A_77 : vector<16xf32> to vector<1x16xf32>
      tpu.vector_store %arg7[%swap3A_78, %swap3A_79], %swap3A_82 {strides = array<i32>} : memref<32x1024xf32, #tpu.memory_space<vmem>>, vector<1x16xf32>,
      %get3A_83 = arith.index_cast %scan3A_36 : i32 to index
      %get3A_84 = arith.constant 48 : index
      %get3A_85 = tpu.vector_load %arg6[%get3A_83, %get3A_84] {strides = array<i32>} : memref<64x1024xf32, #tpu.memory_space<vmem>>, vector<1x16xf32>,
      %get3A_86 = vector.shape_cast %get3A_85 : vector<1x16xf32> to vector<16xf32>
      %add3A_87 = arith.constant 32 : i32
      %add3A_88 = arith.addi %scan3A_36, %add3A_87 : i32
      %get3A_89 = arith.index_cast %add3A_88 : i32 to index
      %get3A_90 = arith.constant 48 : index
      %get3A_91 = tpu.vector_load %arg6[%get3A_89, %get3A_90] {strides = array<i32>} : memref<64x1024xf32, #tpu.memory_space<vmem>>, vector<1x16xf32>,
      %get3A_92 = vector.shape_cast %get3A_91 : vector<1x16xf32> to vector<16xf32>
      %add3A_93 = arith.addf %get3A_86, %get3A_92 : vector<16xf32>
      %swap3A_94 = arith.index_cast %scan3A_36 : i32 to index
      %swap3A_95 = arith.constant 48 : index
      %swap3A_96 = tpu.vector_load %arg7[%swap3A_94, %swap3A_95] {strides = array<i32>} : memref<32x1024xf32, #tpu.memory_space<vmem>>, vector<1x16xf32>,
      %swap3A_97 = vector.shape_cast %swap3A_96 : vector<1x16xf32> to vector<16xf32>
      %swap3A_98 = vector.shape_cast %add3A_93 : vector<16xf32> to vector<1x16xf32>
      tpu.vector_store %arg7[%swap3A_94, %swap3A_95], %swap3A_98 {strides = array<i32>} : memref<32x1024xf32, #tpu.memory_space<vmem>>, vector<1x16xf32>,
      %get3A_99 = arith.index_cast %scan3A_36 : i32 to index
      %get3A_100 = arith.constant 64 : index
      %get3A_101 = tpu.vector_load %arg6[%get3A_99, %get3A_100] {strides = array<i32>} : memref<64x1024xf32, #tpu.memory_space<vmem>>, vector<1x16xf32>,
      %get3A_102 = vector.shape_cast %get3A_101 : vector<1x16xf32> to vector<16xf32>
      %add3A_103 = arith.constant 32 : i32
      %add3A_104 = arith.addi %scan3A_36, %add3A_103 : i32
      %get3A_105 = arith.index_cast %add3A_104 : i32 to index
      %get3A_106 = arith.constant 64 : index
      %get3A_107 = tpu.vector_load %arg6[%get3A_105, %get3A_106] {strides = array<i32>} : memref<64x1024xf32, #tpu.memory_space<vmem>>, vector<1x16xf32>,
      %get3A_108 = vector.shape_cast %get3A_107 : vector<1x16xf32> to vector<16xf32>
      %add3A_109 = arith.addf %get3A_102, %get3A_108 : vector<16xf32>
      %swap3A_110 = arith.index_cast %scan3A_36 : i32 to index
      %swap3A_111 = arith.constant 64 : index
      %swap3A_112 = tpu.vector_load %arg7[%swap3A_110, %swap3A_111] {strides = array<i32>} : memref<32x1024xf32, #tpu.memory_space<vmem>>, vector<1x16xf32>,
      %swap3A_113 = vector.shape_cast %swap3A_112 : vector<1x16xf32> to vector<16xf32>
      %swap3A_114 = vector.shape_cast %add3A_109 : vector<16xf32> to vector<1x16xf32>
      tpu.vector_store %arg7[%swap3A_110, %swap3A_111], %swap3A_114 {strides = array<i32>} : memref<32x1024xf32, #tpu.memory_space<vmem>>, vector<1x16xf32>,
      %get3A_115 = arith.index_cast %scan3A_36 : i32 to index
      %get3A_116 = arith.constant 80 : index
      %get3A_117 = tpu.vector_load %arg6[%get3A_115, %get3A_116] {strides = array<i32>} : memref<64x1024xf32, #tpu.memory_space<vmem>>, vector<1x16xf32>,
      %get3A_118 = vector.shape_cast %get3A_117 : vector<1x16xf32> to vector<16xf32>
      %add3A_119 = arith.constant 32 : i32
      %add3A_120 = arith.addi %scan3A_36, %add3A_119 : i32
      %get3A_121 = arith.index_cast %add3A_120 : i32 to index
      %get3A_122 = arith.constant 80 : index
      %get3A_123 = tpu.vector_load %arg6[%get3A_121, %get3A_122] {strides = array<i32>} : memref<64x1024xf32, #tpu.memory_space<vmem>>, vector<1x16xf32>,
      %get3A_124 = vector.shape_cast %get3A_123 : vector<1x16xf32> to vector<16xf32>
      %add3A_125 = arith.addf %get3A_118, %get3A_124 : vector<16xf32>
      %swap3A_126 = arith.index_cast %scan3A_36 : i32 to index
      %swap3A_127 = arith.constant 80 : index
      %swap3A_128 = tpu.vector_load %arg7[%swap3A_126, %swap3A_127] {strides = array<i32>} : memref<32x1024xf32, #tpu.memory_space<vmem>>, vector<1x16xf32>,
      %swap3A_129 = vector.shape_cast %swap3A_128 : vector<1x16xf32> to vector<16xf32>
      %swap3A_130 = vector.shape_cast %add3A_125 : vector<16xf32> to vector<1x16xf32>
      tpu.vector_store %arg7[%swap3A_126, %swap3A_127], %swap3A_130 {strides = array<i32>} : memref<32x1024xf32, #tpu.memory_space<vmem>>, vector<1x16xf32>,
      %get3A_131 = arith.index_cast %scan3A_36 : i32 to index
      %get3A_132 = arith.constant 96 : index
      %get3A_133 = tpu.vector_load %arg6[%get3A_131, %get3A_132] {strides = array<i32>} : memref<64x1024xf32, #tpu.memory_space<vmem>>, vector<1x16xf32>,
      %get3A_134 = vector.shape_cast %get3A_133 : vector<1x16xf32> to vector<16xf32>
      %add3A_135 = arith.constant 32 : i32
      %add3A_136 = arith.addi %scan3A_36, %add3A_135 : i32
      %get3A_137 = arith.index_cast %add3A_136 : i32 to index
      %get3A_138 = arith.constant 96 : index
      %get3A_139 = tpu.vector_load %arg6[%get3A_137, %get3A_138] {strides = array<i32>} : memref<64x1024xf32, #tpu.memory_space<vmem>>, vector<1x16xf32>,
      %get3A_140 = vector.shape_cast %get3A_139 : vector<1x16xf32> to vector<16xf32>
      %add3A_141 = arith.addf %get3A_134, %get3A_140 : vector<16xf32>
      %swap3A_142 = arith.index_cast %scan3A_36 : i32 to index
      %swap3A_143 = arith.constant 96 : index
      %swap3A_144 = tpu.vector_load %arg7[%swap3A_142, %swap3A_143] {strides = array<i32>} : memref<32x1024xf32, #tpu.memory_space<vmem>>, vector<1x16xf32>,
      %swap3A_145 = vector.shape_cast %swap3A_144 : vector<1x16xf32> to vector<16xf32>
      %swap3A_146 = vector.shape_cast %add3A_141 : vector<16xf32> to vector<1x16xf32>
      tpu.vector_store %arg7[%swap3A_142, %swap3A_143], %swap3A_146 {strides = array<i32>} : memref<32x1024xf32, #tpu.memory_space<vmem>>, vector<1x16xf32>,
      %get3A_147 = arith.index_cast %scan3A_36 : i32 to index
      %get3A_148 = arith.constant 112 : index
      %get3A_149 = tpu.vector_load %arg6[%get3A_147, %get3A_148] {strides = array<i32>} : memref<64x1024xf32, #tpu.memory_space<vmem>>, vector<1x16xf32>,
      %get3A_150 = vector.shape_cast %get3A_149 : vector<1x16xf32> to vector<16xf32>
      %add3A_151 = arith.constant 32 : i32
      %add3A_152 = arith.addi %scan3A_36, %add3A_151 : i32
      %get3A_153 = arith.index_cast %add3A_152 : i32 to index
      %get3A_154 = arith.constant 112 : index
      %get3A_155 = tpu.vector_load %arg6[%get3A_153, %get3A_154] {strides = array<i32>} : memref<64x1024xf32, #tpu.memory_space<vmem>>, vector<1x16xf32>,
      %get3A_156 = vector.shape_cast %get3A_155 : vector<1x16xf32> to vector<16xf32>
      %add3A_157 = arith.addf %get3A_150, %get3A_156 : vector<16xf32>
      %swap3A_158 = arith.index_cast %scan3A_36 : i32 to index
      %swap3A_159 = arith.constant 112 : index
      %swap3A_160 = tpu.vector_load %arg7[%swap3A_158, %swap3A_159] {strides = array<i32>} : memref<32x1024xf32, #tpu.memory_space<vmem>>, vector<1x16xf32>,
      %swap3A_161 = vector.shape_cast %swap3A_160 : vector<1x16xf32> to vector<16xf32>
      %swap3A_162 = vector.shape_cast %add3A_157 : vector<16xf32> to vector<1x16xf32>
      tpu.vector_store %arg7[%swap3A_158, %swap3A_159], %swap3A_162 {strides = array<i32>} : memref<32x1024xf32, #tpu.memory_space<vmem>>, vector<1x16xf32>,
      %get3A_163 = arith.index_cast %scan3A_36 : i32 to index
      %get3A_164 = arith.constant 128 : index
      %get3A_165 = tpu.vector_load %arg6[%get3A_163, %get3A_164] {strides = array<i32>} : memref<64x1024xf32, #tpu.memory_space<vmem>>, vector<1x16xf32>,
      %get3A_166 = vector.shape_cast %get3A_165 : vector<1x16xf32> to vector<16xf32>
      %add3A_167 = arith.constant 32 : i32
      %add3A_168 = arith.addi %scan3A_36, %add3A_167 : i32
      %get3A_169 = arith.index_cast %add3A_168 : i32 to index
      %get3A_170 = arith.constant 128 : index
      %get3A_171 = tpu.vector_load %arg6[%get3A_169, %get3A_170] {strides = array<i32>} : memref<64x1024xf32, #tpu.memory_space<vmem>>, vector<1x16xf32>,
      %get3A_172 = vector.shape_cast %get3A_171 : vector<1x16xf32> to vector<16xf32>
      %add3A_173 = arith.addf %get3A_166, %get3A_172 : vector<16xf32>
      %swap3A_174 = arith.index_cast %scan3A_36 : i32 to index
      %swap3A_175 = arith.constant 128 : index
      %swap3A_176 = tpu.vector_load %arg7[%swap3A_174, %swap3A_175] {strides = array<i32>} : memref<32x1024xf32, #tpu.memory_space<vmem>>, vector<1x16xf32>,
      %swap3A_177 = vector.shape_cast %swap3A_176 : vector<1x16xf32> to vector<16xf32>
      %swap3A_178 = vector.shape_cast %add3A_173 : vector<16xf32> to vector<1x16xf32>
      tpu.vector_store %arg7[%swap3A_174, %swap3A_175], %swap3A_178 {strides = array<i32>} : memref<32x1024xf32, #tpu.memory_space<vmem>>, vector<1x16xf32>,
      %get3A_179 = arith.index_cast %scan3A_36 : i32 to index
      %get3A_180 = arith.constant 144 : index
      %get3A_181 = tpu.vector_load %arg6[%get3A_179, %get3A_180] {strides = array<i32>} : memref<64x1024xf32, #tpu.memory_space<vmem>>, vector<1x16xf32>,
      %get3A_182 = vector.shape_cast %get3A_181 : vector<1x16xf32> to vector<16xf32>
      %add3A_183 = arith.constant 32 : i32
      %add3A_184 = arith.addi %scan3A_36, %add3A_183 : i32
      %get3A_185 = arith.index_cast %add3A_184 : i32 to index
      %get3A_186 = arith.constant 144 : index
      %get3A_187 = tpu.vector_load %arg6[%get3A_185, %get3A_186] {strides = array<i32>} : memref<64x1024xf32, #tpu.memory_space<vmem>>, vector<1x16xf32>,
      %get3A_188 = vector.shape_cast %get3A_187 : vector<1x16xf32> to vector<16xf32>
      %add3A_189 = arith.addf %get3A_182, %get3A_188 : vector<16xf32>
      %swap3A_190 = arith.index_cast %scan3A_36 : i32 to index
      %swap3A_191 = arith.constant 144 : index
      %swap3A_192 = tpu.vector_load %arg7[%swap3A_190, %swap3A_191] {strides = array<i32>} : memref<32x1024xf32, #tpu.memory_space<vmem>>, vector<1x16xf32>,
      %swap3A_193 = vector.shape_cast %swap3A_192 : vector<1x16xf32> to vector<16xf32>
      %swap3A_194 = vector.shape_cast %add3A_189 : vector<16xf32> to vector<1x16xf32>
      tpu.vector_store %arg7[%swap3A_190, %swap3A_191], %swap3A_194 {strides = array<i32>} : memref<32x1024xf32, #tpu.memory_space<vmem>>, vector<1x16xf32>,
      %get3A_195 = arith.index_cast %scan3A_36 : i32 to index
      %get3A_196 = arith.constant 160 : index
      %get3A_197 = tpu.vector_load %arg6[%get3A_195, %get3A_196] {strides = array<i32>} : memref<64x1024xf32, #tpu.memory_space<vmem>>, vector<1x16xf32>,
      %get3A_198 = vector.shape_cast %get3A_197 : vector<1x16xf32> to vector<16xf32>
      %add3A_199 = arith.constant 32 : i32
      %add3A_200 = arith.addi %scan3A_36, %add3A_199 : i32
      %get3A_201 = arith.index_cast %add3A_200 : i32 to index
      %get3A_202 = arith.constant 160 : index
      %get3A_203 = tpu.vector_load %arg6[%get3A_201, %get3A_202] {strides = array<i32>} : memref<64x1024xf32, #tpu.memory_space<vmem>>, vector<1x16xf32>,
      %get3A_204 = vector.shape_cast %get3A_203 : vector<1x16xf32> to vector<16xf32>
      %add3A_205 = arith.addf %get3A_198, %get3A_204 : vector<16xf32>
      %swap3A_206 = arith.index_cast %scan3A_36 : i32 to index
      %swap3A_207 = arith.constant 160 : index
      %swap3A_208 = tpu.vector_load %arg7[%swap3A_206, %swap3A_207] {strides = array<i32>} : memref<32x1024xf32, #tpu.memory_space<vmem>>, vector<1x16xf32>,
      %swap3A_209 = vector.shape_cast %swap3A_208 : vector<1x16xf32> to vector<16xf32>
      %swap3A_210 = vector.shape_cast %add3A_205 : vector<16xf32> to vector<1x16xf32>
      tpu.vector_store %arg7[%swap3A_206, %swap3A_207], %swap3A_210 {strides = array<i32>} : memref<32x1024xf32, #tpu.memory_space<vmem>>, vector<1x16xf32>,
      %get3A_211 = arith.index_cast %scan3A_36 : i32 to index
      %get3A_212 = arith.constant 176 : index
      %get3A_213 = tpu.vector_load %arg6[%get3A_211, %get3A_212] {strides = array<i32>} : memref<64x1024xf32, #tpu.memory_space<vmem>>, vector<1x16xf32>,
      %get3A_214 = vector.shape_cast %get3A_213 : vector<1x16xf32> to vector<16xf32>
      %add3A_215 = arith.constant 32 : i32
      %add3A_216 = arith.addi %scan3A_36, %add3A_215 : i32
      %get3A_217 = arith.index_cast %add3A_216 : i32 to index
      %get3A_218 = arith.constant 176 : index
      %get3A_219 = tpu.vector_load %arg6[%get3A_217, %get3A_218] {strides = array<i32>} : memref<64x1024xf32, #tpu.memory_space<vmem>>, vector<1x16xf32>,
      %get3A_220 = vector.shape_cast %get3A_219 : vector<1x16xf32> to vector<16xf32>
      %add3A_221 = arith.addf %get3A_214, %get3A_220 : vector<16xf32>
      %swap3A_222 = arith.index_cast %scan3A_36 : i32 to index
      %swap3A_223 = arith.constant 176 : index
      %swap3A_224 = tpu.vector_load %arg7[%swap3A_222, %swap3A_223] {strides = array<i32>} : memref<32x1024xf32, #tpu.memory_space<vmem>>, vector<1x16xf32>,
      %swap3A_225 = vector.shape_cast %swap3A_224 : vector<1x16xf32> to vector<16xf32>
      %swap3A_226 = vector.shape_cast %add3A_221 : vector<16xf32> to vector<1x16xf32>
      tpu.vector_store %arg7[%swap3A_222, %swap3A_223], %swap3A_226 {strides = array<i32>} : memref<32x1024xf32, #tpu.memory_space<vmem>>, vector<1x16xf32>,
      %get3A_227 = arith.index_cast %scan3A_36 : i32 to index
      %get3A_228 = arith.constant 192 : index
      %get3A_229 = tpu.vector_load %arg6[%get3A_227, %get3A_228] {strides = array<i32>} : memref<64x1024xf32, #tpu.memory_space<vmem>>, vector<1x16xf32>,
      %get3A_230 = vector.shape_cast %get3A_229 : vector<1x16xf32> to vector<16xf32>
      %add3A_231 = arith.constant 32 : i32
      %add3A_232 = arith.addi %scan3A_36, %add3A_231 : i32
      %get3A_233 = arith.index_cast %add3A_232 : i32 to index
      %get3A_234 = arith.constant 192 : index
      %get3A_235 = tpu.vector_load %arg6[%get3A_233, %get3A_234] {strides = array<i32>} : memref<64x1024xf32, #tpu.memory_space<vmem>>, vector<1x16xf32>,
      %get3A_236 = vector.shape_cast %get3A_235 : vector<1x16xf32> to vector<16xf32>
      %add3A_237 = arith.addf %get3A_230, %get3A_236 : vector<16xf32>
      %swap3A_238 = arith.index_cast %scan3A_36 : i32 to index
      %swap3A_239 = arith.constant 192 : index
      %swap3A_240 = tpu.vector_load %arg7[%swap3A_238, %swap3A_239] {strides = array<i32>} : memref<32x1024xf32, #tpu.memory_space<vmem>>, vector<1x16xf32>,
      %swap3A_241 = vector.shape_cast %swap3A_240 : vector<1x16xf32> to vector<16xf32>
      %swap3A_242 = vector.shape_cast %add3A_237 : vector<16xf32> to vector<1x16xf32>
      tpu.vector_store %arg7[%swap3A_238, %swap3A_239], %swap3A_242 {strides = array<i32>} : memref<32x1024xf32, #tpu.memory_space<vmem>>, vector<1x16xf32>,
      %get3A_243 = arith.index_cast %scan3A_36 : i32 to index
      %get3A_244 = arith.constant 208 : index
      %get3A_245 = tpu.vector_load %arg6[%get3A_243, %get3A_244] {strides = array<i32>} : memref<64x1024xf32, #tpu.memory_space<vmem>>, vector<1x16xf32>,
      %get3A_246 = vector.shape_cast %get3A_245 : vector<1x16xf32> to vector<16xf32>
      %add3A_247 = arith.constant 32 : i32
      %add3A_248 = arith.addi %scan3A_36, %add3A_247 : i32
      %get3A_249 = arith.index_cast %add3A_248 : i32 to index
      %get3A_250 = arith.constant 208 : index
      %get3A_251 = tpu.vector_load %arg6[%get3A_249, %get3A_250] {strides = array<i32>} : memref<64x1024xf32, #tpu.memory_space<vmem>>, vector<1x16xf32>,
      %get3A_252 = vector.shape_cast %get3A_251 : vector<1x16xf32> to vector<16xf32>
      %add3A_253 = arith.addf %get3A_246, %get3A_252 : vector<16xf32>
      %swap3A_254 = arith.index_cast %scan3A_36 : i32 to index
      %swap3A_255 = arith.constant 208 : index
      %swap3A_256 = tpu.vector_load %arg7[%swap3A_254, %swap3A_255] {strides = array<i32>} : memref<32x1024xf32, #tpu.memory_space<vmem>>, vector<1x16xf32>,
      %swap3A_257 = vector.shape_cast %swap3A_256 : vector<1x16xf32> to vector<16xf32>
      %swap3A_258 = vector.shape_cast %add3A_253 : vector<16xf32> to vector<1x16xf32>
      tpu.vector_store %arg7[%swap3A_254, %swap3A_255], %swap3A_258 {strides = array<i32>} : memref<32x1024xf32, #tpu.memory_space<vmem>>, vector<1x16xf32>,
      %get3A_259 = arith.index_cast %scan3A_36 : i32 to index
      %get3A_260 = arith.constant 224 : index
      %get3A_261 = tpu.vector_load %arg6[%get3A_259, %get3A_260] {strides = array<i32>} : memref<64x1024xf32, #tpu.memory_space<vmem>>, vector<1x16xf32>,
      %get3A_262 = vector.shape_cast %get3A_261 : vector<1x16xf32> to vector<16xf32>
      %add3A_263 = arith.constant 32 : i32
      %add3A_264 = arith.addi %scan3A_36, %add3A_263 : i32
      %get3A_265 = arith.index_cast %add3A_264 : i32 to index
      %get3A_266 = arith.constant 224 : index
      %get3A_267 = tpu.vector_load %arg6[%get3A_265, %get3A_266] {strides = array<i32>} : memref<64x1024xf32, #tpu.memory_space<vmem>>, vector<1x16xf32>,
      %get3A_268 = vector.shape_cast %get3A_267 : vector<1x16xf32> to vector<16xf32>
      %add3A_269 = arith.addf %get3A_262, %get3A_268 : vector<16xf32>
      %swap3A_270 = arith.index_cast %scan3A_36 : i32 to index
      %swap3A_271 = arith.constant 224 : index
      %swap3A_272 = tpu.vector_load %arg7[%swap3A_270, %swap3A_271] {strides = array<i32>} : memref<32x1024xf32, #tpu.memory_space<vmem>>, vector<1x16xf32>,
      %swap3A_273 = vector.shape_cast %swap3A_272 : vector<1x16xf32> to vector<16xf32>
      %swap3A_274 = vector.shape_cast %add3A_269 : vector<16xf32> to vector<1x16xf32>
      tpu.vector_store %arg7[%swap3A_270, %swap3A_271], %swap3A_274 {strides = array<i32>} : memref<32x1024xf32, #tpu.memory_space<vmem>>, vector<1x16xf32>,
      %get3A_275 = arith.index_cast %scan3A_36 : i32 to index
      %get3A_276 = arith.constant 240 : index
      %get3A_277 = tpu.vector_load %arg6[%get3A_275, %get3A_276] {strides = array<i32>} : memref<64x1024xf32, #tpu.memory_space<vmem>>, vector<1x16xf32>,
      %get3A_278 = vector.shape_cast %get3A_277 : vector<1x16xf32> to vector<16xf32>
      %add3A_279 = arith.constant 32 : i32
      %add3A_280 = arith.addi %scan3A_36, %add3A_279 : i32
      %get3A_281 = arith.index_cast %add3A_280 : i32 to index
      %get3A_282 = arith.constant 240 : index
      %get3A_283 = tpu.vector_load %arg6[%get3A_281, %get3A_282] {strides = array<i32>} : memref<64x1024xf32, #tpu.memory_space<vmem>>, vector<1x16xf32>,
      %get3A_284 = vector.shape_cast %get3A_283 : vector<1x16xf32> to vector<16xf32>
      %add3A_285 = arith.addf %get3A_278, %get3A_284 : vector<16xf32>
      %swap3A_286 = arith.index_cast %scan3A_36 : i32 to index
      %swap3A_287 = arith.constant 240 : index
      %swap3A_288 = tpu.vector_load %arg7[%swap3A_286, %swap3A_287] {strides = array<i32>} : memref<32x1024xf32, #tpu.memory_space<vmem>>, vector<1x16xf32>,
      %swap3A_289 = vector.shape_cast %swap3A_288 : vector<1x16xf32> to vector<16xf32>
      %swap3A_290 = vector.shape_cast %add3A_285 : vector<16xf32> to vector<1x16xf32>
      tpu.vector_store %arg7[%swap3A_286, %swap3A_287], %swap3A_290 {strides = array<i32>} : memref<32x1024xf32, #tpu.memory_space<vmem>>, vector<1x16xf32>,
      %get3A_291 = arith.index_cast %scan3A_36 : i32 to index
      %get3A_292 = arith.constant 256 : index
      %get3A_293 = tpu.vector_load %arg6[%get3A_291, %get3A_292] {strides = array<i32>} : memref<64x1024xf32, #tpu.memory_space<vmem>>, vector<1x16xf32>,
      %get3A_294 = vector.shape_cast %get3A_293 : vector<1x16xf32> to vector<16xf32>
      %add3A_295 = arith.constant 32 : i32
      %add3A_296 = arith.addi %scan3A_36, %add3A_295 : i32
      %get3A_297 = arith.index_cast %add3A_296 : i32 to index
      %get3A_298 = arith.constant 256 : index
      %get3A_299 = tpu.vector_load %arg6[%get3A_297, %get3A_298] {strides = array<i32>} : memref<64x1024xf32, #tpu.memory_space<vmem>>, vector<1x16xf32>,
      %get3A_300 = vector.shape_cast %get3A_299 : vector<1x16xf32> to vector<16xf32>
      %add3A_301 = arith.addf %get3A_294, %get3A_300 : vector<16xf32>
      %swap3A_302 = arith.index_cast %scan3A_36 : i32 to index
      %swap3A_303 = arith.constant 256 : index
      %swap3A_304 = tpu.vector_load %arg7[%swap3A_302, %swap3A_303] {strides = array<i32>} : memref<32x1024xf32, #tpu.memory_space<vmem>>, vector<1x16xf32>,
      %swap3A_305 = vector.shape_cast %swap3A_304 : vector<1x16xf32> to vector<16xf32>
      %swap3A_306 = vector.shape_cast %add3A_301 : vector<16xf32> to vector<1x16xf32>
      tpu.vector_store %arg7[%swap3A_302, %swap3A_303], %swap3A_306 {strides = array<i32>} : memref<32x1024xf32, #tpu.memory_space<vmem>>, vector<1x16xf32>,
      %get3A_307 = arith.index_cast %scan3A_36 : i32 to index
      %get3A_308 = arith.constant 272 : index
      %get3A_309 = tpu.vector_load %arg6[%get3A_307, %get3A_308] {strides = array<i32>} : memref<64x1024xf32, #tpu.memory_space<vmem>>, vector<1x16xf32>,
      %get3A_310 = vector.shape_cast %get3A_309 : vector<1x16xf32> to vector<16xf32>
      %add3A_311 = arith.constant 32 : i32
      %add3A_312 = arith.addi %scan3A_36, %add3A_311 : i32
      %get3A_313 = arith.index_cast %add3A_312 : i32 to index
      %get3A_314 = arith.constant 272 : index
      %get3A_315 = tpu.vector_load %arg6[%get3A_313, %get3A_314] {strides = array<i32>} : memref<64x1024xf32, #tpu.memory_space<vmem>>, vector<1x16xf32>,
      %get3A_316 = vector.shape_cast %get3A_315 : vector<1x16xf32> to vector<16xf32>
      %add3A_317 = arith.addf %get3A_310, %get3A_316 : vector<16xf32>
      %swap3A_318 = arith.index_cast %scan3A_36 : i32 to index
      %swap3A_319 = arith.constant 272 : index
      %swap3A_320 = tpu.vector_load %arg7[%swap3A_318, %swap3A_319] {strides = array<i32>} : memref<32x1024xf32, #tpu.memory_space<vmem>>, vector<1x16xf32>,
      %swap3A_321 = vector.shape_cast %swap3A_320 : vector<1x16xf32> to vector<16xf32>
      %swap3A_322 = vector.shape_cast %add3A_317 : vector<16xf32> to vector<1x16xf32>
      tpu.vector_store %arg7[%swap3A_318, %swap3A_319], %swap3A_322 {strides = array<i32>} : memref<32x1024xf32, #tpu.memory_space<vmem>>, vector<1x16xf32>,
      %get3A_323 = arith.index_cast %scan3A_36 : i32 to index
      %get3A_324 = arith.constant 288 : index
      %get3A_325 = tpu.vector_load %arg6[%get3A_323, %get3A_324] {strides = array<i32>} : memref<64x1024xf32, #tpu.memory_space<vmem>>, vector<1x16xf32>,
      %get3A_326 = vector.shape_cast %get3A_325 : vector<1x16xf32> to vector<16xf32>
      %add3A_327 = arith.constant 32 : i32
      %add3A_328 = arith.addi %scan3A_36, %add3A_327 : i32
      %get3A_329 = arith.index_cast %add3A_328 : i32 to index
      %get3A_330 = arith.constant 288 : index
      %get3A_331 = tpu.vector_load %arg6[%get3A_329, %get3A_330] {strides = array<i32>} : memref<64x1024xf32, #tpu.memory_space<vmem>>, vector<1x16xf32>,
      %get3A_332 = vector.shape_cast %get3A_331 : vector<1x16xf32> to vector<16xf32>
      %add3A_333 = arith.addf %get3A_326, %get3A_332 : vector<16xf32>
      %swap3A_334 = arith.index_cast %scan3A_36 : i32 to index
      %swap3A_335 = arith.constant 288 : index
      %swap3A_336 = tpu.vector_load %arg7[%swap3A_334, %swap3A_335] {strides = array<i32>} : memref<32x1024xf32, #tpu.memory_space<vmem>>, vector<1x16xf32>,
      %swap3A_337 = vector.shape_cast %swap3A_336 : vector<1x16xf32> to vector<16xf32>
      %swap3A_338 = vector.shape_cast %add3A_333 : vector<16xf32> to vector<1x16xf32>
      tpu.vector_store %arg7[%swap3A_334, %swap3A_335], %swap3A_338 {strides = array<i32>} : memref<32x1024xf32, #tpu.memory_space<vmem>>, vector<1x16xf32>,
      %get3A_339 = arith.index_cast %scan3A_36 : i32 to index
      %get3A_340 = arith.constant 304 : index
      %get3A_341 = tpu.vector_load %arg6[%get3A_339, %get3A_340] {strides = array<i32>} : memref<64x1024xf32, #tpu.memory_space<vmem>>, vector<1x16xf32>,
      %get3A_342 = vector.shape_cast %get3A_341 : vector<1x16xf32> to vector<16xf32>
      %add3A_343 = arith.constant 32 : i32
      %add3A_344 = arith.addi %scan3A_36, %add3A_343 : i32
      %get3A_345 = arith.index_cast %add3A_344 : i32 to index
      %get3A_346 = arith.constant 304 : index
      %get3A_347 = tpu.vector_load %arg6[%get3A_345, %get3A_346] {strides = array<i32>} : memref<64x1024xf32, #tpu.memory_space<vmem>>, vector<1x16xf32>,
      %get3A_348 = vector.shape_cast %get3A_347 : vector<1x16xf32> to vector<16xf32>
      %add3A_349 = arith.addf %get3A_342, %get3A_348 : vector<16xf32>
      %swap3A_350 = arith.index_cast %scan3A_36 : i32 to index
      %swap3A_351 = arith.constant 304 : index
      %swap3A_352 = tpu.vector_load %arg7[%swap3A_350, %swap3A_351] {strides = array<i32>} : memref<32x1024xf32, #tpu.memory_space<vmem>>, vector<1x16xf32>,
      %swap3A_353 = vector.shape_cast %swap3A_352 : vector<1x16xf32> to vector<16xf32>
      %swap3A_354 = vector.shape_cast %add3A_349 : vector<16xf32> to vector<1x16xf32>
      tpu.vector_store %arg7[%swap3A_350, %swap3A_351], %swap3A_354 {strides = array<i32>} : memref<32x1024xf32, #tpu.memory_space<vmem>>, vector<1x16xf32>,
      %get3A_355 = arith.index_cast %scan3A_36 : i32 to index
      %get3A_356 = arith.constant 320 : index
      %get3A_357 = tpu.vector_load %arg6[%get3A_355, %get3A_356] {strides = array<i32>} : memref<64x1024xf32, #tpu.memory_space<vmem>>, vector<1x16xf32>,
      %get3A_358 = vector.shape_cast %get3A_357 : vector<1x16xf32> to vector<16xf32>
      %add3A_359 = arith.constant 32 : i32
      %add3A_360 = arith.addi %scan3A_36, %add3A_359 : i32
      %get3A_361 = arith.index_cast %add3A_360 : i32 to index
      %get3A_362 = arith.constant 320 : index
      %get3A_363 = tpu.vector_load %arg6[%get3A_361, %get3A_362] {strides = array<i32>} : memref<64x1024xf32, #tpu.memory_space<vmem>>, vector<1x16xf32>,
      %get3A_364 = vector.shape_cast %get3A_363 : vector<1x16xf32> to vector<16xf32>
      %add3A_365 = arith.addf %get3A_358, %get3A_364 : vector<16xf32>
      %swap3A_366 = arith.index_cast %scan3A_36 : i32 to index
      %swap3A_367 = arith.constant 320 : index
      %swap3A_368 = tpu.vector_load %arg7[%swap3A_366, %swap3A_367] {strides = array<i32>} : memref<32x1024xf32, #tpu.memory_space<vmem>>, vector<1x16xf32>,
      %swap3A_369 = vector.shape_cast %swap3A_368 : vector<1x16xf32> to vector<16xf32>
      %swap3A_370 = vector.shape_cast %add3A_365 : vector<16xf32> to vector<1x16xf32>
      tpu.vector_store %arg7[%swap3A_366, %swap3A_367], %swap3A_370 {strides = array<i32>} : memref<32x1024xf32, #tpu.memory_space<vmem>>, vector<1x16xf32>,
      %get3A_371 = arith.index_cast %scan3A_36 : i32 to index
      %get3A_372 = arith.constant 336 : index
      %get3A_373 = tpu.vector_load %arg6[%get3A_371, %get3A_372] {strides = array<i32>} : memref<64x1024xf32, #tpu.memory_space<vmem>>, vector<1x16xf32>,
      %get3A_374 = vector.shape_cast %get3A_373 : vector<1x16xf32> to vector<16xf32>
      %add3A_375 = arith.constant 32 : i32
      %add3A_376 = arith.addi %scan3A_36, %add3A_375 : i32
      %get3A_377 = arith.index_cast %add3A_376 : i32 to index
      %get3A_378 = arith.constant 336 : index
      %get3A_379 = tpu.vector_load %arg6[%get3A_377, %get3A_378] {strides = array<i32>} : memref<64x1024xf32, #tpu.memory_space<vmem>>, vector<1x16xf32>,
      %get3A_380 = vector.shape_cast %get3A_379 : vector<1x16xf32> to vector<16xf32>
      %add3A_381 = arith.addf %get3A_374, %get3A_380 : vector<16xf32>
      %swap3A_382 = arith.index_cast %scan3A_36 : i32 to index
      %swap3A_383 = arith.constant 336 : index
      %swap3A_384 = tpu.vector_load %arg7[%swap3A_382, %swap3A_383] {strides = array<i32>} : memref<32x1024xf32, #tpu.memory_space<vmem>>, vector<1x16xf32>,
      %swap3A_385 = vector.shape_cast %swap3A_384 : vector<1x16xf32> to vector<16xf32>
      %swap3A_386 = vector.shape_cast %add3A_381 : vector<16xf32> to vector<1x16xf32>
      tpu.vector_store %arg7[%swap3A_382, %swap3A_383], %swap3A_386 {strides = array<i32>} : memref<32x1024xf32, #tpu.memory_space<vmem>>, vector<1x16xf32>,
      %get3A_387 = arith.index_cast %scan3A_36 : i32 to index
      %get3A_388 = arith.constant 352 : index
      %get3A_389 = tpu.vector_load %arg6[%get3A_387, %get3A_388] {strides = array<i32>} : memref<64x1024xf32, #tpu.memory_space<vmem>>, vector<1x16xf32>,
      %get3A_390 = vector.shape_cast %get3A_389 : vector<1x16xf32> to vector<16xf32>
      %add3A_391 = arith.constant 32 : i32
      %add3A_392 = arith.addi %scan3A_36, %add3A_391 : i32
      %get3A_393 = arith.index_cast %add3A_392 : i32 to index
      %get3A_394 = arith.constant 352 : index
      %get3A_395 = tpu.vector_load %arg6[%get3A_393, %get3A_394] {strides = array<i32>} : memref<64x1024xf32, #tpu.memory_space<vmem>>, vector<1x16xf32>,
      %get3A_396 = vector.shape_cast %get3A_395 : vector<1x16xf32> to vector<16xf32>
      %add3A_397 = arith.addf %get3A_390, %get3A_396 : vector<16xf32>
      %swap3A_398 = arith.index_cast %scan3A_36 : i32 to index
      %swap3A_399 = arith.constant 352 : index
      %swap3A_400 = tpu.vector_load %arg7[%swap3A_398, %swap3A_399] {strides = array<i32>} : memref<32x1024xf32, #tpu.memory_space<vmem>>, vector<1x16xf32>,
      %swap3A_401 = vector.shape_cast %swap3A_400 : vector<1x16xf32> to vector<16xf32>
      %swap3A_402 = vector.shape_cast %add3A_397 : vector<16xf32> to vector<1x16xf32>
      tpu.vector_store %arg7[%swap3A_398, %swap3A_399], %swap3A_402 {strides = array<i32>} : memref<32x1024xf32, #tpu.memory_space<vmem>>, vector<1x16xf32>,
      %get3A_403 = arith.index_cast %scan3A_36 : i32 to index
      %get3A_404 = arith.constant 368 : index
      %get3A_405 = tpu.vector_load %arg6[%get3A_403, %get3A_404] {strides = array<i32>} : memref<64x1024xf32, #tpu.memory_space<vmem>>, vector<1x16xf32>,
      %get3A_406 = vector.shape_cast %get3A_405 : vector<1x16xf32> to vector<16xf32>
      %add3A_407 = arith.constant 32 : i32
      %add3A_408 = arith.addi %scan3A_36, %add3A_407 : i32
      %get3A_409 = arith.index_cast %add3A_408 : i32 to index
      %get3A_410 = arith.constant 368 : index
      %get3A_411 = tpu.vector_load %arg6[%get3A_409, %get3A_410] {strides = array<i32>} : memref<64x1024xf32, #tpu.memory_space<vmem>>, vector<1x16xf32>,
      %get3A_412 = vector.shape_cast %get3A_411 : vector<1x16xf32> to vector<16xf32>
      %add3A_413 = arith.addf %get3A_406, %get3A_412 : vector<16xf32>
      %swap3A_414 = arith.index_cast %scan3A_36 : i32 to index
      %swap3A_415 = arith.constant 368 : index
      %swap3A_416 = tpu.vector_load %arg7[%swap3A_414, %swap3A_415] {strides = array<i32>} : memref<32x1024xf32, #tpu.memory_space<vmem>>, vector<1x16xf32>,
      %swap3A_417 = vector.shape_cast %swap3A_416 : vector<1x16xf32> to vector<16xf32>
      %swap3A_418 = vector.shape_cast %add3A_413 : vector<16xf32> to vector<1x16xf32>
      tpu.vector_store %arg7[%swap3A_414, %swap3A_415], %swap3A_418 {strides = array<i32>} : memref<32x1024xf32, #tpu.memory_space<vmem>>, vector<1x16xf32>,
      %get3A_419 = arith.index_cast %scan3A_36 : i32 to index
      %get3A_420 = arith.constant 384 : index
      %get3A_421 = tpu.vector_load %arg6[%get3A_419, %get3A_420] {strides = array<i32>} : memref<64x1024xf32, #tpu.memory_space<vmem>>, vector<1x16xf32>,
      %get3A_422 = vector.shape_cast %get3A_421 : vector<1x16xf32> to vector<16xf32>
      %add3A_423 = arith.constant 32 : i32
      %add3A_424 = arith.addi %scan3A_36, %add3A_423 : i32
      %get3A_425 = arith.index_cast %add3A_424 : i32 to index
      %get3A_426 = arith.constant 384 : index
      %get3A_427 = tpu.vector_load %arg6[%get3A_425, %get3A_426] {strides = array<i32>} : memref<64x1024xf32, #tpu.memory_space<vmem>>, vector<1x16xf32>,
      %get3A_428 = vector.shape_cast %get3A_427 : vector<1x16xf32> to vector<16xf32>
      %add3A_429 = arith.addf %get3A_422, %get3A_428 : vector<16xf32>
      %swap3A_430 = arith.index_cast %scan3A_36 : i32 to index
      %swap3A_431 = arith.constant 384 : index
      %swap3A_432 = tpu.vector_load %arg7[%swap3A_430, %swap3A_431] {strides = array<i32>} : memref<32x1024xf32, #tpu.memory_space<vmem>>, vector<1x16xf32>,
      %swap3A_433 = vector.shape_cast %swap3A_432 : vector<1x16xf32> to vector<16xf32>
      %swap3A_434 = vector.shape_cast %add3A_429 : vector<16xf32> to vector<1x16xf32>
      tpu.vector_store %arg7[%swap3A_430, %swap3A_431], %swap3A_434 {strides = array<i32>} : memref<32x1024xf32, #tpu.memory_space<vmem>>, vector<1x16xf32>,
      %get3A_435 = arith.index_cast %scan3A_36 : i32 to index
      %get3A_436 = arith.constant 400 : index
      %get3A_437 = tpu.vector_load %arg6[%get3A_435, %get3A_436] {strides = array<i32>} : memref<64x1024xf32, #tpu.memory_space<vmem>>, vector<1x16xf32>,
      %get3A_438 = vector.shape_cast %get3A_437 : vector<1x16xf32> to vector<16xf32>
      %add3A_439 = arith.constant 32 : i32
      %add3A_440 = arith.addi %scan3A_36, %add3A_439 : i32
      %get3A_441 = arith.index_cast %add3A_440 : i32 to index
      %get3A_442 = arith.constant 400 : index
      %get3A_443 = tpu.vector_load %arg6[%get3A_441, %get3A_442] {strides = array<i32>} : memref<64x1024xf32, #tpu.memory_space<vmem>>, vector<1x16xf32>,
      %get3A_444 = vector.shape_cast %get3A_443 : vector<1x16xf32> to vector<16xf32>
      %add3A_445 = arith.addf %get3A_438, %get3A_444 : vector<16xf32>
      %swap3A_446 = arith.index_cast %scan3A_36 : i32 to index
      %swap3A_447 = arith.constant 400 : index
      %swap3A_448 = tpu.vector_load %arg7[%swap3A_446, %swap3A_447] {strides = array<i32>} : memref<32x1024xf32, #tpu.memory_space<vmem>>, vector<1x16xf32>,
      %swap3A_449 = vector.shape_cast %swap3A_448 : vector<1x16xf32> to vector<16xf32>
      %swap3A_450 = vector.shape_cast %add3A_445 : vector<16xf32> to vector<1x16xf32>
      tpu.vector_store %arg7[%swap3A_446, %swap3A_447], %swap3A_450 {strides = array<i32>} : memref<32x1024xf32, #tpu.memory_space<vmem>>, vector<1x16xf32>,
      %get3A_451 = arith.index_cast %scan3A_36 : i32 to index
      %get3A_452 = arith.constant 416 : index
      %get3A_453 = tpu.vector_load %arg6[%get3A_451, %get3A_452] {strides = array<i32>} : memref<64x1024xf32, #tpu.memory_space<vmem>>, vector<1x16xf32>,
      %get3A_454 = vector.shape_cast %get3A_453 : vector<1x16xf32> to vector<16xf32>
      %add3A_455 = arith.constant 32 : i32
      %add3A_456 = arith.addi %scan3A_36, %add3A_455 : i32
      %get3A_457 = arith.index_cast %add3A_456 : i32 to index
      %get3A_458 = arith.constant 416 : index
      %get3A_459 = tpu.vector_load %arg6[%get3A_457, %get3A_458] {strides = array<i32>} : memref<64x1024xf32, #tpu.memory_space<vmem>>, vector<1x16xf32>,
      %get3A_460 = vector.shape_cast %get3A_459 : vector<1x16xf32> to vector<16xf32>
      %add3A_461 = arith.addf %get3A_454, %get3A_460 : vector<16xf32>
      %swap3A_462 = arith.index_cast %scan3A_36 : i32 to index
      %swap3A_463 = arith.constant 416 : index
      %swap3A_464 = tpu.vector_load %arg7[%swap3A_462, %swap3A_463] {strides = array<i32>} : memref<32x1024xf32, #tpu.memory_space<vmem>>, vector<1x16xf32>,
      %swap3A_465 = vector.shape_cast %swap3A_464 : vector<1x16xf32> to vector<16xf32>
      %swap3A_466 = vector.shape_cast %add3A_461 : vector<16xf32> to vector<1x16xf32>
      tpu.vector_store %arg7[%swap3A_462, %swap3A_463], %swap3A_466 {strides = array<i32>} : memref<32x1024xf32, #tpu.memory_space<vmem>>, vector<1x16xf32>,
      %get3A_467 = arith.index_cast %scan3A_36 : i32 to index
      %get3A_468 = arith.constant 432 : index
      %get3A_469 = tpu.vector_load %arg6[%get3A_467, %get3A_468] {strides = array<i32>} : memref<64x1024xf32, #tpu.memory_space<vmem>>, vector<1x16xf32>,
      %get3A_470 = vector.shape_cast %get3A_469 : vector<1x16xf32> to vector<16xf32>
      %add3A_471 = arith.constant 32 : i32
      %add3A_472 = arith.addi %scan3A_36, %add3A_471 : i32
      %get3A_473 = arith.index_cast %add3A_472 : i32 to index
      %get3A_474 = arith.constant 432 : index
      %get3A_475 = tpu.vector_load %arg6[%get3A_473, %get3A_474] {strides = array<i32>} : memref<64x1024xf32, #tpu.memory_space<vmem>>, vector<1x16xf32>,
      %get3A_476 = vector.shape_cast %get3A_475 : vector<1x16xf32> to vector<16xf32>
      %add3A_477 = arith.addf %get3A_470, %get3A_476 : vector<16xf32>
      %swap3A_478 = arith.index_cast %scan3A_36 : i32 to index
      %swap3A_479 = arith.constant 432 : index
      %swap3A_480 = tpu.vector_load %arg7[%swap3A_478, %swap3A_479] {strides = array<i32>} : memref<32x1024xf32, #tpu.memory_space<vmem>>, vector<1x16xf32>,
      %swap3A_481 = vector.shape_cast %swap3A_480 : vector<1x16xf32> to vector<16xf32>
      %swap3A_482 = vector.shape_cast %add3A_477 : vector<16xf32> to vector<1x16xf32>
      tpu.vector_store %arg7[%swap3A_478, %swap3A_479], %swap3A_482 {strides = array<i32>} : memref<32x1024xf32, #tpu.memory_space<vmem>>, vector<1x16xf32>,
      %get3A_483 = arith.index_cast %scan3A_36 : i32 to index
      %get3A_484 = arith.constant 448 : index
      %get3A_485 = tpu.vector_load %arg6[%get3A_483, %get3A_484] {strides = array<i32>} : memref<64x1024xf32, #tpu.memory_space<vmem>>, vector<1x16xf32>,
      %get3A_486 = vector.shape_cast %get3A_485 : vector<1x16xf32> to vector<16xf32>
      %add3A_487 = arith.constant 32 : i32
      %add3A_488 = arith.addi %scan3A_36, %add3A_487 : i32
      %get3A_489 = arith.index_cast %add3A_488 : i32 to index
      %get3A_490 = arith.constant 448 : index
      %get3A_491 = tpu.vector_load %arg6[%get3A_489, %get3A_490] {strides = array<i32>} : memref<64x1024xf32, #tpu.memory_space<vmem>>, vector<1x16xf32>,
      %get3A_492 = vector.shape_cast %get3A_491 : vector<1x16xf32> to vector<16xf32>
      %add3A_493 = arith.addf %get3A_486, %get3A_492 : vector<16xf32>
      %swap3A_494 = arith.index_cast %scan3A_36 : i32 to index
      %swap3A_495 = arith.constant 448 : index
      %swap3A_496 = tpu.vector_load %arg7[%swap3A_494, %swap3A_495] {strides = array<i32>} : memref<32x1024xf32, #tpu.memory_space<vmem>>, vector<1x16xf32>,
      %swap3A_497 = vector.shape_cast %swap3A_496 : vector<1x16xf32> to vector<16xf32>
      %swap3A_498 = vector.shape_cast %add3A_493 : vector<16xf32> to vector<1x16xf32>
      tpu.vector_store %arg7[%swap3A_494, %swap3A_495], %swap3A_498 {strides = array<i32>} : memref<32x1024xf32, #tpu.memory_space<vmem>>, vector<1x16xf32>,
      %get3A_499 = arith.index_cast %scan3A_36 : i32 to index
      %get3A_500 = arith.constant 464 : index
      %get3A_501 = tpu.vector_load %arg6[%get3A_499, %get3A_500] {strides = array<i32>} : memref<64x1024xf32, #tpu.memory_space<vmem>>, vector<1x16xf32>,
      %get3A_502 = vector.shape_cast %get3A_501 : vector<1x16xf32> to vector<16xf32>
      %add3A_503 = arith.constant 32 : i32
      %add3A_504 = arith.addi %scan3A_36, %add3A_503 : i32
      %get3A_505 = arith.index_cast %add3A_504 : i32 to index
      %get3A_506 = arith.constant 464 : index
      %get3A_507 = tpu.vector_load %arg6[%get3A_505, %get3A_506] {strides = array<i32>} : memref<64x1024xf32, #tpu.memory_space<vmem>>, vector<1x16xf32>,
      %get3A_508 = vector.shape_cast %get3A_507 : vector<1x16xf32> to vector<16xf32>
      %add3A_509 = arith.addf %get3A_502, %get3A_508 : vector<16xf32>
      %swap3A_510 = arith.index_cast %scan3A_36 : i32 to index
      %swap3A_511 = arith.constant 464 : index
      %swap3A_512 = tpu.vector_load %arg7[%swap3A_510, %swap3A_511] {strides = array<i32>} : memref<32x1024xf32, #tpu.memory_space<vmem>>, vector<1x16xf32>,
      %swap3A_513 = vector.shape_cast %swap3A_512 : vector<1x16xf32> to vector<16xf32>
      %swap3A_514 = vector.shape_cast %add3A_509 : vector<16xf32> to vector<1x16xf32>
      tpu.vector_store %arg7[%swap3A_510, %swap3A_511], %swap3A_514 {strides = array<i32>} : memref<32x1024xf32, #tpu.memory_space<vmem>>, vector<1x16xf32>,
      %get3A_515 = arith.index_cast %scan3A_36 : i32 to index
      %get3A_516 = arith.constant 480 : index
      %get3A_517 = tpu.vector_load %arg6[%get3A_515, %get3A_516] {strides = array<i32>} : memref<64x1024xf32, #tpu.memory_space<vmem>>, vector<1x16xf32>,
      %get3A_518 = vector.shape_cast %get3A_517 : vector<1x16xf32> to vector<16xf32>
      %add3A_519 = arith.constant 32 : i32
      %add3A_520 = arith.addi %scan3A_36, %add3A_519 : i32
      %get3A_521 = arith.index_cast %add3A_520 : i32 to index
      %get3A_522 = arith.constant 480 : index
      %get3A_523 = tpu.vector_load %arg6[%get3A_521, %get3A_522] {strides = array<i32>} : memref<64x1024xf32, #tpu.memory_space<vmem>>, vector<1x16xf32>,
      %get3A_524 = vector.shape_cast %get3A_523 : vector<1x16xf32> to vector<16xf32>
      %add3A_525 = arith.addf %get3A_518, %get3A_524 : vector<16xf32>
      %swap3A_526 = arith.index_cast %scan3A_36 : i32 to index
      %swap3A_527 = arith.constant 480 : index
      %swap3A_528 = tpu.vector_load %arg7[%swap3A_526, %swap3A_527] {strides = array<i32>} : memref<32x1024xf32, #tpu.memory_space<vmem>>, vector<1x16xf32>,
      %swap3A_529 = vector.shape_cast %swap3A_528 : vector<1x16xf32> to vector<16xf32>
      %swap3A_530 = vector.shape_cast %add3A_525 : vector<16xf32> to vector<1x16xf32>
      tpu.vector_store %arg7[%swap3A_526, %swap3A_527], %swap3A_530 {strides = array<i32>} : memref<32x1024xf32, #tpu.memory_space<vmem>>, vector<1x16xf32>,
      %get3A_531 = arith.index_cast %scan3A_36 : i32 to index
      %get3A_532 = arith.constant 496 : index
      %get3A_533 = tpu.vector_load %arg6[%get3A_531, %get3A_532] {strides = array<i32>} : memref<64x1024xf32, #tpu.memory_space<vmem>>, vector<1x16xf32>,
      %get3A_534 = vector.shape_cast %get3A_533 : vector<1x16xf32> to vector<16xf32>
      %add3A_535 = arith.constant 32 : i32
      %add3A_536 = arith.addi %scan3A_36, %add3A_535 : i32
      %get3A_537 = arith.index_cast %add3A_536 : i32 to index
      %get3A_538 = arith.constant 496 : index
      %get3A_539 = tpu.vector_load %arg6[%get3A_537, %get3A_538] {strides = array<i32>} : memref<64x1024xf32, #tpu.memory_space<vmem>>, vector<1x16xf32>,
      %get3A_540 = vector.shape_cast %get3A_539 : vector<1x16xf32> to vector<16xf32>
      %add3A_541 = arith.addf %get3A_534, %get3A_540 : vector<16xf32>
      %swap3A_542 = arith.index_cast %scan3A_36 : i32 to index
      %swap3A_543 = arith.constant 496 : index
      %swap3A_544 = tpu.vector_load %arg7[%swap3A_542, %swap3A_543] {strides = array<i32>} : memref<32x1024xf32, #tpu.memory_space<vmem>>, vector<1x16xf32>,
      %swap3A_545 = vector.shape_cast %swap3A_544 : vector<1x16xf32> to vector<16xf32>
      %swap3A_546 = vector.shape_cast %add3A_541 : vector<16xf32> to vector<1x16xf32>
      tpu.vector_store %arg7[%swap3A_542, %swap3A_543], %swap3A_546 {strides = array<i32>} : memref<32x1024xf32, #tpu.memory_space<vmem>>, vector<1x16xf32>,
      %get3A_547 = arith.index_cast %scan3A_36 : i32 to index
      %get3A_548 = arith.constant 512 : index
      %get3A_549 = tpu.vector_load %arg6[%get3A_547, %get3A_548] {strides = array<i32>} : memref<64x1024xf32, #tpu.memory_space<vmem>>, vector<1x16xf32>,
      %get3A_550 = vector.shape_cast %get3A_549 : vector<1x16xf32> to vector<16xf32>
      %add3A_551 = arith.constant 32 : i32
      %add3A_552 = arith.addi %scan3A_36, %add3A_551 : i32
      %get3A_553 = arith.index_cast %add3A_552 : i32 to index
      %get3A_554 = arith.constant 512 : index
      %get3A_555 = tpu.vector_load %arg6[%get3A_553, %get3A_554] {strides = array<i32>} : memref<64x1024xf32, #tpu.memory_space<vmem>>, vector<1x16xf32>,
      %get3A_556 = vector.shape_cast %get3A_555 : vector<1x16xf32> to vector<16xf32>
      %add3A_557 = arith.addf %get3A_550, %get3A_556 : vector<16xf32>
      %swap3A_558 = arith.index_cast %scan3A_36 : i32 to index
      %swap3A_559 = arith.constant 512 : index
      %swap3A_560 = tpu.vector_load %arg7[%swap3A_558, %swap3A_559] {strides = array<i32>} : memref<32x1024xf32, #tpu.memory_space<vmem>>, vector<1x16xf32>,
      %swap3A_561 = vector.shape_cast %swap3A_560 : vector<1x16xf32> to vector<16xf32>
      %swap3A_562 = vector.shape_cast %add3A_557 : vector<16xf32> to vector<1x16xf32>
      tpu.vector_store %arg7[%swap3A_558, %swap3A_559], %swap3A_562 {strides = array<i32>} : memref<32x1024xf32, #tpu.memory_space<vmem>>, vector<1x16xf32>,
      %get3A_563 = arith.index_cast %scan3A_36 : i32 to index
      %get3A_564 = arith.constant 528 : index
      %get3A_565 = tpu.vector_load %arg6[%get3A_563, %get3A_564] {strides = array<i32>} : memref<64x1024xf32, #tpu.memory_space<vmem>>, vector<1x16xf32>,
      %get3A_566 = vector.shape_cast %get3A_565 : vector<1x16xf32> to vector<16xf32>
      %add3A_567 = arith.constant 32 : i32
      %add3A_568 = arith.addi %scan3A_36, %add3A_567 : i32
      %get3A_569 = arith.index_cast %add3A_568 : i32 to index
      %get3A_570 = arith.constant 528 : index
      %get3A_571 = tpu.vector_load %arg6[%get3A_569, %get3A_570] {strides = array<i32>} : memref<64x1024xf32, #tpu.memory_space<vmem>>, vector<1x16xf32>,
      %get3A_572 = vector.shape_cast %get3A_571 : vector<1x16xf32> to vector<16xf32>
      %add3A_573 = arith.addf %get3A_566, %get3A_572 : vector<16xf32>
      %swap3A_574 = arith.index_cast %scan3A_36 : i32 to index
      %swap3A_575 = arith.constant 528 : index
      %swap3A_576 = tpu.vector_load %arg7[%swap3A_574, %swap3A_575] {strides = array<i32>} : memref<32x1024xf32, #tpu.memory_space<vmem>>, vector<1x16xf32>,
      %swap3A_577 = vector.shape_cast %swap3A_576 : vector<1x16xf32> to vector<16xf32>
      %swap3A_578 = vector.shape_cast %add3A_573 : vector<16xf32> to vector<1x16xf32>
      tpu.vector_store %arg7[%swap3A_574, %swap3A_575], %swap3A_578 {strides = array<i32>} : memref<32x1024xf32, #tpu.memory_space<vmem>>, vector<1x16xf32>,
      %get3A_579 = arith.index_cast %scan3A_36 : i32 to index
      %get3A_580 = arith.constant 544 : index
      %get3A_581 = tpu.vector_load %arg6[%get3A_579, %get3A_580] {strides = array<i32>} : memref<64x1024xf32, #tpu.memory_space<vmem>>, vector<1x16xf32>,
      %get3A_582 = vector.shape_cast %get3A_581 : vector<1x16xf32> to vector<16xf32>
      %add3A_583 = arith.constant 32 : i32
      %add3A_584 = arith.addi %scan3A_36, %add3A_583 : i32
      %get3A_585 = arith.index_cast %add3A_584 : i32 to index
      %get3A_586 = arith.constant 544 : index
      %get3A_587 = tpu.vector_load %arg6[%get3A_585, %get3A_586] {strides = array<i32>} : memref<64x1024xf32, #tpu.memory_space<vmem>>, vector<1x16xf32>,
      %get3A_588 = vector.shape_cast %get3A_587 : vector<1x16xf32> to vector<16xf32>
      %add3A_589 = arith.addf %get3A_582, %get3A_588 : vector<16xf32>
      %swap3A_590 = arith.index_cast %scan3A_36 : i32 to index
      %swap3A_591 = arith.constant 544 : index
      %swap3A_592 = tpu.vector_load %arg7[%swap3A_590, %swap3A_591] {strides = array<i32>} : memref<32x1024xf32, #tpu.memory_space<vmem>>, vector<1x16xf32>,
      %swap3A_593 = vector.shape_cast %swap3A_592 : vector<1x16xf32> to vector<16xf32>
      %swap3A_594 = vector.shape_cast %add3A_589 : vector<16xf32> to vector<1x16xf32>
      tpu.vector_store %arg7[%swap3A_590, %swap3A_591], %swap3A_594 {strides = array<i32>} : memref<32x1024xf32, #tpu.memory_space<vmem>>, vector<1x16xf32>,
      %get3A_595 = arith.index_cast %scan3A_36 : i32 to index
      %get3A_596 = arith.constant 560 : index
      %get3A_597 = tpu.vector_load %arg6[%get3A_595, %get3A_596] {strides = array<i32>} : memref<64x1024xf32, #tpu.memory_space<vmem>>, vector<1x16xf32>,
      %get3A_598 = vector.shape_cast %get3A_597 : vector<1x16xf32> to vector<16xf32>
      %add3A_599 = arith.constant 32 : i32
      %add3A_600 = arith.addi %scan3A_36, %add3A_599 : i32
      %get3A_601 = arith.index_cast %add3A_600 : i32 to index
      %get3A_602 = arith.constant 560 : index
      %get3A_603 = tpu.vector_load %arg6[%get3A_601, %get3A_602] {strides = array<i32>} : memref<64x1024xf32, #tpu.memory_space<vmem>>, vector<1x16xf32>,
      %get3A_604 = vector.shape_cast %get3A_603 : vector<1x16xf32> to vector<16xf32>
      %add3A_605 = arith.addf %get3A_598, %get3A_604 : vector<16xf32>
      %swap3A_606 = arith.index_cast %scan3A_36 : i32 to index
      %swap3A_607 = arith.constant 560 : index
      %swap3A_608 = tpu.vector_load %arg7[%swap3A_606, %swap3A_607] {strides = array<i32>} : memref<32x1024xf32, #tpu.memory_space<vmem>>, vector<1x16xf32>,
      %swap3A_609 = vector.shape_cast %swap3A_608 : vector<1x16xf32> to vector<16xf32>
      %swap3A_610 = vector.shape_cast %add3A_605 : vector<16xf32> to vector<1x16xf32>
      tpu.vector_store %arg7[%swap3A_606, %swap3A_607], %swap3A_610 {strides = array<i32>} : memref<32x1024xf32, #tpu.memory_space<vmem>>, vector<1x16xf32>,
      %get3A_611 = arith.index_cast %scan3A_36 : i32 to index
      %get3A_612 = arith.constant 576 : index
      %get3A_613 = tpu.vector_load %arg6[%get3A_611, %get3A_612] {strides = array<i32>} : memref<64x1024xf32, #tpu.memory_space<vmem>>, vector<1x16xf32>,
      %get3A_614 = vector.shape_cast %get3A_613 : vector<1x16xf32> to vector<16xf32>
      %add3A_615 = arith.constant 32 : i32
      %add3A_616 = arith.addi %scan3A_36, %add3A_615 : i32
      %get3A_617 = arith.index_cast %add3A_616 : i32 to index
      %get3A_618 = arith.constant 576 : index
      %get3A_619 = tpu.vector_load %arg6[%get3A_617, %get3A_618] {strides = array<i32>} : memref<64x1024xf32, #tpu.memory_space<vmem>>, vector<1x16xf32>,
      %get3A_620 = vector.shape_cast %get3A_619 : vector<1x16xf32> to vector<16xf32>
      %add3A_621 = arith.addf %get3A_614, %get3A_620 : vector<16xf32>
      %swap3A_622 = arith.index_cast %scan3A_36 : i32 to index
      %swap3A_623 = arith.constant 576 : index
      %swap3A_624 = tpu.vector_load %arg7[%swap3A_622, %swap3A_623] {strides = array<i32>} : memref<32x1024xf32, #tpu.memory_space<vmem>>, vector<1x16xf32>,
      %swap3A_625 = vector.shape_cast %swap3A_624 : vector<1x16xf32> to vector<16xf32>
      %swap3A_626 = vector.shape_cast %add3A_621 : vector<16xf32> to vector<1x16xf32>
      tpu.vector_store %arg7[%swap3A_622, %swap3A_623], %swap3A_626 {strides = array<i32>} : memref<32x1024xf32, #tpu.memory_space<vmem>>, vector<1x16xf32>,
      %get3A_627 = arith.index_cast %scan3A_36 : i32 to index
      %get3A_628 = arith.constant 592 : index
      %get3A_629 = tpu.vector_load %arg6[%get3A_627, %get3A_628] {strides = array<i32>} : memref<64x1024xf32, #tpu.memory_space<vmem>>, vector<1x16xf32>,
      %get3A_630 = vector.shape_cast %get3A_629 : vector<1x16xf32> to vector<16xf32>
      %add3A_631 = arith.constant 32 : i32
      %add3A_632 = arith.addi %scan3A_36, %add3A_631 : i32
      %get3A_633 = arith.index_cast %add3A_632 : i32 to index
      %get3A_634 = arith.constant 592 : index
      %get3A_635 = tpu.vector_load %arg6[%get3A_633, %get3A_634] {strides = array<i32>} : memref<64x1024xf32, #tpu.memory_space<vmem>>, vector<1x16xf32>,
      %get3A_636 = vector.shape_cast %get3A_635 : vector<1x16xf32> to vector<16xf32>
      %add3A_637 = arith.addf %get3A_630, %get3A_636 : vector<16xf32>
      %swap3A_638 = arith.index_cast %scan3A_36 : i32 to index
      %swap3A_639 = arith.constant 592 : index
      %swap3A_640 = tpu.vector_load %arg7[%swap3A_638, %swap3A_639] {strides = array<i32>} : memref<32x1024xf32, #tpu.memory_space<vmem>>, vector<1x16xf32>,
      %swap3A_641 = vector.shape_cast %swap3A_640 : vector<1x16xf32> to vector<16xf32>
      %swap3A_642 = vector.shape_cast %add3A_637 : vector<16xf32> to vector<1x16xf32>
      tpu.vector_store %arg7[%swap3A_638, %swap3A_639], %swap3A_642 {strides = array<i32>} : memref<32x1024xf32, #tpu.memory_space<vmem>>, vector<1x16xf32>,
      %get3A_643 = arith.index_cast %scan3A_36 : i32 to index
      %get3A_644 = arith.constant 608 : index
      %get3A_645 = tpu.vector_load %arg6[%get3A_643, %get3A_644] {strides = array<i32>} : memref<64x1024xf32, #tpu.memory_space<vmem>>, vector<1x16xf32>,
      %get3A_646 = vector.shape_cast %get3A_645 : vector<1x16xf32> to vector<16xf32>
      %add3A_647 = arith.constant 32 : i32
      %add3A_648 = arith.addi %scan3A_36, %add3A_647 : i32
      %get3A_649 = arith.index_cast %add3A_648 : i32 to index
      %get3A_650 = arith.constant 608 : index
      %get3A_651 = tpu.vector_load %arg6[%get3A_649, %get3A_650] {strides = array<i32>} : memref<64x1024xf32, #tpu.memory_space<vmem>>, vector<1x16xf32>,
      %get3A_652 = vector.shape_cast %get3A_651 : vector<1x16xf32> to vector<16xf32>
      %add3A_653 = arith.addf %get3A_646, %get3A_652 : vector<16xf32>
      %swap3A_654 = arith.index_cast %scan3A_36 : i32 to index
      %swap3A_655 = arith.constant 608 : index
      %swap3A_656 = tpu.vector_load %arg7[%swap3A_654, %swap3A_655] {strides = array<i32>} : memref<32x1024xf32, #tpu.memory_space<vmem>>, vector<1x16xf32>,
      %swap3A_657 = vector.shape_cast %swap3A_656 : vector<1x16xf32> to vector<16xf32>
      %swap3A_658 = vector.shape_cast %add3A_653 : vector<16xf32> to vector<1x16xf32>
      tpu.vector_store %arg7[%swap3A_654, %swap3A_655], %swap3A_658 {strides = array<i32>} : memref<32x1024xf32, #tpu.memory_space<vmem>>, vector<1x16xf32>,
      %get3A_659 = arith.index_cast %scan3A_36 : i32 to index
      %get3A_660 = arith.constant 624 : index
      %get3A_661 = tpu.vector_load %arg6[%get3A_659, %get3A_660] {strides = array<i32>} : memref<64x1024xf32, #tpu.memory_space<vmem>>, vector<1x16xf32>,
      %get3A_662 = vector.shape_cast %get3A_661 : vector<1x16xf32> to vector<16xf32>
      %add3A_663 = arith.constant 32 : i32
      %add3A_664 = arith.addi %scan3A_36, %add3A_663 : i32
      %get3A_665 = arith.index_cast %add3A_664 : i32 to index
      %get3A_666 = arith.constant 624 : index
      %get3A_667 = tpu.vector_load %arg6[%get3A_665, %get3A_666] {strides = array<i32>} : memref<64x1024xf32, #tpu.memory_space<vmem>>, vector<1x16xf32>,
      %get3A_668 = vector.shape_cast %get3A_667 : vector<1x16xf32> to vector<16xf32>
      %add3A_669 = arith.addf %get3A_662, %get3A_668 : vector<16xf32>
      %swap3A_670 = arith.index_cast %scan3A_36 : i32 to index
      %swap3A_671 = arith.constant 624 : index
      %swap3A_672 = tpu.vector_load %arg7[%swap3A_670, %swap3A_671] {strides = array<i32>} : memref<32x1024xf32, #tpu.memory_space<vmem>>, vector<1x16xf32>,
      %swap3A_673 = vector.shape_cast %swap3A_672 : vector<1x16xf32> to vector<16xf32>
      %swap3A_674 = vector.shape_cast %add3A_669 : vector<16xf32> to vector<1x16xf32>
      tpu.vector_store %arg7[%swap3A_670, %swap3A_671], %swap3A_674 {strides = array<i32>} : memref<32x1024xf32, #tpu.memory_space<vmem>>, vector<1x16xf32>,
      %get3A_675 = arith.index_cast %scan3A_36 : i32 to index
      %get3A_676 = arith.constant 640 : index
      %get3A_677 = tpu.vector_load %arg6[%get3A_675, %get3A_676] {strides = array<i32>} : memref<64x1024xf32, #tpu.memory_space<vmem>>, vector<1x16xf32>,
      %get3A_678 = vector.shape_cast %get3A_677 : vector<1x16xf32> to vector<16xf32>
      %add3A_679 = arith.constant 32 : i32
      %add3A_680 = arith.addi %scan3A_36, %add3A_679 : i32
      %get3A_681 = arith.index_cast %add3A_680 : i32 to index
      %get3A_682 = arith.constant 640 : index
      %get3A_683 = tpu.vector_load %arg6[%get3A_681, %get3A_682] {strides = array<i32>} : memref<64x1024xf32, #tpu.memory_space<vmem>>, vector<1x16xf32>,
      %get3A_684 = vector.shape_cast %get3A_683 : vector<1x16xf32> to vector<16xf32>
      %add3A_685 = arith.addf %get3A_678, %get3A_684 : vector<16xf32>
      %swap3A_686 = arith.index_cast %scan3A_36 : i32 to index
      %swap3A_687 = arith.constant 640 : index
      %swap3A_688 = tpu.vector_load %arg7[%swap3A_686, %swap3A_687] {strides = array<i32>} : memref<32x1024xf32, #tpu.memory_space<vmem>>, vector<1x16xf32>,
      %swap3A_689 = vector.shape_cast %swap3A_688 : vector<1x16xf32> to vector<16xf32>
      %swap3A_690 = vector.shape_cast %add3A_685 : vector<16xf32> to vector<1x16xf32>
      tpu.vector_store %arg7[%swap3A_686, %swap3A_687], %swap3A_690 {strides = array<i32>} : memref<32x1024xf32, #tpu.memory_space<vmem>>, vector<1x16xf32>,
      %get3A_691 = arith.index_cast %scan3A_36 : i32 to index
      %get3A_692 = arith.constant 656 : index
      %get3A_693 = tpu.vector_load %arg6[%get3A_691, %get3A_692] {strides = array<i32>} : memref<64x1024xf32, #tpu.memory_space<vmem>>, vector<1x16xf32>,
      %get3A_694 = vector.shape_cast %get3A_693 : vector<1x16xf32> to vector<16xf32>
      %add3A_695 = arith.constant 32 : i32
      %add3A_696 = arith.addi %scan3A_36, %add3A_695 : i32
      %get3A_697 = arith.index_cast %add3A_696 : i32 to index
      %get3A_698 = arith.constant 656 : index
      %get3A_699 = tpu.vector_load %arg6[%get3A_697, %get3A_698] {strides = array<i32>} : memref<64x1024xf32, #tpu.memory_space<vmem>>, vector<1x16xf32>,
      %get3A_700 = vector.shape_cast %get3A_699 : vector<1x16xf32> to vector<16xf32>
      %add3A_701 = arith.addf %get3A_694, %get3A_700 : vector<16xf32>
      %swap3A_702 = arith.index_cast %scan3A_36 : i32 to index
      %swap3A_703 = arith.constant 656 : index
      %swap3A_704 = tpu.vector_load %arg7[%swap3A_702, %swap3A_703] {strides = array<i32>} : memref<32x1024xf32, #tpu.memory_space<vmem>>, vector<1x16xf32>,
      %swap3A_705 = vector.shape_cast %swap3A_704 : vector<1x16xf32> to vector<16xf32>
      %swap3A_706 = vector.shape_cast %add3A_701 : vector<16xf32> to vector<1x16xf32>
      tpu.vector_store %arg7[%swap3A_702, %swap3A_703], %swap3A_706 {strides = array<i32>} : memref<32x1024xf32, #tpu.memory_space<vmem>>, vector<1x16xf32>,
      %get3A_707 = arith.index_cast %scan3A_36 : i32 to index
      %get3A_708 = arith.constant 672 : index
      %get3A_709 = tpu.vector_load %arg6[%get3A_707, %get3A_708] {strides = array<i32>} : memref<64x1024xf32, #tpu.memory_space<vmem>>, vector<1x16xf32>,
      %get3A_710 = vector.shape_cast %get3A_709 : vector<1x16xf32> to vector<16xf32>
      %add3A_711 = arith.constant 32 : i32
      %add3A_712 = arith.addi %scan3A_36, %add3A_711 : i32
      %get3A_713 = arith.index_cast %add3A_712 : i32 to index
      %get3A_714 = arith.constant 672 : index
      %get3A_715 = tpu.vector_load %arg6[%get3A_713, %get3A_714] {strides = array<i32>} : memref<64x1024xf32, #tpu.memory_space<vmem>>, vector<1x16xf32>,
      %get3A_716 = vector.shape_cast %get3A_715 : vector<1x16xf32> to vector<16xf32>
      %add3A_717 = arith.addf %get3A_710, %get3A_716 : vector<16xf32>
      %swap3A_718 = arith.index_cast %scan3A_36 : i32 to index
      %swap3A_719 = arith.constant 672 : index
      %swap3A_720 = tpu.vector_load %arg7[%swap3A_718, %swap3A_719] {strides = array<i32>} : memref<32x1024xf32, #tpu.memory_space<vmem>>, vector<1x16xf32>,
      %swap3A_721 = vector.shape_cast %swap3A_720 : vector<1x16xf32> to vector<16xf32>
      %swap3A_722 = vector.shape_cast %add3A_717 : vector<16xf32> to vector<1x16xf32>
      tpu.vector_store %arg7[%swap3A_718, %swap3A_719], %swap3A_722 {strides = array<i32>} : memref<32x1024xf32, #tpu.memory_space<vmem>>, vector<1x16xf32>,
      %get3A_723 = arith.index_cast %scan3A_36 : i32 to index
      %get3A_724 = arith.constant 688 : index
      %get3A_725 = tpu.vector_load %arg6[%get3A_723, %get3A_724] {strides = array<i32>} : memref<64x1024xf32, #tpu.memory_space<vmem>>, vector<1x16xf32>,
      %get3A_726 = vector.shape_cast %get3A_725 : vector<1x16xf32> to vector<16xf32>
      %add3A_727 = arith.constant 32 : i32
      %add3A_728 = arith.addi %scan3A_36, %add3A_727 : i32
      %get3A_729 = arith.index_cast %add3A_728 : i32 to index
      %get3A_730 = arith.constant 688 : index
      %get3A_731 = tpu.vector_load %arg6[%get3A_729, %get3A_730] {strides = array<i32>} : memref<64x1024xf32, #tpu.memory_space<vmem>>, vector<1x16xf32>,
      %get3A_732 = vector.shape_cast %get3A_731 : vector<1x16xf32> to vector<16xf32>
      %add3A_733 = arith.addf %get3A_726, %get3A_732 : vector<16xf32>
      %swap3A_734 = arith.index_cast %scan3A_36 : i32 to index
      %swap3A_735 = arith.constant 688 : index
      %swap3A_736 = tpu.vector_load %arg7[%swap3A_734, %swap3A_735] {strides = array<i32>} : memref<32x1024xf32, #tpu.memory_space<vmem>>, vector<1x16xf32>,
      %swap3A_737 = vector.shape_cast %swap3A_736 : vector<1x16xf32> to vector<16xf32>
      %swap3A_738 = vector.shape_cast %add3A_733 : vector<16xf32> to vector<1x16xf32>
      tpu.vector_store %arg7[%swap3A_734, %swap3A_735], %swap3A_738 {strides = array<i32>} : memref<32x1024xf32, #tpu.memory_space<vmem>>, vector<1x16xf32>,
      %get3A_739 = arith.index_cast %scan3A_36 : i32 to index
      %get3A_740 = arith.constant 704 : index
      %get3A_741 = tpu.vector_load %arg6[%get3A_739, %get3A_740] {strides = array<i32>} : memref<64x1024xf32, #tpu.memory_space<vmem>>, vector<1x16xf32>,
      %get3A_742 = vector.shape_cast %get3A_741 : vector<1x16xf32> to vector<16xf32>
      %add3A_743 = arith.constant 32 : i32
      %add3A_744 = arith.addi %scan3A_36, %add3A_743 : i32
      %get3A_745 = arith.index_cast %add3A_744 : i32 to index
      %get3A_746 = arith.constant 704 : index
      %get3A_747 = tpu.vector_load %arg6[%get3A_745, %get3A_746] {strides = array<i32>} : memref<64x1024xf32, #tpu.memory_space<vmem>>, vector<1x16xf32>,
      %get3A_748 = vector.shape_cast %get3A_747 : vector<1x16xf32> to vector<16xf32>
      %add3A_749 = arith.addf %get3A_742, %get3A_748 : vector<16xf32>
      %swap3A_750 = arith.index_cast %scan3A_36 : i32 to index
      %swap3A_751 = arith.constant 704 : index
      %swap3A_752 = tpu.vector_load %arg7[%swap3A_750, %swap3A_751] {strides = array<i32>} : memref<32x1024xf32, #tpu.memory_space<vmem>>, vector<1x16xf32>,
      %swap3A_753 = vector.shape_cast %swap3A_752 : vector<1x16xf32> to vector<16xf32>
      %swap3A_754 = vector.shape_cast %add3A_749 : vector<16xf32> to vector<1x16xf32>
      tpu.vector_store %arg7[%swap3A_750, %swap3A_751], %swap3A_754 {strides = array<i32>} : memref<32x1024xf32, #tpu.memory_space<vmem>>, vector<1x16xf32>,
      %get3A_755 = arith.index_cast %scan3A_36 : i32 to index
      %get3A_756 = arith.constant 720 : index
      %get3A_757 = tpu.vector_load %arg6[%get3A_755, %get3A_756] {strides = array<i32>} : memref<64x1024xf32, #tpu.memory_space<vmem>>, vector<1x16xf32>,
      %get3A_758 = vector.shape_cast %get3A_757 : vector<1x16xf32> to vector<16xf32>
      %add3A_759 = arith.constant 32 : i32
      %add3A_760 = arith.addi %scan3A_36, %add3A_759 : i32
      %get3A_761 = arith.index_cast %add3A_760 : i32 to index
      %get3A_762 = arith.constant 720 : index
      %get3A_763 = tpu.vector_load %arg6[%get3A_761, %get3A_762] {strides = array<i32>} : memref<64x1024xf32, #tpu.memory_space<vmem>>, vector<1x16xf32>,
      %get3A_764 = vector.shape_cast %get3A_763 : vector<1x16xf32> to vector<16xf32>
      %add3A_765 = arith.addf %get3A_758, %get3A_764 : vector<16xf32>
      %swap3A_766 = arith.index_cast %scan3A_36 : i32 to index
      %swap3A_767 = arith.constant 720 : index
      %swap3A_768 = tpu.vector_load %arg7[%swap3A_766, %swap3A_767] {strides = array<i32>} : memref<32x1024xf32, #tpu.memory_space<vmem>>, vector<1x16xf32>,
      %swap3A_769 = vector.shape_cast %swap3A_768 : vector<1x16xf32> to vector<16xf32>
      %swap3A_770 = vector.shape_cast %add3A_765 : vector<16xf32> to vector<1x16xf32>
      tpu.vector_store %arg7[%swap3A_766, %swap3A_767], %swap3A_770 {strides = array<i32>} : memref<32x1024xf32, #tpu.memory_space<vmem>>, vector<1x16xf32>,
      %get3A_771 = arith.index_cast %scan3A_36 : i32 to index
      %get3A_772 = arith.constant 736 : index
      %get3A_773 = tpu.vector_load %arg6[%get3A_771, %get3A_772] {strides = array<i32>} : memref<64x1024xf32, #tpu.memory_space<vmem>>, vector<1x16xf32>,
      %get3A_774 = vector.shape_cast %get3A_773 : vector<1x16xf32> to vector<16xf32>
      %add3A_775 = arith.constant 32 : i32
      %add3A_776 = arith.addi %scan3A_36, %add3A_775 : i32
      %get3A_777 = arith.index_cast %add3A_776 : i32 to index
      %get3A_778 = arith.constant 736 : index
      %get3A_779 = tpu.vector_load %arg6[%get3A_777, %get3A_778] {strides = array<i32>} : memref<64x1024xf32, #tpu.memory_space<vmem>>, vector<1x16xf32>,
      %get3A_780 = vector.shape_cast %get3A_779 : vector<1x16xf32> to vector<16xf32>
      %add3A_781 = arith.addf %get3A_774, %get3A_780 : vector<16xf32>
      %swap3A_782 = arith.index_cast %scan3A_36 : i32 to index
      %swap3A_783 = arith.constant 736 : index
      %swap3A_784 = tpu.vector_load %arg7[%swap3A_782, %swap3A_783] {strides = array<i32>} : memref<32x1024xf32, #tpu.memory_space<vmem>>, vector<1x16xf32>,
      %swap3A_785 = vector.shape_cast %swap3A_784 : vector<1x16xf32> to vector<16xf32>
      %swap3A_786 = vector.shape_cast %add3A_781 : vector<16xf32> to vector<1x16xf32>
      tpu.vector_store %arg7[%swap3A_782, %swap3A_783], %swap3A_786 {strides = array<i32>} : memref<32x1024xf32, #tpu.memory_space<vmem>>, vector<1x16xf32>,
      %get3A_787 = arith.index_cast %scan3A_36 : i32 to index
      %get3A_788 = arith.constant 752 : index
      %get3A_789 = tpu.vector_load %arg6[%get3A_787, %get3A_788] {strides = array<i32>} : memref<64x1024xf32, #tpu.memory_space<vmem>>, vector<1x16xf32>,
      %get3A_790 = vector.shape_cast %get3A_789 : vector<1x16xf32> to vector<16xf32>
      %add3A_791 = arith.constant 32 : i32
      %add3A_792 = arith.addi %scan3A_36, %add3A_791 : i32
      %get3A_793 = arith.index_cast %add3A_792 : i32 to index
      %get3A_794 = arith.constant 752 : index
      %get3A_795 = tpu.vector_load %arg6[%get3A_793, %get3A_794] {strides = array<i32>} : memref<64x1024xf32, #tpu.memory_space<vmem>>, vector<1x16xf32>,
      %get3A_796 = vector.shape_cast %get3A_795 : vector<1x16xf32> to vector<16xf32>
      %add3A_797 = arith.addf %get3A_790, %get3A_796 : vector<16xf32>
      %swap3A_798 = arith.index_cast %scan3A_36 : i32 to index
      %swap3A_799 = arith.constant 752 : index
      %swap3A_800 = tpu.vector_load %arg7[%swap3A_798, %swap3A_799] {strides = array<i32>} : memref<32x1024xf32, #tpu.memory_space<vmem>>, vector<1x16xf32>,
      %swap3A_801 = vector.shape_cast %swap3A_800 : vector<1x16xf32> to vector<16xf32>
      %swap3A_802 = vector.shape_cast %add3A_797 : vector<16xf32> to vector<1x16xf32>
      tpu.vector_store %arg7[%swap3A_798, %swap3A_799], %swap3A_802 {strides = array<i32>} : memref<32x1024xf32, #tpu.memory_space<vmem>>, vector<1x16xf32>,
      %get3A_803 = arith.index_cast %scan3A_36 : i32 to index
      %get3A_804 = arith.constant 768 : index
      %get3A_805 = tpu.vector_load %arg6[%get3A_803, %get3A_804] {strides = array<i32>} : memref<64x1024xf32, #tpu.memory_space<vmem>>, vector<1x16xf32>,
      %get3A_806 = vector.shape_cast %get3A_805 : vector<1x16xf32> to vector<16xf32>
      %add3A_807 = arith.constant 32 : i32
      %add3A_808 = arith.addi %scan3A_36, %add3A_807 : i32
      %get3A_809 = arith.index_cast %add3A_808 : i32 to index
      %get3A_810 = arith.constant 768 : index
      %get3A_811 = tpu.vector_load %arg6[%get3A_809, %get3A_810] {strides = array<i32>} : memref<64x1024xf32, #tpu.memory_space<vmem>>, vector<1x16xf32>,
      %get3A_812 = vector.shape_cast %get3A_811 : vector<1x16xf32> to vector<16xf32>
      %add3A_813 = arith.addf %get3A_806, %get3A_812 : vector<16xf32>
      %swap3A_814 = arith.index_cast %scan3A_36 : i32 to index
      %swap3A_815 = arith.constant 768 : index
      %swap3A_816 = tpu.vector_load %arg7[%swap3A_814, %swap3A_815] {strides = array<i32>} : memref<32x1024xf32, #tpu.memory_space<vmem>>, vector<1x16xf32>,
      %swap3A_817 = vector.shape_cast %swap3A_816 : vector<1x16xf32> to vector<16xf32>
      %swap3A_818 = vector.shape_cast %add3A_813 : vector<16xf32> to vector<1x16xf32>
      tpu.vector_store %arg7[%swap3A_814, %swap3A_815], %swap3A_818 {strides = array<i32>} : memref<32x1024xf32, #tpu.memory_space<vmem>>, vector<1x16xf32>,
      %get3A_819 = arith.index_cast %scan3A_36 : i32 to index
      %get3A_820 = arith.constant 784 : index
      %get3A_821 = tpu.vector_load %arg6[%get3A_819, %get3A_820] {strides = array<i32>} : memref<64x1024xf32, #tpu.memory_space<vmem>>, vector<1x16xf32>,
      %get3A_822 = vector.shape_cast %get3A_821 : vector<1x16xf32> to vector<16xf32>
      %add3A_823 = arith.constant 32 : i32
      %add3A_824 = arith.addi %scan3A_36, %add3A_823 : i32
      %get3A_825 = arith.index_cast %add3A_824 : i32 to index
      %get3A_826 = arith.constant 784 : index
      %get3A_827 = tpu.vector_load %arg6[%get3A_825, %get3A_826] {strides = array<i32>} : memref<64x1024xf32, #tpu.memory_space<vmem>>, vector<1x16xf32>,
      %get3A_828 = vector.shape_cast %get3A_827 : vector<1x16xf32> to vector<16xf32>
      %add3A_829 = arith.addf %get3A_822, %get3A_828 : vector<16xf32>
      %swap3A_830 = arith.index_cast %scan3A_36 : i32 to index
      %swap3A_831 = arith.constant 784 : index
      %swap3A_832 = tpu.vector_load %arg7[%swap3A_830, %swap3A_831] {strides = array<i32>} : memref<32x1024xf32, #tpu.memory_space<vmem>>, vector<1x16xf32>,
      %swap3A_833 = vector.shape_cast %swap3A_832 : vector<1x16xf32> to vector<16xf32>
      %swap3A_834 = vector.shape_cast %add3A_829 : vector<16xf32> to vector<1x16xf32>
      tpu.vector_store %arg7[%swap3A_830, %swap3A_831], %swap3A_834 {strides = array<i32>} : memref<32x1024xf32, #tpu.memory_space<vmem>>, vector<1x16xf32>,
      %get3A_835 = arith.index_cast %scan3A_36 : i32 to index
      %get3A_836 = arith.constant 800 : index
      %get3A_837 = tpu.vector_load %arg6[%get3A_835, %get3A_836] {strides = array<i32>} : memref<64x1024xf32, #tpu.memory_space<vmem>>, vector<1x16xf32>,
      %get3A_838 = vector.shape_cast %get3A_837 : vector<1x16xf32> to vector<16xf32>
      %add3A_839 = arith.constant 32 : i32
      %add3A_840 = arith.addi %scan3A_36, %add3A_839 : i32
      %get3A_841 = arith.index_cast %add3A_840 : i32 to index
      %get3A_842 = arith.constant 800 : index
      %get3A_843 = tpu.vector_load %arg6[%get3A_841, %get3A_842] {strides = array<i32>} : memref<64x1024xf32, #tpu.memory_space<vmem>>, vector<1x16xf32>,
      %get3A_844 = vector.shape_cast %get3A_843 : vector<1x16xf32> to vector<16xf32>
      %add3A_845 = arith.addf %get3A_838, %get3A_844 : vector<16xf32>
      %swap3A_846 = arith.index_cast %scan3A_36 : i32 to index
      %swap3A_847 = arith.constant 800 : index
      %swap3A_848 = tpu.vector_load %arg7[%swap3A_846, %swap3A_847] {strides = array<i32>} : memref<32x1024xf32, #tpu.memory_space<vmem>>, vector<1x16xf32>,
      %swap3A_849 = vector.shape_cast %swap3A_848 : vector<1x16xf32> to vector<16xf32>
      %swap3A_850 = vector.shape_cast %add3A_845 : vector<16xf32> to vector<1x16xf32>
      tpu.vector_store %arg7[%swap3A_846, %swap3A_847], %swap3A_850 {strides = array<i32>} : memref<32x1024xf32, #tpu.memory_space<vmem>>, vector<1x16xf32>,
      %get3A_851 = arith.index_cast %scan3A_36 : i32 to index
      %get3A_852 = arith.constant 816 : index
      %get3A_853 = tpu.vector_load %arg6[%get3A_851, %get3A_852] {strides = array<i32>} : memref<64x1024xf32, #tpu.memory_space<vmem>>, vector<1x16xf32>,
      %get3A_854 = vector.shape_cast %get3A_853 : vector<1x16xf32> to vector<16xf32>
      %add3A_855 = arith.constant 32 : i32
      %add3A_856 = arith.addi %scan3A_36, %add3A_855 : i32
      %get3A_857 = arith.index_cast %add3A_856 : i32 to index
      %get3A_858 = arith.constant 816 : index
      %get3A_859 = tpu.vector_load %arg6[%get3A_857, %get3A_858] {strides = array<i32>} : memref<64x1024xf32, #tpu.memory_space<vmem>>, vector<1x16xf32>,
      %get3A_860 = vector.shape_cast %get3A_859 : vector<1x16xf32> to vector<16xf32>
      %add3A_861 = arith.addf %get3A_854, %get3A_860 : vector<16xf32>
      %swap3A_862 = arith.index_cast %scan3A_36 : i32 to index
      %swap3A_863 = arith.constant 816 : index
      %swap3A_864 = tpu.vector_load %arg7[%swap3A_862, %swap3A_863] {strides = array<i32>} : memref<32x1024xf32, #tpu.memory_space<vmem>>, vector<1x16xf32>,
      %swap3A_865 = vector.shape_cast %swap3A_864 : vector<1x16xf32> to vector<16xf32>
      %swap3A_866 = vector.shape_cast %add3A_861 : vector<16xf32> to vector<1x16xf32>
      tpu.vector_store %arg7[%swap3A_862, %swap3A_863], %swap3A_866 {strides = array<i32>} : memref<32x1024xf32, #tpu.memory_space<vmem>>, vector<1x16xf32>,
      %get3A_867 = arith.index_cast %scan3A_36 : i32 to index
      %get3A_868 = arith.constant 832 : index
      %get3A_869 = tpu.vector_load %arg6[%get3A_867, %get3A_868] {strides = array<i32>} : memref<64x1024xf32, #tpu.memory_space<vmem>>, vector<1x16xf32>,
      %get3A_870 = vector.shape_cast %get3A_869 : vector<1x16xf32> to vector<16xf32>
      %add3A_871 = arith.constant 32 : i32
      %add3A_872 = arith.addi %scan3A_36, %add3A_871 : i32
      %get3A_873 = arith.index_cast %add3A_872 : i32 to index
      %get3A_874 = arith.constant 832 : index
      %get3A_875 = tpu.vector_load %arg6[%get3A_873, %get3A_874] {strides = array<i32>} : memref<64x1024xf32, #tpu.memory_space<vmem>>, vector<1x16xf32>,
      %get3A_876 = vector.shape_cast %get3A_875 : vector<1x16xf32> to vector<16xf32>
      %add3A_877 = arith.addf %get3A_870, %get3A_876 : vector<16xf32>
      %swap3A_878 = arith.index_cast %scan3A_36 : i32 to index
      %swap3A_879 = arith.constant 832 : index
      %swap3A_880 = tpu.vector_load %arg7[%swap3A_878, %swap3A_879] {strides = array<i32>} : memref<32x1024xf32, #tpu.memory_space<vmem>>, vector<1x16xf32>,
      %swap3A_881 = vector.shape_cast %swap3A_880 : vector<1x16xf32> to vector<16xf32>
      %swap3A_882 = vector.shape_cast %add3A_877 : vector<16xf32> to vector<1x16xf32>
      tpu.vector_store %arg7[%swap3A_878, %swap3A_879], %swap3A_882 {strides = array<i32>} : memref<32x1024xf32, #tpu.memory_space<vmem>>, vector<1x16xf32>,
      %get3A_883 = arith.index_cast %scan3A_36 : i32 to index
      %get3A_884 = arith.constant 848 : index
      %get3A_885 = tpu.vector_load %arg6[%get3A_883, %get3A_884] {strides = array<i32>} : memref<64x1024xf32, #tpu.memory_space<vmem>>, vector<1x16xf32>,
      %get3A_886 = vector.shape_cast %get3A_885 : vector<1x16xf32> to vector<16xf32>
      %add3A_887 = arith.constant 32 : i32
      %add3A_888 = arith.addi %scan3A_36, %add3A_887 : i32
      %get3A_889 = arith.index_cast %add3A_888 : i32 to index
      %get3A_890 = arith.constant 848 : index
      %get3A_891 = tpu.vector_load %arg6[%get3A_889, %get3A_890] {strides = array<i32>} : memref<64x1024xf32, #tpu.memory_space<vmem>>, vector<1x16xf32>,
      %get3A_892 = vector.shape_cast %get3A_891 : vector<1x16xf32> to vector<16xf32>
      %add3A_893 = arith.addf %get3A_886, %get3A_892 : vector<16xf32>
      %swap3A_894 = arith.index_cast %scan3A_36 : i32 to index
      %swap3A_895 = arith.constant 848 : index
      %swap3A_896 = tpu.vector_load %arg7[%swap3A_894, %swap3A_895] {strides = array<i32>} : memref<32x1024xf32, #tpu.memory_space<vmem>>, vector<1x16xf32>,
      %swap3A_897 = vector.shape_cast %swap3A_896 : vector<1x16xf32> to vector<16xf32>
      %swap3A_898 = vector.shape_cast %add3A_893 : vector<16xf32> to vector<1x16xf32>
      tpu.vector_store %arg7[%swap3A_894, %swap3A_895], %swap3A_898 {strides = array<i32>} : memref<32x1024xf32, #tpu.memory_space<vmem>>, vector<1x16xf32>,
      %get3A_899 = arith.index_cast %scan3A_36 : i32 to index
      %get3A_900 = arith.constant 864 : index
      %get3A_901 = tpu.vector_load %arg6[%get3A_899, %get3A_900] {strides = array<i32>} : memref<64x1024xf32, #tpu.memory_space<vmem>>, vector<1x16xf32>,
      %get3A_902 = vector.shape_cast %get3A_901 : vector<1x16xf32> to vector<16xf32>
      %add3A_903 = arith.constant 32 : i32
      %add3A_904 = arith.addi %scan3A_36, %add3A_903 : i32
      %get3A_905 = arith.index_cast %add3A_904 : i32 to index
      %get3A_906 = arith.constant 864 : index
      %get3A_907 = tpu.vector_load %arg6[%get3A_905, %get3A_906] {strides = array<i32>} : memref<64x1024xf32, #tpu.memory_space<vmem>>, vector<1x16xf32>,
      %get3A_908 = vector.shape_cast %get3A_907 : vector<1x16xf32> to vector<16xf32>
      %add3A_909 = arith.addf %get3A_902, %get3A_908 : vector<16xf32>
      %swap3A_910 = arith.index_cast %scan3A_36 : i32 to index
      %swap3A_911 = arith.constant 864 : index
      %swap3A_912 = tpu.vector_load %arg7[%swap3A_910, %swap3A_911] {strides = array<i32>} : memref<32x1024xf32, #tpu.memory_space<vmem>>, vector<1x16xf32>,
      %swap3A_913 = vector.shape_cast %swap3A_912 : vector<1x16xf32> to vector<16xf32>
      %swap3A_914 = vector.shape_cast %add3A_909 : vector<16xf32> to vector<1x16xf32>
      tpu.vector_store %arg7[%swap3A_910, %swap3A_911], %swap3A_914 {strides = array<i32>} : memref<32x1024xf32, #tpu.memory_space<vmem>>, vector<1x16xf32>,
      %get3A_915 = arith.index_cast %scan3A_36 : i32 to index
      %get3A_916 = arith.constant 880 : index
      %get3A_917 = tpu.vector_load %arg6[%get3A_915, %get3A_916] {strides = array<i32>} : memref<64x1024xf32, #tpu.memory_space<vmem>>, vector<1x16xf32>,
      %get3A_918 = vector.shape_cast %get3A_917 : vector<1x16xf32> to vector<16xf32>
      %add3A_919 = arith.constant 32 : i32
      %add3A_920 = arith.addi %scan3A_36, %add3A_919 : i32
      %get3A_921 = arith.index_cast %add3A_920 : i32 to index
      %get3A_922 = arith.constant 880 : index
      %get3A_923 = tpu.vector_load %arg6[%get3A_921, %get3A_922] {strides = array<i32>} : memref<64x1024xf32, #tpu.memory_space<vmem>>, vector<1x16xf32>,
      %get3A_924 = vector.shape_cast %get3A_923 : vector<1x16xf32> to vector<16xf32>
      %add3A_925 = arith.addf %get3A_918, %get3A_924 : vector<16xf32>
      %swap3A_926 = arith.index_cast %scan3A_36 : i32 to index
      %swap3A_927 = arith.constant 880 : index
      %swap3A_928 = tpu.vector_load %arg7[%swap3A_926, %swap3A_927] {strides = array<i32>} : memref<32x1024xf32, #tpu.memory_space<vmem>>, vector<1x16xf32>,
      %swap3A_929 = vector.shape_cast %swap3A_928 : vector<1x16xf32> to vector<16xf32>
      %swap3A_930 = vector.shape_cast %add3A_925 : vector<16xf32> to vector<1x16xf32>
      tpu.vector_store %arg7[%swap3A_926, %swap3A_927], %swap3A_930 {strides = array<i32>} : memref<32x1024xf32, #tpu.memory_space<vmem>>, vector<1x16xf32>,
      %get3A_931 = arith.index_cast %scan3A_36 : i32 to index
      %get3A_932 = arith.constant 896 : index
      %get3A_933 = tpu.vector_load %arg6[%get3A_931, %get3A_932] {strides = array<i32>} : memref<64x1024xf32, #tpu.memory_space<vmem>>, vector<1x16xf32>,
      %get3A_934 = vector.shape_cast %get3A_933 : vector<1x16xf32> to vector<16xf32>
      %add3A_935 = arith.constant 32 : i32
      %add3A_936 = arith.addi %scan3A_36, %add3A_935 : i32
      %get3A_937 = arith.index_cast %add3A_936 : i32 to index
      %get3A_938 = arith.constant 896 : index
      %get3A_939 = tpu.vector_load %arg6[%get3A_937, %get3A_938] {strides = array<i32>} : memref<64x1024xf32, #tpu.memory_space<vmem>>, vector<1x16xf32>,
      %get3A_940 = vector.shape_cast %get3A_939 : vector<1x16xf32> to vector<16xf32>
      %add3A_941 = arith.addf %get3A_934, %get3A_940 : vector<16xf32>
      %swap3A_942 = arith.index_cast %scan3A_36 : i32 to index
      %swap3A_943 = arith.constant 896 : index
      %swap3A_944 = tpu.vector_load %arg7[%swap3A_942, %swap3A_943] {strides = array<i32>} : memref<32x1024xf32, #tpu.memory_space<vmem>>, vector<1x16xf32>,
      %swap3A_945 = vector.shape_cast %swap3A_944 : vector<1x16xf32> to vector<16xf32>
      %swap3A_946 = vector.shape_cast %add3A_941 : vector<16xf32> to vector<1x16xf32>
      tpu.vector_store %arg7[%swap3A_942, %swap3A_943], %swap3A_946 {strides = array<i32>} : memref<32x1024xf32, #tpu.memory_space<vmem>>, vector<1x16xf32>,
      %get3A_947 = arith.index_cast %scan3A_36 : i32 to index
      %get3A_948 = arith.constant 912 : index
      %get3A_949 = tpu.vector_load %arg6[%get3A_947, %get3A_948] {strides = array<i32>} : memref<64x1024xf32, #tpu.memory_space<vmem>>, vector<1x16xf32>,
      %get3A_950 = vector.shape_cast %get3A_949 : vector<1x16xf32> to vector<16xf32>
      %add3A_951 = arith.constant 32 : i32
      %add3A_952 = arith.addi %scan3A_36, %add3A_951 : i32
      %get3A_953 = arith.index_cast %add3A_952 : i32 to index
      %get3A_954 = arith.constant 912 : index
      %get3A_955 = tpu.vector_load %arg6[%get3A_953, %get3A_954] {strides = array<i32>} : memref<64x1024xf32, #tpu.memory_space<vmem>>, vector<1x16xf32>,
      %get3A_956 = vector.shape_cast %get3A_955 : vector<1x16xf32> to vector<16xf32>
      %add3A_957 = arith.addf %get3A_950, %get3A_956 : vector<16xf32>
      %swap3A_958 = arith.index_cast %scan3A_36 : i32 to index
      %swap3A_959 = arith.constant 912 : index
      %swap3A_960 = tpu.vector_load %arg7[%swap3A_958, %swap3A_959] {strides = array<i32>} : memref<32x1024xf32, #tpu.memory_space<vmem>>, vector<1x16xf32>,
      %swap3A_961 = vector.shape_cast %swap3A_960 : vector<1x16xf32> to vector<16xf32>
      %swap3A_962 = vector.shape_cast %add3A_957 : vector<16xf32> to vector<1x16xf32>
      tpu.vector_store %arg7[%swap3A_958, %swap3A_959], %swap3A_962 {strides = array<i32>} : memref<32x1024xf32, #tpu.memory_space<vmem>>, vector<1x16xf32>,
      %get3A_963 = arith.index_cast %scan3A_36 : i32 to index
      %get3A_964 = arith.constant 928 : index
      %get3A_965 = tpu.vector_load %arg6[%get3A_963, %get3A_964] {strides = array<i32>} : memref<64x1024xf32, #tpu.memory_space<vmem>>, vector<1x16xf32>,
      %get3A_966 = vector.shape_cast %get3A_965 : vector<1x16xf32> to vector<16xf32>
      %add3A_967 = arith.constant 32 : i32
      %add3A_968 = arith.addi %scan3A_36, %add3A_967 : i32
      %get3A_969 = arith.index_cast %add3A_968 : i32 to index
      %get3A_970 = arith.constant 928 : index
      %get3A_971 = tpu.vector_load %arg6[%get3A_969, %get3A_970] {strides = array<i32>} : memref<64x1024xf32, #tpu.memory_space<vmem>>, vector<1x16xf32>,
      %get3A_972 = vector.shape_cast %get3A_971 : vector<1x16xf32> to vector<16xf32>
      %add3A_973 = arith.addf %get3A_966, %get3A_972 : vector<16xf32>
      %swap3A_974 = arith.index_cast %scan3A_36 : i32 to index
      %swap3A_975 = arith.constant 928 : index
      %swap3A_976 = tpu.vector_load %arg7[%swap3A_974, %swap3A_975] {strides = array<i32>} : memref<32x1024xf32, #tpu.memory_space<vmem>>, vector<1x16xf32>,
      %swap3A_977 = vector.shape_cast %swap3A_976 : vector<1x16xf32> to vector<16xf32>
      %swap3A_978 = vector.shape_cast %add3A_973 : vector<16xf32> to vector<1x16xf32>
      tpu.vector_store %arg7[%swap3A_974, %swap3A_975], %swap3A_978 {strides = array<i32>} : memref<32x1024xf32, #tpu.memory_space<vmem>>, vector<1x16xf32>,
      %get3A_979 = arith.index_cast %scan3A_36 : i32 to index
      %get3A_980 = arith.constant 944 : index
      %get3A_981 = tpu.vector_load %arg6[%get3A_979, %get3A_980] {strides = array<i32>} : memref<64x1024xf32, #tpu.memory_space<vmem>>, vector<1x16xf32>,
      %get3A_982 = vector.shape_cast %get3A_981 : vector<1x16xf32> to vector<16xf32>
      %add3A_983 = arith.constant 32 : i32
      %add3A_984 = arith.addi %scan3A_36, %add3A_983 : i32
      %get3A_985 = arith.index_cast %add3A_984 : i32 to index
      %get3A_986 = arith.constant 944 : index
      %get3A_987 = tpu.vector_load %arg6[%get3A_985, %get3A_986] {strides = array<i32>} : memref<64x1024xf32, #tpu.memory_space<vmem>>, vector<1x16xf32>,
      %get3A_988 = vector.shape_cast %get3A_987 : vector<1x16xf32> to vector<16xf32>
      %add3A_989 = arith.addf %get3A_982, %get3A_988 : vector<16xf32>
      %swap3A_990 = arith.index_cast %scan3A_36 : i32 to index
      %swap3A_991 = arith.constant 944 : index
      %swap3A_992 = tpu.vector_load %arg7[%swap3A_990, %swap3A_991] {strides = array<i32>} : memref<32x1024xf32, #tpu.memory_space<vmem>>, vector<1x16xf32>,
      %swap3A_993 = vector.shape_cast %swap3A_992 : vector<1x16xf32> to vector<16xf32>
      %swap3A_994 = vector.shape_cast %add3A_989 : vector<16xf32> to vector<1x16xf32>
      tpu.vector_store %arg7[%swap3A_990, %swap3A_991], %swap3A_994 {strides = array<i32>} : memref<32x1024xf32, #tpu.memory_space<vmem>>, vector<1x16xf32>,
      %get3A_995 = arith.index_cast %scan3A_36 : i32 to index
      %get3A_996 = arith.constant 960 : index
      %get3A_997 = tpu.vector_load %arg6[%get3A_995, %get3A_996] {strides = array<i32>} : memref<64x1024xf32, #tpu.memory_space<vmem>>, vector<1x16xf32>,
      %get3A_998 = vector.shape_cast %get3A_997 : vector<1x16xf32> to vector<16xf32>
      %add3A_999 = arith.constant 32 : i32
      %add3A_1000 = arith.addi %scan3A_36, %add3A_999 : i32
      %get3A_1001 = arith.index_cast %add3A_1000 : i32 to index
      %get3A_1002 = arith.constant 960 : index
      %get3A_1003 = tpu.vector_load %arg6[%get3A_1001, %get3A_1002] {strides = array<i32>} : memref<64x1024xf32, #tpu.memory_space<vmem>>, vector<1x16xf32>,
      %get3A_1004 = vector.shape_cast %get3A_1003 : vector<1x16xf32> to vector<16xf32>
      %add3A_1005 = arith.addf %get3A_998, %get3A_1004 : vector<16xf32>
      %swap3A_1006 = arith.index_cast %scan3A_36 : i32 to index
      %swap3A_1007 = arith.constant 960 : index
      %swap3A_1008 = tpu.vector_load %arg7[%swap3A_1006, %swap3A_1007] {strides = array<i32>} : memref<32x1024xf32, #tpu.memory_space<vmem>>, vector<1x16xf32>,
      %swap3A_1009 = vector.shape_cast %swap3A_1008 : vector<1x16xf32> to vector<16xf32>
      %swap3A_1010 = vector.shape_cast %add3A_1005 : vector<16xf32> to vector<1x16xf32>
      tpu.vector_store %arg7[%swap3A_1006, %swap3A_1007], %swap3A_1010 {strides = array<i32>} : memref<32x1024xf32, #tpu.memory_space<vmem>>, vector<1x16xf32>,
      %get3A_1011 = arith.index_cast %scan3A_36 : i32 to index
      %get3A_1012 = arith.constant 976 : index
      %get3A_1013 = tpu.vector_load %arg6[%get3A_1011, %get3A_1012] {strides = array<i32>} : memref<64x1024xf32, #tpu.memory_space<vmem>>, vector<1x16xf32>,
      %get3A_1014 = vector.shape_cast %get3A_1013 : vector<1x16xf32> to vector<16xf32>
      %add3A_1015 = arith.constant 32 : i32
      %add3A_1016 = arith.addi %scan3A_36, %add3A_1015 : i32
      %get3A_1017 = arith.index_cast %add3A_1016 : i32 to index
      %get3A_1018 = arith.constant 976 : index
      %get3A_1019 = tpu.vector_load %arg6[%get3A_1017, %get3A_1018] {strides = array<i32>} : memref<64x1024xf32, #tpu.memory_space<vmem>>, vector<1x16xf32>,
      %get3A_1020 = vector.shape_cast %get3A_1019 : vector<1x16xf32> to vector<16xf32>
      %add3A_1021 = arith.addf %get3A_1014, %get3A_1020 : vector<16xf32>
      %swap3A_1022 = arith.index_cast %scan3A_36 : i32 to index
      %swap3A_1023 = arith.constant 976 : index
      %swap3A_1024 = tpu.vector_load %arg7[%swap3A_1022, %swap3A_1023] {strides = array<i32>} : memref<32x1024xf32, #tpu.memory_space<vmem>>, vector<1x16xf32>,
      %swap3A_1025 = vector.shape_cast %swap3A_1024 : vector<1x16xf32> to vector<16xf32>
      %swap3A_1026 = vector.shape_cast %add3A_1021 : vector<16xf32> to vector<1x16xf32>
      tpu.vector_store %arg7[%swap3A_1022, %swap3A_1023], %swap3A_1026 {strides = array<i32>} : memref<32x1024xf32, #tpu.memory_space<vmem>>, vector<1x16xf32>,
      %get3A_1027 = arith.index_cast %scan3A_36 : i32 to index
      %get3A_1028 = arith.constant 992 : index
      %get3A_1029 = tpu.vector_load %arg6[%get3A_1027, %get3A_1028] {strides = array<i32>} : memref<64x1024xf32, #tpu.memory_space<vmem>>, vector<1x16xf32>,
      %get3A_1030 = vector.shape_cast %get3A_1029 : vector<1x16xf32> to vector<16xf32>
      %add3A_1031 = arith.constant 32 : i32
      %add3A_1032 = arith.addi %scan3A_36, %add3A_1031 : i32
      %get3A_1033 = arith.index_cast %add3A_1032 : i32 to index
      %get3A_1034 = arith.constant 992 : index
      %get3A_1035 = tpu.vector_load %arg6[%get3A_1033, %get3A_1034] {strides = array<i32>} : memref<64x1024xf32, #tpu.memory_space<vmem>>, vector<1x16xf32>,
      %get3A_1036 = vector.shape_cast %get3A_1035 : vector<1x16xf32> to vector<16xf32>
      %add3A_1037 = arith.addf %get3A_1030, %get3A_1036 : vector<16xf32>
      %swap3A_1038 = arith.index_cast %scan3A_36 : i32 to index
      %swap3A_1039 = arith.constant 992 : index
      %swap3A_1040 = tpu.vector_load %arg7[%swap3A_1038, %swap3A_1039] {strides = array<i32>} : memref<32x1024xf32, #tpu.memory_space<vmem>>, vector<1x16xf32>,
      %swap3A_1041 = vector.shape_cast %swap3A_1040 : vector<1x16xf32> to vector<16xf32>
      %swap3A_1042 = vector.shape_cast %add3A_1037 : vector<16xf32> to vector<1x16xf32>
      tpu.vector_store %arg7[%swap3A_1038, %swap3A_1039], %swap3A_1042 {strides = array<i32>} : memref<32x1024xf32, #tpu.memory_space<vmem>>, vector<1x16xf32>,
      %get3A_1043 = arith.index_cast %scan3A_36 : i32 to index
      %get3A_1044 = arith.constant 1008 : index
      %get3A_1045 = tpu.vector_load %arg6[%get3A_1043, %get3A_1044] {strides = array<i32>} : memref<64x1024xf32, #tpu.memory_space<vmem>>, vector<1x16xf32>,
      %get3A_1046 = vector.shape_cast %get3A_1045 : vector<1x16xf32> to vector<16xf32>
      %add3A_1047 = arith.constant 32 : i32
      %add3A_1048 = arith.addi %scan3A_36, %add3A_1047 : i32
      %get3A_1049 = arith.index_cast %add3A_1048 : i32 to index
      %get3A_1050 = arith.constant 1008 : index
      %get3A_1051 = tpu.vector_load %arg6[%get3A_1049, %get3A_1050] {strides = array<i32>} : memref<64x1024xf32, #tpu.memory_space<vmem>>, vector<1x16xf32>,
      %get3A_1052 = vector.shape_cast %get3A_1051 : vector<1x16xf32> to vector<16xf32>
      %add3A_1053 = arith.addf %get3A_1046, %get3A_1052 : vector<16xf32>
      %swap3A_1054 = arith.index_cast %scan3A_36 : i32 to index
      %swap3A_1055 = arith.constant 1008 : index
      %swap3A_1056 = tpu.vector_load %arg7[%swap3A_1054, %swap3A_1055] {strides = array<i32>} : memref<32x1024xf32, #tpu.memory_space<vmem>>, vector<1x16xf32>,
      %swap3A_1057 = vector.shape_cast %swap3A_1056 : vector<1x16xf32> to vector<16xf32>
      %swap3A_1058 = vector.shape_cast %add3A_1053 : vector<16xf32> to vector<1x16xf32>
      tpu.vector_store %arg7[%swap3A_1054, %swap3A_1055], %swap3A_1058 {strides = array<i32>} : memref<32x1024xf32, #tpu.memory_space<vmem>>, vector<1x16xf32>,
    }
    %scan3A_35 = arith.constant 32 : i32
    "tpu.region"() ({
      %run_scoped3A_36 = tpu.sem_alloc : memref<!tpu.dma_semaphore, #tpu.memory_space<semaphore_mem>>
      %dma_start3A_37 = arith.constant 0 : i32
      %dma_start3A_38 = tpu.memref_slice %arg4[%add3A_21, %dma_start3A_37] : memref<2048x1024xf32, #tpu.memory_space<hbm>> -> memref<32x1024xf32, #tpu.memory_space<hbm>>
      %dma_start3A_39 = arith.constant 0 : i32
      %dma_start3A_40 = tpu.memref_slice %arg4[%add3A_21, %dma_start3A_39] : memref<2048x1024xf32, #tpu.memory_space<hbm>> -> memref<32x1024xf32, #tpu.memory_space<hbm>>
      tpu.enqueue_dma source(%arg7 : memref<32x1024xf32, #tpu.memory_space<vmem>>) target(%dma_start3A_40 : memref<32x1024xf32, #tpu.memory_space<hbm>>) target_semaphore(%run_scoped3A_36 : memref<!tpu.dma_semaphore, #tpu.memory_space<semaphore_mem>>)
      %dma_wait3A_41 = arith.constant 0 : i32
      %dma_wait3A_42 = tpu.memref_slice %arg4[%add3A_21, %dma_wait3A_41] : memref<2048x1024xf32, #tpu.memory_space<hbm>> -> memref<32x1024xf32, #tpu.memory_space<hbm>>
      %dma_wait3A_43 = arith.constant 0 : i32
      %dma_wait3A_44 = tpu.memref_slice %arg4[%add3A_21, %dma_wait3A_43] : memref<2048x1024xf32, #tpu.memory_space<hbm>> -> memref<32x1024xf32, #tpu.memory_space<hbm>>
      tpu.wait_dma2 semaphore(%run_scoped3A_36 : memref<!tpu.dma_semaphore, #tpu.memory_space<semaphore_mem>>) src(%arg7 : memref<32x1024xf32, #tpu.memory_space<vmem>>) dst(%dma_wait3A_44 : memref<32x1024xf32, #tpu.memory_space<hbm>>)
      tpu.yield
    }) : () -> ()
    return
  }
}

module attributes {stable_mosaic.version = 14 : i64} {
  func.func @_final_body(%arg0: i32, %arg1: memref<256x1024xf32, #tpu.memory_space<vmem>>, %arg2: memref<256x1024xf32, #tpu.memory_space<vmem>>, %arg3: memref<1024x1024xf32, #tpu.memory_space<vmem>>, %arg4: memref<1x1024xf32, #tpu.memory_space<vmem>>, %arg5: memref<256x1024xf32, #tpu.memory_space<vmem>>) attributes {dimension_semantics = [#tpu.dimension_semantics<arbitrary>], iteration_bounds = array<i64: 8>, scalar_prefetch = 0 : i64, scratch_operands = 0 : i64, tpu.core_type = #tpu.core_type<tc>, window_params = [{transform_indices = @transform_0, window_bounds = array<i64: 256, 1024>}, {transform_indices = @transform_1, window_bounds = array<i64: 256, 1024>}, {pipeline_mode = #tpu.pipeline_mode<synchronous>, transform_indices = @transform_2, window_bounds = array<i64: 1024, 1024>}, {pipeline_mode = #tpu.pipeline_mode<synchronous>, transform_indices = @transform_3, window_bounds = array<i64: 1, 1024>}, {transform_indices = @transform_4, window_bounds = array<i64: 256, 1024>}]} {
    %get3A = arith.constant 0 : index
    %get3A_0 = arith.constant 0 : index
    %get3A_1 = vector.load %arg1[%get3A, %get3A_0] : memref<256x1024xf32, #tpu.memory_space<vmem>>, vector<256x1024xf32>
    %get3A_2 = arith.constant 0 : index
    %get3A_3 = arith.constant 0 : index
    %get3A_4 = vector.load %arg2[%get3A_2, %get3A_3] : memref<256x1024xf32, #tpu.memory_space<vmem>>, vector<256x1024xf32>
    %add3A = arith.addf %get3A_1, %get3A_4 : vector<256x1024xf32>
    %get3A_5 = arith.constant 0 : index
    %get3A_6 = arith.constant 0 : index
    %get3A_7 = vector.load %arg3[%get3A_5, %get3A_6] : memref<1024x1024xf32, #tpu.memory_space<vmem>>, vector<1024x1024xf32>
    %dot_general3A = arith.constant dense<0.000000e+00> : vector<256x1024xf32>
    %dot_general3A_8 = tpu.matmul %add3A, %get3A_7, %dot_general3A {dimension_numbers = #tpu.dot_dimension_numbers<[1], [1], [0], [0], [0, 0, 1, 0], [], []>, transpose_lhs_hint = false} : vector<256x1024xf32>, vector<1024x1024xf32>, vector<256x1024xf32> -> vector<256x1024xf32>
    %get3A_9 = arith.constant 0 : index
    %get3A_10 = arith.constant 0 : index
    %get3A_11 = vector.load %arg4[%get3A_9, %get3A_10] : memref<1x1024xf32, #tpu.memory_space<vmem>>, vector<1x1024xf32>
    %add3A_12 = vector.broadcast %get3A_11 : vector<1x1024xf32> to vector<256x1024xf32>
    %add3A_13 = arith.addf %dot_general3A_8, %add3A_12 : vector<256x1024xf32>
    %swap3A = arith.constant 0 : index
    %swap3A_14 = arith.constant 0 : index
    %swap3A_15 = vector.load %arg5[%swap3A, %swap3A_14] : memref<256x1024xf32, #tpu.memory_space<vmem>>, vector<256x1024xf32>
    tpu.vector_store %arg5[%swap3A, %swap3A_14], %add3A_13 {strides = array<i32>} : memref<256x1024xf32, #tpu.memory_space<vmem>>, vector<256x1024xf32>,
    return
  }
  func.func @transform_0(%arg0: i32) -> (i32, i32) {
    %c0_i32 = arith.constant 0 : i32
    %c0_i32_0 = arith.constant 0 : i32
    return %arg0, %c0_i32 : i32, i32
  }
  func.func @transform_1(%arg0: i32) -> (i32, i32) {
    %c0_i32 = arith.constant 0 : i32
    %c0_i32_0 = arith.constant 0 : i32
    return %arg0, %c0_i32 : i32, i32
  }
  func.func @transform_2(%arg0: i32) -> (i32, i32) {
    %c0_i32 = arith.constant 0 : i32
    %c0_i32_0 = arith.constant 0 : i32
    %c0_i32_1 = arith.constant 0 : i32
    return %c0_i32, %c0_i32_0 : i32, i32
  }
  func.func @transform_3(%arg0: i32) -> (i32, i32) {
    %c0_i32 = arith.constant 0 : i32
    %c0_i32_0 = arith.constant 0 : i32
    %c0_i32_1 = arith.constant 0 : i32
    return %c0_i32, %c0_i32_0 : i32, i32
  }
  func.func @transform_4(%arg0: i32) -> (i32, i32) {
    %c0_i32 = arith.constant 0 : i32
    %c0_i32_0 = arith.constant 0 : i32
    return %arg0, %c0_i32 : i32, i32
  }
}

module attributes {stable_mosaic.version = 14 : i64} {
  func.func @_route_body(%arg0: i32, %arg1: i32, %arg2: memref<256x1024xf32, #tpu.memory_space<vmem>>, %arg3: memref<8x1024xf32, #tpu.memory_space<vmem>>, %arg4: memref<2x256xf32, #tpu.memory_space<vmem>>, %arg5: memref<2x256xi32, #tpu.memory_space<vmem>>, %arg6: memref<1x24xi32, #tpu.memory_space<vmem>>, %arg7: memref<1x24xi32, #tpu.memory_space<vmem>>, %arg8: memref<2048x8xf32, #tpu.memory_space<vmem>>, %arg9: memref<2048x2xi32, #tpu.memory_space<vmem>>, %arg10: memref<2048x2xf32, #tpu.memory_space<vmem>>, %arg11: memref<8x8xf32, #tpu.memory_space<vmem>>) attributes {dimension_semantics = [#tpu.dimension_semantics<arbitrary>, #tpu.dimension_semantics<arbitrary>], iteration_bounds = array<i64: 2, 8>, scalar_prefetch = 0 : i64, scratch_operands = 4 : i64, tpu.core_type = #tpu.core_type<tc>, window_params = [{transform_indices = @transform_0, window_bounds = array<i64: 256, 1024>}, {pipeline_mode = #tpu.pipeline_mode<synchronous>, transform_indices = @transform_1, window_bounds = array<i64: 8, 1024>}, {transform_indices = @transform_2, window_bounds = array<i64: 2, 256>}, {transform_indices = @transform_3, window_bounds = array<i64: 2, 256>}, {pipeline_mode = #tpu.pipeline_mode<synchronous>, transform_indices = @transform_4, window_bounds = array<i64: 1, 24>}, {pipeline_mode = #tpu.pipeline_mode<synchronous>, transform_indices = @transform_5, window_bounds = array<i64: 1, 24>}]} {
    %eq3A = arith.constant 0 : i32
    %eq3A_0 = arith.cmpi eq, %arg0, %eq3A : i32
    %convert_element_type3A = arith.extui %eq3A_0 : i1 to i32
    %cond3A = arith.constant 0 : i32
    %cond3A_1 = arith.cmpi ne, %convert_element_type3A, %cond3A : i32
    scf.if %cond3A_1 {
      %get3A = arith.constant 0 : index
      %get3A_7 = arith.constant 0 : index
      %get3A_8 = vector.load %arg2[%get3A, %get3A_7] : memref<256x1024xf32, #tpu.memory_space<vmem>>, vector<256x1024xf32>
      %get3A_9 = arith.constant 0 : index
      %get3A_10 = arith.constant 0 : index
      %get3A_11 = vector.load %arg3[%get3A_9, %get3A_10] : memref<8x1024xf32, #tpu.memory_space<vmem>>, vector<8x1024xf32>
      %dot_general3A = arith.constant dense<0.000000e+00> : vector<256x8xf32>
      %dot_general3A_12 = tpu.matmul %get3A_8, %get3A_11, %dot_general3A {dimension_numbers = #tpu.dot_dimension_numbers<[1], [1], [0], [0], [0, 0, 1, 0], [], []>, transpose_lhs_hint = false} : vector<256x1024xf32>, vector<8x1024xf32>, vector<256x8xf32> -> vector<256x8xf32>
      %reduce_max3A = arith.constant dense<0xFF800000> : vector<256xf32>
      %reduce_max3A_13 = vector.multi_reduction <maximumf>, %dot_general3A_12, %reduce_max3A [1] : vector<256x8xf32> to vector<256xf32>
      %max3A = arith.constant 0xFF800000 : f32
      %max3A_14 = vector.broadcast %max3A : f32 to vector<256xf32>
      %max3A_15 = arith.maximumf %max3A_14, %reduce_max3A_13 : vector<256xf32>
      %broadcast_in_dim3A = vector.shape_cast %max3A_15 : vector<256xf32> to vector<256x1xf32>
      %sub3A = vector.broadcast %broadcast_in_dim3A : vector<256x1xf32> to vector<256x8xf32>
      %sub3A_16 = arith.subf %dot_general3A_12, %sub3A : vector<256x8xf32>
      %exp3A = math.exp %sub3A_16 : vector<256x8xf32>
      %reduce_sum3A = arith.constant dense<0.000000e+00> : vector<256xf32>
      %reduce_sum3A_17 = vector.multi_reduction <add>, %exp3A, %reduce_sum3A [1] : vector<256x8xf32> to vector<256xf32>
      %broadcast_in_dim3A_18 = vector.shape_cast %reduce_sum3A_17 : vector<256xf32> to vector<256x1xf32>
      %div3A = vector.broadcast %broadcast_in_dim3A_18 : vector<256x1xf32> to vector<256x8xf32>
      %div3A_19 = arith.divf %exp3A, %div3A : vector<256x8xf32>
      %argmax3A = tpu.reduce_index %div3A_19 {axis = 1 : i32, kind = #tpu.reduction_kind<arg_max>} : vector<256x8xf32> -> vector<256xi32>
      %reduce_max3A_20 = arith.constant dense<0xFF800000> : vector<256xf32>
      %reduce_max3A_21 = vector.multi_reduction <maximumf>, %div3A_19, %reduce_max3A_20 [1] : vector<256x8xf32> to vector<256xf32>
      %iota3A = tpu.iota {dimensions = array<i32: 1>} : vector<256x8xi32>
      %broadcast_in_dim3A_22 = vector.shape_cast %argmax3A : vector<256xi32> to vector<256x1xi32>
      %eq3A_23 = vector.broadcast %broadcast_in_dim3A_22 : vector<256x1xi32> to vector<256x8xi32>
      %eq3A_24 = arith.cmpi eq, %iota3A, %eq3A_23 : vector<256x8xi32>
      %jit3A = arith.constant 0xFF800000 : f32
      %broadcast_in_dim3A_25 = vector.broadcast %jit3A : f32 to vector<256x8xf32>
      %select_n3A = arith.select %eq3A_24, %broadcast_in_dim3A_25, %div3A_19 : vector<256x8xi1>, vector<256x8xf32>
      %argmax3A_26 = tpu.reduce_index %select_n3A {axis = 1 : i32, kind = #tpu.reduction_kind<arg_max>} : vector<256x8xf32> -> vector<256xi32>
      %reduce_max3A_27 = arith.constant dense<0xFF800000> : vector<256xf32>
      %reduce_max3A_28 = vector.multi_reduction <maximumf>, %select_n3A, %reduce_max3A_27 [1] : vector<256x8xf32> to vector<256xf32>
      %broadcast_in_dim3A_29 = vector.shape_cast %argmax3A : vector<256xi32> to vector<256x1xi32>
      %eq3A_30 = vector.broadcast %broadcast_in_dim3A_29 : vector<256x1xi32> to vector<256x8xi32>
      %eq3A_31 = arith.cmpi eq, %iota3A, %eq3A_30 : vector<256x8xi32>
      %convert_element_type3A_32 = arith.extui %eq3A_31 : vector<256x8xi1> to vector<256x8xi32>
      %convert_element_type3A_33 = arith.sitofp %convert_element_type3A_32 : vector<256x8xi32> to vector<256x8xf32>
      %broadcast_in_dim3A_34 = vector.shape_cast %argmax3A_26 : vector<256xi32> to vector<256x1xi32>
      %eq3A_35 = vector.broadcast %broadcast_in_dim3A_34 : vector<256x1xi32> to vector<256x8xi32>
      %eq3A_36 = arith.cmpi eq, %iota3A, %eq3A_35 : vector<256x8xi32>
      %convert_element_type3A_37 = arith.extui %eq3A_36 : vector<256x8xi1> to vector<256x8xi32>
      %convert_element_type3A_38 = arith.sitofp %convert_element_type3A_37 : vector<256x8xi32> to vector<256x8xf32>
      %add3A = arith.addf %convert_element_type3A_33, %convert_element_type3A_38 : vector<256x8xf32>
      %mul3A = arith.constant 256 : i32
      %mul3A_39 = arith.muli %arg1, %mul3A : i32
      %swap3A = arith.index_cast %mul3A_39 : i32 to index
      %swap3A_40 = arith.constant 0 : index
      %swap3A_41 = vector.load %arg8[%swap3A, %swap3A_40] : memref<2048x8xf32, #tpu.memory_space<vmem>>, vector<256x8xf32>
      tpu.vector_store %arg8[%swap3A, %swap3A_40], %add3A {strides = array<i32>} : memref<2048x8xf32, #tpu.memory_space<vmem>>, vector<256x8xf32>,
      %stack3A = vector.shape_cast %argmax3A : vector<256xi32> to vector<256x1xi32>
      %stack3A_42 = vector.shape_cast %argmax3A_26 : vector<256xi32> to vector<256x1xi32>
      %stack3A_43 = tpu.concatenate %stack3A, %stack3A_42 in 1 : vector<256x1xi32>, vector<256x1xi32> -> vector<256x2xi32>
      %swap3A_44 = arith.index_cast %mul3A_39 : i32 to index
      %swap3A_45 = arith.constant 0 : index
      %swap3A_46 = vector.load %arg9[%swap3A_44, %swap3A_45] : memref<2048x2xi32, #tpu.memory_space<vmem>>, vector<256x2xi32>
      tpu.vector_store %arg9[%swap3A_44, %swap3A_45], %stack3A_43 {strides = array<i32>} : memref<2048x2xi32, #tpu.memory_space<vmem>>, vector<256x2xi32>,
      %stack3A_47 = vector.shape_cast %reduce_max3A_21 : vector<256xf32> to vector<256x1xf32>
      %stack3A_48 = vector.shape_cast %reduce_max3A_28 : vector<256xf32> to vector<256x1xf32>
      %stack3A_49 = tpu.concatenate %stack3A_47, %stack3A_48 in 1 : vector<256x1xf32>, vector<256x1xf32> -> vector<256x2xf32>
      %swap3A_50 = arith.index_cast %mul3A_39 : i32 to index
      %swap3A_51 = arith.constant 0 : index
      %swap3A_52 = vector.load %arg10[%swap3A_50, %swap3A_51] : memref<2048x2xf32, #tpu.memory_space<vmem>>, vector<256x2xf32>
      tpu.vector_store %arg10[%swap3A_50, %swap3A_51], %stack3A_49 {strides = array<i32>} : memref<2048x2xf32, #tpu.memory_space<vmem>>, vector<256x2xf32>,
      %reduce_sum3A_53 = arith.constant dense<0.000000e+00> : vector<8xf32>
      %reduce_sum3A_54 = vector.multi_reduction <add>, %add3A, %reduce_sum3A_53 [0] : vector<256x8xf32> to vector<8xf32>
      %broadcast_in_dim3A_55 = vector.shape_cast %reduce_sum3A_54 : vector<8xf32> to vector<1x8xf32>
      %swap3A_56 = arith.index_cast %arg1 : i32 to index
      %swap3A_57 = arith.constant 0 : index
      %swap3A_58 = vector.load %arg11[%swap3A_56, %swap3A_57] : memref<8x8xf32, #tpu.memory_space<vmem>>, vector<1x8xf32>
      tpu.vector_store %arg11[%swap3A_56, %swap3A_57], %broadcast_in_dim3A_55 {strides = array<i32>} : memref<8x8xf32, #tpu.memory_space<vmem>>, vector<1x8xf32>,
      %stack3A_59 = vector.shape_cast %reduce_max3A_21 : vector<256xf32> to vector<1x256xf32>
      %stack3A_60 = vector.shape_cast %reduce_max3A_28 : vector<256xf32> to vector<1x256xf32>
      %stack3A_61 = tpu.concatenate %stack3A_59, %stack3A_60 in 0 : vector<1x256xf32>, vector<1x256xf32> -> vector<2x256xf32>
      %swap3A_62 = arith.constant 0 : index
      %swap3A_63 = arith.constant 0 : index
      %swap3A_64 = vector.load %arg4[%swap3A_62, %swap3A_63] : memref<2x256xf32, #tpu.memory_space<vmem>>, vector<2x256xf32>
      tpu.vector_store %arg4[%swap3A_62, %swap3A_63], %stack3A_61 {strides = array<i32>} : memref<2x256xf32, #tpu.memory_space<vmem>>, vector<2x256xf32>,
      %broadcast_in_dim3A_65 = arith.constant 0 : i32
      %broadcast_in_dim3A_66 = vector.broadcast %broadcast_in_dim3A_65 : i32 to vector<2x256xi32>
      %swap3A_67 = arith.constant 0 : index
      %swap3A_68 = arith.constant 0 : index
      %swap3A_69 = vector.load %arg5[%swap3A_67, %swap3A_68] : memref<2x256xi32, #tpu.memory_space<vmem>>, vector<2x256xi32>
      tpu.vector_store %arg5[%swap3A_67, %swap3A_68], %broadcast_in_dim3A_66 {strides = array<i32>} : memref<2x256xi32, #tpu.memory_space<vmem>>, vector<2x256xi32>,
    } else {
    }
    %eq3A_2 = arith.constant 1 : i32
    %eq3A_3 = arith.cmpi eq, %arg0, %eq3A_2 : i32
    %convert_element_type3A_4 = arith.extui %eq3A_3 : i1 to i32
    %cond3A_5 = arith.constant 0 : i32
    %cond3A_6 = arith.cmpi ne, %convert_element_type3A_4, %cond3A_5 : i32
    scf.if %cond3A_6 {
      %get3A = arith.constant 0 : index
      %get3A_7 = arith.constant 0 : index
      %get3A_8 = vector.load %arg11[%get3A, %get3A_7] : memref<8x8xf32, #tpu.memory_space<vmem>>, vector<8x8xf32>
      %reduce_sum3A = arith.constant dense<0.000000e+00> : vector<8xf32>
      %reduce_sum3A_9 = vector.multi_reduction <add>, %get3A_8, %reduce_sum3A [0] : vector<8x8xf32> to vector<8xf32>
      %div3A = arith.constant 2.560000e+02 : f32
      %div3A_10 = vector.broadcast %div3A : f32 to vector<8xf32>
      %div3A_11 = arith.divf %reduce_sum3A_9, %div3A_10 : vector<8xf32>
      %ceil3A = math.ceil %div3A_11 : vector<8xf32>
      %mul3A = arith.constant 2.560000e+02 : f32
      %mul3A_12 = vector.broadcast %mul3A : f32 to vector<8xf32>
      %mul3A_13 = arith.mulf %ceil3A, %mul3A_12 : vector<8xf32>
      %iota3A = tpu.iota {dimensions = array<i32: 0>} : vector<8x8xi32>
      %iota3A_14 = tpu.iota {dimensions = array<i32: 1>} : vector<8x8xi32>
      %lt3A = arith.cmpi slt, %iota3A_14, %iota3A : vector<8x8xi32>
      %broadcast_in_dim3A = vector.shape_cast %mul3A_13 : vector<8xf32> to vector<1x8xf32>
      %jit3A = arith.constant 0.000000e+00 : f32
      %broadcast_in_dim3A_15 = vector.shape_cast %broadcast_in_dim3A : vector<1x8xf32> to vector<1x8xf32>
      %broadcast_in_dim3A_16 = vector.broadcast %broadcast_in_dim3A_15 : vector<1x8xf32> to vector<8x8xf32>
      %broadcast_in_dim3A_17 = vector.broadcast %jit3A : f32 to vector<8x8xf32>
      %select_n3A = arith.select %lt3A, %broadcast_in_dim3A_16, %broadcast_in_dim3A_17 : vector<8x8xi1>, vector<8x8xf32>
      %reduce_sum3A_18 = arith.constant dense<0.000000e+00> : vector<8xf32>
      %reduce_sum3A_19 = vector.multi_reduction <add>, %select_n3A, %reduce_sum3A_18 [1] : vector<8x8xf32> to vector<8xf32>
      %add3A = arith.addf %reduce_sum3A_19, %mul3A_13 : vector<8xf32>
      %iota3A_20 = tpu.iota {dimensions = array<i32: 0>} : vector<8x8xi32>
      %lt3A_21 = vector.broadcast %arg1 : i32 to vector<8x8xi32>
      %lt3A_22 = arith.cmpi slt, %iota3A_20, %lt3A_21 : vector<8x8xi32>
      %jit3A_23 = arith.constant 0.000000e+00 : f32
      %broadcast_in_dim3A_24 = vector.broadcast %jit3A_23 : f32 to vector<8x8xf32>
      %select_n3A_25 = arith.select %lt3A_22, %get3A_8, %broadcast_in_dim3A_24 : vector<8x8xi1>, vector<8x8xf32>
      %reduce_sum3A_26 = arith.constant dense<0.000000e+00> : vector<8xf32>
      %reduce_sum3A_27 = vector.multi_reduction <add>, %select_n3A_25, %reduce_sum3A_26 [0] : vector<8x8xf32> to vector<8xf32>
      %mul3A_28 = arith.constant 256 : i32
      %mul3A_29 = arith.muli %arg1, %mul3A_28 : i32
      %iota3A_30 = tpu.iota {dimensions = array<i32: 0>} : vector<256x256xi32>
      %iota3A_31 = tpu.iota {dimensions = array<i32: 1>} : vector<256x256xi32>
      %lt3A_32 = arith.cmpi slt, %iota3A_31, %iota3A_30 : vector<256x256xi32>
      %convert_element_type3A_33 = arith.extui %lt3A_32 : vector<256x256xi1> to vector<256x256xi32>
      %convert_element_type3A_34 = arith.sitofp %convert_element_type3A_33 : vector<256x256xi32> to vector<256x256xf32>
      %get3A_35 = arith.index_cast %mul3A_29 : i32 to index
      %get3A_36 = arith.constant 0 : index
      %get3A_37 = vector.load %arg8[%get3A_35, %get3A_36] : memref<2048x8xf32, #tpu.memory_space<vmem>>, vector<256x8xf32>
      %dot_general3A = arith.constant dense<0.000000e+00> : vector<256x8xf32>
      %dot_general3A_38 = tpu.matmul %convert_element_type3A_34, %get3A_37, %dot_general3A {dimension_numbers = #tpu.dot_dimension_numbers<[1], [0], [0], [1], [0, 0, 1, 1], [], []>, transpose_lhs_hint = false} : vector<256x256xf32>, vector<256x8xf32>, vector<256x8xf32> -> vector<256x8xf32>
      %get3A_39 = arith.index_cast %mul3A_29 : i32 to index
      %get3A_40 = arith.constant 0 : index
      %get3A_41 = vector.load %arg9[%get3A_39, %get3A_40] : memref<2048x2xi32, #tpu.memory_space<vmem>>, vector<256x2xi32>
      %iota3A_42 = tpu.iota {dimensions = array<i32: 1>} : vector<256x8xi32>
      %add3A_43 = arith.addf %reduce_sum3A_19, %reduce_sum3A_27 : vector<8xf32>
      %broadcast_in_dim3A_44 = vector.shape_cast %add3A_43 : vector<8xf32> to vector<1x8xf32>
      %add3A_45 = vector.broadcast %broadcast_in_dim3A_44 : vector<1x8xf32> to vector<256x8xf32>
      %add3A_46 = arith.addf %add3A_45, %dot_general3A_38 : vector<256x8xf32>
      %slice3A = vector.extract_strided_slice %get3A_41 {offsets = [0, 0], sizes = [256, 1], strides = [1, 1]} : vector<256x2xi32> to vector<256x1xi32>
      %eq3A_47 = vector.broadcast %slice3A : vector<256x1xi32> to vector<256x8xi32>
      %eq3A_48 = arith.cmpi eq, %iota3A_42, %eq3A_47 : vector<256x8xi32>
      %jit3A_49 = arith.constant 0.000000e+00 : f32
      %broadcast_in_dim3A_50 = vector.broadcast %jit3A_49 : f32 to vector<256x8xf32>
      %select_n3A_51 = arith.select %eq3A_48, %add3A_46, %broadcast_in_dim3A_50 : vector<256x8xi1>, vector<256x8xf32>
      %reduce_sum3A_52 = arith.constant dense<0.000000e+00> : vector<256xf32>
      %reduce_sum3A_53 = vector.multi_reduction <add>, %select_n3A_51, %reduce_sum3A_52 [1] : vector<256x8xf32> to vector<256xf32>
      %slice3A_54 = vector.extract_strided_slice %get3A_41 {offsets = [0, 1], sizes = [256, 1], strides = [1, 1]} : vector<256x2xi32> to vector<256x1xi32>
      %eq3A_55 = vector.broadcast %slice3A_54 : vector<256x1xi32> to vector<256x8xi32>
      %eq3A_56 = arith.cmpi eq, %iota3A_42, %eq3A_55 : vector<256x8xi32>
      %jit3A_57 = arith.constant 0.000000e+00 : f32
      %broadcast_in_dim3A_58 = vector.broadcast %jit3A_57 : f32 to vector<256x8xf32>
      %select_n3A_59 = arith.select %eq3A_56, %add3A_46, %broadcast_in_dim3A_58 : vector<256x8xi1>, vector<256x8xf32>
      %reduce_sum3A_60 = arith.constant dense<0.000000e+00> : vector<256xf32>
      %reduce_sum3A_61 = vector.multi_reduction <add>, %select_n3A_59, %reduce_sum3A_60 [1] : vector<256x8xf32> to vector<256xf32>
      %stack3A = vector.shape_cast %reduce_sum3A_53 : vector<256xf32> to vector<1x256xf32>
      %stack3A_62 = vector.shape_cast %reduce_sum3A_61 : vector<256xf32> to vector<1x256xf32>
      %stack3A_63 = tpu.concatenate %stack3A, %stack3A_62 in 0 : vector<1x256xf32>, vector<1x256xf32> -> vector<2x256xf32>
      %convert_element_type3A_64 = arith.fptosi %stack3A_63 : vector<2x256xf32> to vector<2x256xi32>
      %swap3A = arith.constant 0 : index
      %swap3A_65 = arith.constant 0 : index
      %swap3A_66 = vector.load %arg5[%swap3A, %swap3A_65] : memref<2x256xi32, #tpu.memory_space<vmem>>, vector<2x256xi32>
      tpu.vector_store %arg5[%swap3A, %swap3A_65], %convert_element_type3A_64 {strides = array<i32>} : memref<2x256xi32, #tpu.memory_space<vmem>>, vector<2x256xi32>,
      %get3A_67 = arith.index_cast %mul3A_29 : i32 to index
      %get3A_68 = arith.constant 0 : index
      %get3A_69 = vector.load %arg10[%get3A_67, %get3A_68] : memref<2048x2xf32, #tpu.memory_space<vmem>>, vector<256x2xf32>
      %slice3A_70 = vector.extract_strided_slice %get3A_69 {offsets = [0, 0], sizes = [256, 1], strides = [1, 1]} : vector<256x2xf32> to vector<256x1xf32>
      %squeeze3A = vector.shape_cast %slice3A_70 : vector<256x1xf32> to vector<256xf32>
      %slice3A_71 = vector.extract_strided_slice %get3A_69 {offsets = [0, 1], sizes = [256, 1], strides = [1, 1]} : vector<256x2xf32> to vector<256x1xf32>
      %squeeze3A_72 = vector.shape_cast %slice3A_71 : vector<256x1xf32> to vector<256xf32>
      %stack3A_73 = vector.shape_cast %squeeze3A : vector<256xf32> to vector<1x256xf32>
      %stack3A_74 = vector.shape_cast %squeeze3A_72 : vector<256xf32> to vector<1x256xf32>
      %stack3A_75 = tpu.concatenate %stack3A_73, %stack3A_74 in 0 : vector<1x256xf32>, vector<1x256xf32> -> vector<2x256xf32>
      %swap3A_76 = arith.constant 0 : index
      %swap3A_77 = arith.constant 0 : index
      %swap3A_78 = vector.load %arg4[%swap3A_76, %swap3A_77] : memref<2x256xf32, #tpu.memory_space<vmem>>, vector<2x256xf32>
      tpu.vector_store %arg4[%swap3A_76, %swap3A_77], %stack3A_75 {strides = array<i32>} : memref<2x256xf32, #tpu.memory_space<vmem>>, vector<2x256xf32>,
      %eq3A_79 = arith.constant 0 : i32
      %eq3A_80 = arith.cmpi eq, %arg1, %eq3A_79 : i32
      %convert_element_type3A_81 = arith.extui %eq3A_80 : i1 to i32
      %cond3A_82 = arith.constant 0 : i32
      %cond3A_83 = arith.cmpi ne, %convert_element_type3A_81, %cond3A_82 : i32
      scf.if %cond3A_83 {
        %iota3A_84 = tpu.iota {dimensions = array<i32: 1>} : vector<1x24xi32>
        %mul3A_85 = arith.constant 256 : i32
        %mul3A_86 = vector.broadcast %mul3A_85 : i32 to vector<1x24xi32>
        %mul3A_87 = arith.muli %iota3A_84, %mul3A_86 : vector<1x24xi32>
        %convert_element_type3A_88 = arith.sitofp %mul3A_87 : vector<1x24xi32> to vector<1x24xf32>
        %broadcast_in_dim3A_89 = vector.shape_cast %convert_element_type3A_88 : vector<1x24xf32> to vector<1x1x24xf32>
        %broadcast_in_dim3A_90 = vector.shape_cast %add3A : vector<8xf32> to vector<8x1x1xf32>
        %ge3A = vector.broadcast %broadcast_in_dim3A_89 : vector<1x1x24xf32> to vector<8x1x24xf32>
        %ge3A_91 = vector.broadcast %broadcast_in_dim3A_90 : vector<8x1x1xf32> to vector<8x1x24xf32>
        %ge3A_92 = arith.cmpf oge, %ge3A, %ge3A_91 : vector<8x1x24xf32>
        %convert_element_type3A_93 = arith.extui %ge3A_92 : vector<8x1x24xi1> to vector<8x1x24xi32>
        %reduce_sum3A_94 = arith.constant dense<0> : vector<1x24xi32>
        %reduce_sum3A_95 = vector.multi_reduction <add>, %convert_element_type3A_93, %reduce_sum3A_94 [0] : vector<8x1x24xi32> to vector<1x24xi32>
        %min3A = arith.constant 7 : i32
        %min3A_96 = vector.broadcast %min3A : i32 to vector<1x24xi32>
        %min3A_97 = arith.minsi %reduce_sum3A_95, %min3A_96 : vector<1x24xi32>
        %swap3A_98 = arith.constant 0 : index
        %swap3A_99 = arith.constant 0 : index
        %swap3A_100 = vector.load %arg6[%swap3A_98, %swap3A_99] : memref<1x24xi32, #tpu.memory_space<vmem>>, vector<1x24xi32>
        tpu.vector_store %arg6[%swap3A_98, %swap3A_99], %min3A_97 {strides = array<i32>} : memref<1x24xi32, #tpu.memory_space<vmem>>, vector<1x24xi32>,
        %slice3A_101 = vector.extract_strided_slice %add3A {offsets = [7], sizes = [1], strides = [1]} : vector<8xf32> to vector<1xf32>
        %squeeze3A_102 = vector.extract %slice3A_101[0] : f32 from vector<1xf32>
        %lt3A_103 = vector.broadcast %squeeze3A_102 : f32 to vector<1x24xf32>
        %lt3A_104 = arith.cmpf olt, %convert_element_type3A_88, %lt3A_103 : vector<1x24xf32>
        %convert_element_type3A_105 = arith.extui %lt3A_104 : vector<1x24xi1> to vector<1x24xi32>
        %swap3A_106 = arith.constant 0 : index
        %swap3A_107 = arith.constant 0 : index
        %swap3A_108 = vector.load %arg7[%swap3A_106, %swap3A_107] : memref<1x24xi32, #tpu.memory_space<vmem>>, vector<1x24xi32>
        tpu.vector_store %arg7[%swap3A_106, %swap3A_107], %convert_element_type3A_105 {strides = array<i32>} : memref<1x24xi32, #tpu.memory_space<vmem>>, vector<1x24xi32>,
      } else {
      }
    } else {
    }
    return
  }
  func.func @transform_0(%arg0: i32, %arg1: i32) -> (i32, i32) {
    %sub3A = arith.constant 1 : i32
    %sub3A_0 = arith.subi %sub3A, %arg0 : i32
    %mul3A = arith.muli %arg1, %sub3A_0 : i32
    %c0_i32 = arith.constant 0 : i32
    %c0_i32_1 = arith.constant 0 : i32
    return %mul3A, %c0_i32 : i32, i32
  }
  func.func @transform_1(%arg0: i32, %arg1: i32) -> (i32, i32) {
    %c0_i32 = arith.constant 0 : i32
    %c0_i32_0 = arith.constant 0 : i32
    %c0_i32_1 = arith.constant 0 : i32
    return %c0_i32, %c0_i32_0 : i32, i32
  }
  func.func @transform_2(%arg0: i32, %arg1: i32) -> (i32, i32) {
    %c0_i32 = arith.constant 0 : i32
    %c0_i32_0 = arith.constant 0 : i32
    return %c0_i32, %arg1 : i32, i32
  }
  func.func @transform_3(%arg0: i32, %arg1: i32) -> (i32, i32) {
    %c0_i32 = arith.constant 0 : i32
    %c0_i32_0 = arith.constant 0 : i32
    return %c0_i32, %arg1 : i32, i32
  }
  func.func @transform_4(%arg0: i32, %arg1: i32) -> (i32, i32) {
    %c0_i32 = arith.constant 0 : i32
    %c0_i32_0 = arith.constant 0 : i32
    %c0_i32_1 = arith.constant 0 : i32
    return %c0_i32, %c0_i32_0 : i32, i32
  }
  func.func @transform_5(%arg0: i32, %arg1: i32) -> (i32, i32) {
    %c0_i32 = arith.constant 0 : i32
    %c0_i32_0 = arith.constant 0 : i32
    %c0_i32_1 = arith.constant 0 : i32
    return %c0_i32, %c0_i32_0 : i32, i32
  }
}

module attributes {stable_mosaic.version = 14 : i64} {
  func.func @_ffn_body(%arg0: i32, %arg1: memref<1x24xi32, #tpu.memory_space<smem>>, %arg2: memref<1x24xi32, #tpu.memory_space<smem>>, %arg3: memref<2048x1024xf32, #tpu.memory_space<vmem>>, %arg4: memref<2x2048xi32, #tpu.memory_space<vmem>>, %arg5: memref<2x2048xf32, #tpu.memory_space<vmem>>, %arg6: memref<1x1024x1024xf32, #tpu.memory_space<vmem>>, %arg7: memref<1x1024x1024xf32, #tpu.memory_space<vmem>>, %arg8: memref<1x1024x1024xf32, #tpu.memory_space<vmem>>, %arg9: memref<8x1024xf32, #tpu.memory_space<vmem>>, %arg10: memref<8x1024xf32, #tpu.memory_space<vmem>>, %arg11: memref<8x1024xf32, #tpu.memory_space<vmem>>, %arg12: memref<256x1024xf32, #tpu.memory_space<vmem>>) attributes {dimension_semantics = [#tpu.dimension_semantics<arbitrary>], iteration_bounds = array<i64: 24>, scalar_prefetch = 2 : i64, scratch_operands = 0 : i64, tpu.core_type = #tpu.core_type<tc>, window_params = [{pipeline_mode = #tpu.pipeline_mode<synchronous>, transform_indices = @transform_0, window_bounds = array<i64: 2048, 1024>}, {pipeline_mode = #tpu.pipeline_mode<synchronous>, transform_indices = @transform_1, window_bounds = array<i64: 2, 2048>}, {pipeline_mode = #tpu.pipeline_mode<synchronous>, transform_indices = @transform_2, window_bounds = array<i64: 2, 2048>}, {transform_indices = @transform_3, window_bounds = array<i64: 1, 1024, 1024>}, {transform_indices = @transform_4, window_bounds = array<i64: 1, 1024, 1024>}, {transform_indices = @transform_5, window_bounds = array<i64: 1, 1024, 1024>}, {pipeline_mode = #tpu.pipeline_mode<synchronous>, transform_indices = @transform_6, window_bounds = array<i64: 8, 1024>}, {pipeline_mode = #tpu.pipeline_mode<synchronous>, transform_indices = @transform_7, window_bounds = array<i64: 8, 1024>}, {pipeline_mode = #tpu.pipeline_mode<synchronous>, transform_indices = @transform_8, window_bounds = array<i64: 8, 1024>}, {transform_indices = @transform_9, window_bounds = array<i64: 256, 1024>}]} {
    %get3A = arith.constant 0 : index
    %get3A_0 = arith.index_cast %arg0 : i32 to index
    %get3A_1 = memref.load %arg1[%get3A, %get3A_0] : memref<1x24xi32, #tpu.memory_space<smem>>
    %get3A_2 = arith.constant 0 : index
    %get3A_3 = arith.index_cast %arg0 : i32 to index
    %get3A_4 = memref.load %arg2[%get3A_2, %get3A_3] : memref<1x24xi32, #tpu.memory_space<smem>>
    %eq3A = arith.constant 1 : i32
    %eq3A_5 = arith.cmpi eq, %get3A_4, %eq3A : i32
    %convert_element_type3A = arith.extui %eq3A_5 : i1 to i32
    %cond3A = arith.constant 0 : i32
    %cond3A_6 = arith.cmpi ne, %convert_element_type3A, %cond3A : i32
    scf.if %cond3A_6 {
      %iota3A = tpu.iota {dimensions = array<i32: 0>} : vector<256x2048xi32>
      %mul3A = arith.constant 256 : i32
      %mul3A_15 = arith.muli %arg0, %mul3A : i32
      %add3A = vector.broadcast %mul3A_15 : i32 to vector<256x2048xi32>
      %add3A_16 = arith.addi %iota3A, %add3A : vector<256x2048xi32>
      %get3A_17 = arith.constant 0 : index
      %get3A_18 = arith.constant 0 : index
      %get3A_19 = vector.load %arg4[%get3A_17, %get3A_18] : memref<2x2048xi32, #tpu.memory_space<vmem>>, vector<1x2048xi32>
      %eq3A_20 = vector.broadcast %get3A_19 : vector<1x2048xi32> to vector<256x2048xi32>
      %eq3A_21 = arith.cmpi eq, %eq3A_20, %add3A_16 : vector<256x2048xi32>
      %convert_element_type3A_22 = arith.extui %eq3A_21 : vector<256x2048xi1> to vector<256x2048xi32>
      %convert_element_type3A_23 = arith.sitofp %convert_element_type3A_22 : vector<256x2048xi32> to vector<256x2048xf32>
      %get3A_24 = arith.constant 1 : index
      %get3A_25 = arith.constant 0 : index
      %get3A_26 = vector.load %arg4[%get3A_24, %get3A_25] : memref<2x2048xi32, #tpu.memory_space<vmem>>, vector<1x2048xi32>
      %eq3A_27 = vector.broadcast %get3A_26 : vector<1x2048xi32> to vector<256x2048xi32>
      %eq3A_28 = arith.cmpi eq, %eq3A_27, %add3A_16 : vector<256x2048xi32>
      %convert_element_type3A_29 = arith.extui %eq3A_28 : vector<256x2048xi1> to vector<256x2048xi32>
      %convert_element_type3A_30 = arith.sitofp %convert_element_type3A_29 : vector<256x2048xi32> to vector<256x2048xf32>
      %add3A_31 = arith.addf %convert_element_type3A_23, %convert_element_type3A_30 : vector<256x2048xf32>
      %get3A_32 = arith.constant 0 : index
      %get3A_33 = arith.constant 0 : index
      %get3A_34 = vector.load %arg3[%get3A_32, %get3A_33] : memref<2048x1024xf32, #tpu.memory_space<vmem>>, vector<2048x1024xf32>
      %dot_general3A = arith.constant dense<0.000000e+00> : vector<256x1024xf32>
      %dot_general3A_35 = tpu.matmul %add3A_31, %get3A_34, %dot_general3A {dimension_numbers = #tpu.dot_dimension_numbers<[1], [0], [0], [1], [0, 0, 1, 1], [], []>, transpose_lhs_hint = false} : vector<256x2048xf32>, vector<2048x1024xf32>, vector<256x1024xf32> -> vector<256x1024xf32>
      %get3A_36 = arith.constant 0 : index
      %get3A_37 = arith.constant 0 : index
      %get3A_38 = vector.load %arg5[%get3A_36, %get3A_37] : memref<2x2048xf32, #tpu.memory_space<vmem>>, vector<1x2048xf32>
      %mul3A_39 = vector.broadcast %get3A_38 : vector<1x2048xf32> to vector<256x2048xf32>
      %mul3A_40 = arith.mulf %convert_element_type3A_23, %mul3A_39 : vector<256x2048xf32>
      %get3A_41 = arith.constant 1 : index
      %get3A_42 = arith.constant 0 : index
      %get3A_43 = vector.load %arg5[%get3A_41, %get3A_42] : memref<2x2048xf32, #tpu.memory_space<vmem>>, vector<1x2048xf32>
      %mul3A_44 = vector.broadcast %get3A_43 : vector<1x2048xf32> to vector<256x2048xf32>
      %mul3A_45 = arith.mulf %convert_element_type3A_30, %mul3A_44 : vector<256x2048xf32>
      %add3A_46 = arith.addf %mul3A_40, %mul3A_45 : vector<256x2048xf32>
      %reduce_sum3A = arith.constant dense<0.000000e+00> : vector<256xf32>
      %reduce_sum3A_47 = vector.multi_reduction <add>, %add3A_46, %reduce_sum3A [1] : vector<256x2048xf32> to vector<256xf32>
      %broadcast_in_dim3A = vector.shape_cast %reduce_sum3A_47 : vector<256xf32> to vector<256x1xf32>
      %get3A_48 = arith.constant 0 : index
      %get3A_49 = arith.constant 0 : index
      %get3A_50 = arith.constant 0 : index
      %get3A_51 = vector.load %arg6[%get3A_48, %get3A_49, %get3A_50] : memref<1x1024x1024xf32, #tpu.memory_space<vmem>>, vector<1x1024x1024xf32>
      %get3A_52 = vector.shape_cast %get3A_51 : vector<1x1024x1024xf32> to vector<1024x1024xf32>
      %dot_general3A_53 = arith.constant dense<0.000000e+00> : vector<256x1024xf32>
      %dot_general3A_54 = tpu.matmul %dot_general3A_35, %get3A_52, %dot_general3A_53 {dimension_numbers = #tpu.dot_dimension_numbers<[1], [1], [0], [0], [0, 0, 1, 0], [], []>, transpose_lhs_hint = false} : vector<256x1024xf32>, vector<1024x1024xf32>, vector<256x1024xf32> -> vector<256x1024xf32>
      %get3A_55 = arith.index_cast %get3A_1 : i32 to index
      %get3A_56 = arith.constant 0 : index
      %get3A_57 = vector.load %arg9[%get3A_55, %get3A_56] : memref<8x1024xf32, #tpu.memory_space<vmem>>, vector<1x1024xf32>
      %get3A_58 = vector.shape_cast %get3A_57 : vector<1x1024xf32> to vector<1024xf32>
      %broadcast_in_dim3A_59 = vector.shape_cast %get3A_58 : vector<1024xf32> to vector<1x1024xf32>
      %add3A_60 = vector.broadcast %broadcast_in_dim3A_59 : vector<1x1024xf32> to vector<256x1024xf32>
      %add3A_61 = arith.addf %dot_general3A_54, %add3A_60 : vector<256x1024xf32>
      %get3A_62 = arith.constant 0 : index
      %get3A_63 = arith.constant 0 : index
      %get3A_64 = arith.constant 0 : index
      %get3A_65 = vector.load %arg8[%get3A_62, %get3A_63, %get3A_64] : memref<1x1024x1024xf32, #tpu.memory_space<vmem>>, vector<1x1024x1024xf32>
      %get3A_66 = vector.shape_cast %get3A_65 : vector<1x1024x1024xf32> to vector<1024x1024xf32>
      %dot_general3A_67 = arith.constant dense<0.000000e+00> : vector<256x1024xf32>
      %dot_general3A_68 = tpu.matmul %dot_general3A_35, %get3A_66, %dot_general3A_67 {dimension_numbers = #tpu.dot_dimension_numbers<[1], [1], [0], [0], [0, 0, 1, 0], [], []>, transpose_lhs_hint = false} : vector<256x1024xf32>, vector<1024x1024xf32>, vector<256x1024xf32> -> vector<256x1024xf32>
      %get3A_69 = arith.index_cast %get3A_1 : i32 to index
      %get3A_70 = arith.constant 0 : index
      %get3A_71 = vector.load %arg11[%get3A_69, %get3A_70] : memref<8x1024xf32, #tpu.memory_space<vmem>>, vector<1x1024xf32>
      %get3A_72 = vector.shape_cast %get3A_71 : vector<1x1024xf32> to vector<1024xf32>
      %broadcast_in_dim3A_73 = vector.shape_cast %get3A_72 : vector<1024xf32> to vector<1x1024xf32>
      %add3A_74 = vector.broadcast %broadcast_in_dim3A_73 : vector<1x1024xf32> to vector<256x1024xf32>
      %add3A_75 = arith.addf %dot_general3A_68, %add3A_74 : vector<256x1024xf32>
      %ge3A = arith.constant 0.000000e+00 : f32
      %ge3A_76 = vector.broadcast %ge3A : f32 to vector<256x1024xf32>
      %ge3A_77 = arith.cmpf oge, %add3A_61, %ge3A_76 : vector<256x1024xf32>
      %mul3A_78 = arith.constant 0.00999999977 : f32
      %mul3A_79 = vector.broadcast %mul3A_78 : f32 to vector<256x1024xf32>
      %mul3A_80 = arith.mulf %mul3A_79, %add3A_61 : vector<256x1024xf32>
      %select_n3A = arith.select %ge3A_77, %add3A_61, %mul3A_80 : vector<256x1024xi1>, vector<256x1024xf32>
      %mul3A_81 = arith.mulf %select_n3A, %add3A_75 : vector<256x1024xf32>
      %get3A_82 = arith.constant 0 : index
      %get3A_83 = arith.constant 0 : index
      %get3A_84 = arith.constant 0 : index
      %get3A_85 = vector.load %arg7[%get3A_82, %get3A_83, %get3A_84] : memref<1x1024x1024xf32, #tpu.memory_space<vmem>>, vector<1x1024x1024xf32>
      %get3A_86 = vector.shape_cast %get3A_85 : vector<1x1024x1024xf32> to vector<1024x1024xf32>
      %dot_general3A_87 = arith.constant dense<0.000000e+00> : vector<256x1024xf32>
      %dot_general3A_88 = tpu.matmul %mul3A_81, %get3A_86, %dot_general3A_87 {dimension_numbers = #tpu.dot_dimension_numbers<[1], [1], [0], [0], [0, 0, 1, 0], [], []>, transpose_lhs_hint = false} : vector<256x1024xf32>, vector<1024x1024xf32>, vector<256x1024xf32> -> vector<256x1024xf32>
      %get3A_89 = arith.index_cast %get3A_1 : i32 to index
      %get3A_90 = arith.constant 0 : index
      %get3A_91 = vector.load %arg10[%get3A_89, %get3A_90] : memref<8x1024xf32, #tpu.memory_space<vmem>>, vector<1x1024xf32>
      %get3A_92 = vector.shape_cast %get3A_91 : vector<1x1024xf32> to vector<1024xf32>
      %broadcast_in_dim3A_93 = vector.shape_cast %get3A_92 : vector<1024xf32> to vector<1x1024xf32>
      %add3A_94 = vector.broadcast %broadcast_in_dim3A_93 : vector<1x1024xf32> to vector<256x1024xf32>
      %add3A_95 = arith.addf %dot_general3A_88, %add3A_94 : vector<256x1024xf32>
      %mul3A_96 = vector.broadcast %broadcast_in_dim3A : vector<256x1xf32> to vector<256x1024xf32>
      %mul3A_97 = arith.mulf %add3A_95, %mul3A_96 : vector<256x1024xf32>
      %swap3A = arith.constant 0 : index
      %swap3A_98 = arith.constant 0 : index
      %swap3A_99 = vector.load %arg12[%swap3A, %swap3A_98] : memref<256x1024xf32, #tpu.memory_space<vmem>>, vector<256x1024xf32>
      tpu.vector_store %arg12[%swap3A, %swap3A_98], %mul3A_97 {strides = array<i32>} : memref<256x1024xf32, #tpu.memory_space<vmem>>, vector<256x1024xf32>,
    } else {
    }
    %get3A_7 = arith.constant 0 : index
    %get3A_8 = arith.index_cast %arg0 : i32 to index
    %get3A_9 = memref.load %arg2[%get3A_7, %get3A_8] : memref<1x24xi32, #tpu.memory_space<smem>>
    %eq3A_10 = arith.constant 0 : i32
    %eq3A_11 = arith.cmpi eq, %get3A_9, %eq3A_10 : i32
    %convert_element_type3A_12 = arith.extui %eq3A_11 : i1 to i32
    %cond3A_13 = arith.constant 0 : i32
    %cond3A_14 = arith.cmpi ne, %convert_element_type3A_12, %cond3A_13 : i32
    scf.if %cond3A_14 {
      %broadcast_in_dim3A = arith.constant 0.000000e+00 : f32
      %broadcast_in_dim3A_15 = vector.broadcast %broadcast_in_dim3A : f32 to vector<256x1024xf32>
      %swap3A = arith.constant 0 : index
      %swap3A_16 = arith.constant 0 : index
      %swap3A_17 = vector.load %arg12[%swap3A, %swap3A_16] : memref<256x1024xf32, #tpu.memory_space<vmem>>, vector<256x1024xf32>
      tpu.vector_store %arg12[%swap3A, %swap3A_16], %broadcast_in_dim3A_15 {strides = array<i32>} : memref<256x1024xf32, #tpu.memory_space<vmem>>, vector<256x1024xf32>,
    } else {
    }
    return
  }
  func.func @transform_0(%arg0: i32, %arg1: memref<1x24xi32, #tpu.memory_space<smem>>, %arg2: memref<1x24xi32, #tpu.memory_space<smem>>) -> (i32, i32) {
    %c0_i32 = arith.constant 0 : i32
    %c0_i32_0 = arith.constant 0 : i32
    %c0_i32_1 = arith.constant 0 : i32
    return %c0_i32, %c0_i32_0 : i32, i32
  }
  func.func @transform_1(%arg0: i32, %arg1: memref<1x24xi32, #tpu.memory_space<smem>>, %arg2: memref<1x24xi32, #tpu.memory_space<smem>>) -> (i32, i32) {
    %c0_i32 = arith.constant 0 : i32
    %c0_i32_0 = arith.constant 0 : i32
    %c0_i32_1 = arith.constant 0 : i32
    return %c0_i32, %c0_i32_0 : i32, i32
  }
  func.func @transform_2(%arg0: i32, %arg1: memref<1x24xi32, #tpu.memory_space<smem>>, %arg2: memref<1x24xi32, #tpu.memory_space<smem>>) -> (i32, i32) {
    %c0_i32 = arith.constant 0 : i32
    %c0_i32_0 = arith.constant 0 : i32
    %c0_i32_1 = arith.constant 0 : i32
    return %c0_i32, %c0_i32_0 : i32, i32
  }
  func.func @transform_3(%arg0: i32, %arg1: memref<1x24xi32, #tpu.memory_space<smem>>, %arg2: memref<1x24xi32, #tpu.memory_space<smem>>) -> (i32, i32, i32) {
    %get3A = arith.constant 0 : index
    %get3A_0 = arith.index_cast %arg0 : i32 to index
    %get3A_1 = memref.load %arg1[%get3A, %get3A_0] : memref<1x24xi32, #tpu.memory_space<smem>>
    %c0_i32 = arith.constant 0 : i32
    %c0_i32_2 = arith.constant 0 : i32
    %c0_i32_3 = arith.constant 0 : i32
    return %get3A_1, %c0_i32, %c0_i32_2 : i32, i32, i32
  }
  func.func @transform_4(%arg0: i32, %arg1: memref<1x24xi32, #tpu.memory_space<smem>>, %arg2: memref<1x24xi32, #tpu.memory_space<smem>>) -> (i32, i32, i32) {
    %get3A = arith.constant 0 : index
    %get3A_0 = arith.index_cast %arg0 : i32 to index
    %get3A_1 = memref.load %arg1[%get3A, %get3A_0] : memref<1x24xi32, #tpu.memory_space<smem>>
    %c0_i32 = arith.constant 0 : i32
    %c0_i32_2 = arith.constant 0 : i32
    %c0_i32_3 = arith.constant 0 : i32
    return %get3A_1, %c0_i32, %c0_i32_2 : i32, i32, i32
  }
  func.func @transform_5(%arg0: i32, %arg1: memref<1x24xi32, #tpu.memory_space<smem>>, %arg2: memref<1x24xi32, #tpu.memory_space<smem>>) -> (i32, i32, i32) {
    %get3A = arith.constant 0 : index
    %get3A_0 = arith.index_cast %arg0 : i32 to index
    %get3A_1 = memref.load %arg1[%get3A, %get3A_0] : memref<1x24xi32, #tpu.memory_space<smem>>
    %c0_i32 = arith.constant 0 : i32
    %c0_i32_2 = arith.constant 0 : i32
    %c0_i32_3 = arith.constant 0 : i32
    return %get3A_1, %c0_i32, %c0_i32_2 : i32, i32, i32
  }
  func.func @transform_6(%arg0: i32, %arg1: memref<1x24xi32, #tpu.memory_space<smem>>, %arg2: memref<1x24xi32, #tpu.memory_space<smem>>) -> (i32, i32) {
    %c0_i32 = arith.constant 0 : i32
    %c0_i32_0 = arith.constant 0 : i32
    %c0_i32_1 = arith.constant 0 : i32
    return %c0_i32, %c0_i32_0 : i32, i32
  }
  func.func @transform_7(%arg0: i32, %arg1: memref<1x24xi32, #tpu.memory_space<smem>>, %arg2: memref<1x24xi32, #tpu.memory_space<smem>>) -> (i32, i32) {
    %c0_i32 = arith.constant 0 : i32
    %c0_i32_0 = arith.constant 0 : i32
    %c0_i32_1 = arith.constant 0 : i32
    return %c0_i32, %c0_i32_0 : i32, i32
  }
  func.func @transform_8(%arg0: i32, %arg1: memref<1x24xi32, #tpu.memory_space<smem>>, %arg2: memref<1x24xi32, #tpu.memory_space<smem>>) -> (i32, i32) {
    %c0_i32 = arith.constant 0 : i32
    %c0_i32_0 = arith.constant 0 : i32
    %c0_i32_1 = arith.constant 0 : i32
    return %c0_i32, %c0_i32_0 : i32, i32
  }
  func.func @transform_9(%arg0: i32, %arg1: memref<1x24xi32, #tpu.memory_space<smem>>, %arg2: memref<1x24xi32, #tpu.memory_space<smem>>) -> (i32, i32) {
    %c0_i32 = arith.constant 0 : i32
    %c0_i32_0 = arith.constant 0 : i32
    return %arg0, %c0_i32 : i32, i32
  }
}

module attributes {stable_mosaic.version = 14 : i64} {
  func.func @_shared_body(%arg0: i32, %arg1: memref<256x1024xf32, #tpu.memory_space<vmem>>, %arg2: memref<1024x1024xf32, #tpu.memory_space<vmem>>, %arg3: memref<1x1024xf32, #tpu.memory_space<vmem>>, %arg4: memref<1024x1024xf32, #tpu.memory_space<vmem>>, %arg5: memref<1x1024xf32, #tpu.memory_space<vmem>>, %arg6: memref<1024x1024xf32, #tpu.memory_space<vmem>>, %arg7: memref<1x1024xf32, #tpu.memory_space<vmem>>, %arg8: memref<256x1024xf32, #tpu.memory_space<vmem>>) attributes {dimension_semantics = [#tpu.dimension_semantics<arbitrary>], iteration_bounds = array<i64: 8>, scalar_prefetch = 0 : i64, scratch_operands = 0 : i64, tpu.core_type = #tpu.core_type<tc>, window_params = [{transform_indices = @transform_0, window_bounds = array<i64: 256, 1024>}, {pipeline_mode = #tpu.pipeline_mode<synchronous>, transform_indices = @transform_1, window_bounds = array<i64: 1024, 1024>}, {pipeline_mode = #tpu.pipeline_mode<synchronous>, transform_indices = @transform_2, window_bounds = array<i64: 1, 1024>}, {pipeline_mode = #tpu.pipeline_mode<synchronous>, transform_indices = @transform_3, window_bounds = array<i64: 1024, 1024>}, {pipeline_mode = #tpu.pipeline_mode<synchronous>, transform_indices = @transform_4, window_bounds = array<i64: 1, 1024>}, {pipeline_mode = #tpu.pipeline_mode<synchronous>, transform_indices = @transform_5, window_bounds = array<i64: 1024, 1024>}, {pipeline_mode = #tpu.pipeline_mode<synchronous>, transform_indices = @transform_6, window_bounds = array<i64: 1, 1024>}, {transform_indices = @transform_7, window_bounds = array<i64: 256, 1024>}]} {
    %get3A = arith.constant 0 : index
    %get3A_0 = arith.constant 0 : index
    %get3A_1 = vector.load %arg1[%get3A, %get3A_0] : memref<256x1024xf32, #tpu.memory_space<vmem>>, vector<256x1024xf32>
    %get3A_2 = arith.constant 0 : index
    %get3A_3 = arith.constant 0 : index
    %get3A_4 = vector.load %arg2[%get3A_2, %get3A_3] : memref<1024x1024xf32, #tpu.memory_space<vmem>>, vector<1024x1024xf32>
    %dot_general3A = arith.constant dense<0.000000e+00> : vector<256x1024xf32>
    %dot_general3A_5 = tpu.matmul %get3A_1, %get3A_4, %dot_general3A {dimension_numbers = #tpu.dot_dimension_numbers<[1], [1], [0], [0], [0, 0, 1, 0], [], []>, transpose_lhs_hint = false} : vector<256x1024xf32>, vector<1024x1024xf32>, vector<256x1024xf32> -> vector<256x1024xf32>
    %get3A_6 = arith.constant 0 : index
    %get3A_7 = arith.constant 0 : index
    %get3A_8 = vector.load %arg3[%get3A_6, %get3A_7] : memref<1x1024xf32, #tpu.memory_space<vmem>>, vector<1x1024xf32>
    %add3A = vector.broadcast %get3A_8 : vector<1x1024xf32> to vector<256x1024xf32>
    %add3A_9 = arith.addf %dot_general3A_5, %add3A : vector<256x1024xf32>
    %get3A_10 = arith.constant 0 : index
    %get3A_11 = arith.constant 0 : index
    %get3A_12 = vector.load %arg6[%get3A_10, %get3A_11] : memref<1024x1024xf32, #tpu.memory_space<vmem>>, vector<1024x1024xf32>
    %dot_general3A_13 = arith.constant dense<0.000000e+00> : vector<256x1024xf32>
    %dot_general3A_14 = tpu.matmul %get3A_1, %get3A_12, %dot_general3A_13 {dimension_numbers = #tpu.dot_dimension_numbers<[1], [1], [0], [0], [0, 0, 1, 0], [], []>, transpose_lhs_hint = false} : vector<256x1024xf32>, vector<1024x1024xf32>, vector<256x1024xf32> -> vector<256x1024xf32>
    %get3A_15 = arith.constant 0 : index
    %get3A_16 = arith.constant 0 : index
    %get3A_17 = vector.load %arg7[%get3A_15, %get3A_16] : memref<1x1024xf32, #tpu.memory_space<vmem>>, vector<1x1024xf32>
    %add3A_18 = vector.broadcast %get3A_17 : vector<1x1024xf32> to vector<256x1024xf32>
    %add3A_19 = arith.addf %dot_general3A_14, %add3A_18 : vector<256x1024xf32>
    %ge3A = arith.constant 0.000000e+00 : f32
    %ge3A_20 = vector.broadcast %ge3A : f32 to vector<256x1024xf32>
    %ge3A_21 = arith.cmpf oge, %add3A_9, %ge3A_20 : vector<256x1024xf32>
    %mul3A = arith.constant 0.00999999977 : f32
    %mul3A_22 = vector.broadcast %mul3A : f32 to vector<256x1024xf32>
    %mul3A_23 = arith.mulf %mul3A_22, %add3A_9 : vector<256x1024xf32>
    %select_n3A = arith.select %ge3A_21, %add3A_9, %mul3A_23 : vector<256x1024xi1>, vector<256x1024xf32>
    %mul3A_24 = arith.mulf %select_n3A, %add3A_19 : vector<256x1024xf32>
    %get3A_25 = arith.constant 0 : index
    %get3A_26 = arith.constant 0 : index
    %get3A_27 = vector.load %arg4[%get3A_25, %get3A_26] : memref<1024x1024xf32, #tpu.memory_space<vmem>>, vector<1024x1024xf32>
    %dot_general3A_28 = arith.constant dense<0.000000e+00> : vector<256x1024xf32>
    %dot_general3A_29 = tpu.matmul %mul3A_24, %get3A_27, %dot_general3A_28 {dimension_numbers = #tpu.dot_dimension_numbers<[1], [1], [0], [0], [0, 0, 1, 0], [], []>, transpose_lhs_hint = false} : vector<256x1024xf32>, vector<1024x1024xf32>, vector<256x1024xf32> -> vector<256x1024xf32>
    %get3A_30 = arith.constant 0 : index
    %get3A_31 = arith.constant 0 : index
    %get3A_32 = vector.load %arg5[%get3A_30, %get3A_31] : memref<1x1024xf32, #tpu.memory_space<vmem>>, vector<1x1024xf32>
    %add3A_33 = vector.broadcast %get3A_32 : vector<1x1024xf32> to vector<256x1024xf32>
    %add3A_34 = arith.addf %dot_general3A_29, %add3A_33 : vector<256x1024xf32>
    %swap3A = arith.constant 0 : index
    %swap3A_35 = arith.constant 0 : index
    %swap3A_36 = vector.load %arg8[%swap3A, %swap3A_35] : memref<256x1024xf32, #tpu.memory_space<vmem>>, vector<256x1024xf32>
    tpu.vector_store %arg8[%swap3A, %swap3A_35], %add3A_34 {strides = array<i32>} : memref<256x1024xf32, #tpu.memory_space<vmem>>, vector<256x1024xf32>,
    return
  }
  func.func @transform_0(%arg0: i32) -> (i32, i32) {
    %c0_i32 = arith.constant 0 : i32
    %c0_i32_0 = arith.constant 0 : i32
    return %arg0, %c0_i32 : i32, i32
  }
  func.func @transform_1(%arg0: i32) -> (i32, i32) {
    %c0_i32 = arith.constant 0 : i32
    %c0_i32_0 = arith.constant 0 : i32
    %c0_i32_1 = arith.constant 0 : i32
    return %c0_i32, %c0_i32_0 : i32, i32
  }
  func.func @transform_2(%arg0: i32) -> (i32, i32) {
    %c0_i32 = arith.constant 0 : i32
    %c0_i32_0 = arith.constant 0 : i32
    %c0_i32_1 = arith.constant 0 : i32
    return %c0_i32, %c0_i32_0 : i32, i32
  }
  func.func @transform_3(%arg0: i32) -> (i32, i32) {
    %c0_i32 = arith.constant 0 : i32
    %c0_i32_0 = arith.constant 0 : i32
    %c0_i32_1 = arith.constant 0 : i32
    return %c0_i32, %c0_i32_0 : i32, i32
  }
  func.func @transform_4(%arg0: i32) -> (i32, i32) {
    %c0_i32 = arith.constant 0 : i32
    %c0_i32_0 = arith.constant 0 : i32
    %c0_i32_1 = arith.constant 0 : i32
    return %c0_i32, %c0_i32_0 : i32, i32
  }
  func.func @transform_5(%arg0: i32) -> (i32, i32) {
    %c0_i32 = arith.constant 0 : i32
    %c0_i32_0 = arith.constant 0 : i32
    %c0_i32_1 = arith.constant 0 : i32
    return %c0_i32, %c0_i32_0 : i32, i32
  }
  func.func @transform_6(%arg0: i32) -> (i32, i32) {
    %c0_i32 = arith.constant 0 : i32
    %c0_i32_0 = arith.constant 0 : i32
    %c0_i32_1 = arith.constant 0 : i32
    return %c0_i32, %c0_i32_0 : i32, i32
  }
  func.func @transform_7(%arg0: i32) -> (i32, i32) {
    %c0_i32 = arith.constant 0 : i32
    %c0_i32_0 = arith.constant 0 : i32
    return %arg0, %c0_i32 : i32, i32
  }
}

</mosaic_0001>

<sc_bundles>
// kernel: _moe.7.cloned.1.call-start
scs
__scs_entry_jumppad:
0x0: {  	(pc) =	sbr.rel $0x88, $3  }
0x1: {  	(tag) =	ssettag $0x0;
	lr =	simm.s32 $0x1  }
0x2: {  	[smem:$0x3F91] =	sst lr;
	_ =	strace $0xD0000000  }
0x3: {  	_ = 	snop  }
0x4: {  	_ = 	snop  }
0x5: {  	_ = 	snop  }
0x6: {  	_ = 	snop  }
0x7: {  	_ = 	snop  }
__scs_overlays_trampoline_lowered:
0x8: {  	[smem:$0x3FA0] =	sst s0  }
0x9: {  	[smem:$0x3FA1] =	sst s1  }
0xa: {  	[smem:$0x3FA2] =	sst s2  }
0xb: {  	[smem:$0x3FA3] =	sst s3  }
0xc: {  	[smem:$0x3FA4] =	sst s4  }
0xd: {  	[smem:$0x3FA5] =	sst s5  }
0xe: {  	[smem:$0x3FA6] =	sst s6  }
0xf: {  	[smem:$0x3FA7] =	sst s7  }
0x10: {  	[smem:$0x3FA8] =	sst s8  }
0x11: {  	[smem:$0x3FA9] =	sst s9;
	s0 =	simm.s32 @!p0 $0x0  }
0x12: {  	s1 =	sld [smem:$0x3F8F];
	s0 =	simm.s32 @p0 $0x1  }
0x13: {  	[smem:$0x3FAA] =	sst s0;
	s0 =	simm.s32 @!p1 $0x0  }
0x14: {  	s2 =	sld [smem:$0x3F8E];
	s0 =	simm.s32 @p1 $0x1  }
0x15: {  	[smem:$0x3FAB] =	sst s0;
	s0 =	simm.s32 @!p2 $0x0  }
0x16: {  	s3 =	sld [smem:$0x3FDB];
	s0 =	simm.s32 @p2 $0x1  }
0x17: {  	s4 =	simm.s32 $0x1BF5;
	[smem:$0x3FAD] =	sst s0  }
0x18: {  	s0 =	sld [smem:$0x3F90];
	_ =	swait.ge [sflag:s4], $0x0  }
0x19: {  	s7 =	sld [smem:$0x3F91]  }
0x1a: {  	s8 =	sadd.s32 $0xFFFFE003, lr  }
0x1b: {  	s9 =	sadd.s32 $0xFFFFFEF7, lr;
	s5 =	simm.s32 $0xFFFFFFFF;
	p2 =	slt.u32 s8, $0xFFFFF086  }
0x1c: {  	p1 =	slt.u32 s9, $0xF7A;
	s5 =	simm.s32 @!p2 $0x0  }
0x1d: {  	s5 =	simm.s32 @p1 $0x1;
	p0 =	seq.s32 s7, s2  }
0x1e: {  	s7 =	smul.u32 @!p0 $0xF7A, s2;
	p2 =	seq.s32 @!p0 s5, $0x0  }
0x1f: {  	s9 =	smul.u32 $0xF7A, s1;
	s8 =	simm.s32 @!p0 $0x1BF5;
	p2 =	por !p2, p0  }
0x20: {  	[sflag:s8] =	ssyncset.s32 @!p0 $0xFFFFF086;
	s6 =	sadd.s32 @!p0 s3, s7;
	s7 =	simm.s32 @!p0 $0x108  }
0x21: {  	s3 =	sadd.s32 s3, s9;
	s6 =	sadd.s32 @!p0 $0x88, s6;
	s7 =	simm.s32 @p2 $0x1082  }
0x22: {  	[simem:s7], [sflag:s8] =	dma.local @!p0 [hbm:s6], $0xF7A  }
0x23: {  	s9 =	sor.u32 $0xD0000000, s2;
	s6 =	simm.s32 $0x108;
	_ =	swait.ge @!p0 [sflag:s8], $0x0  }
0x24: {  	s3 =	sadd.s32 $0x88, s3;
	s6 =	simm.s32 @!p1 $0x1082;
	[sflag:s4] =	ssyncset.s32 $0xFFFFF086  }
0x25: {  	[simem:s6], [sflag:s4] =	dma.local [hbm:s3], $0xF7A  }
0x26: {  	[smem:$0x3F91] =	sst s1;
	(tag) =	ssettag s2;
	_ =	strace s9  }
0x27: {  	s1 =	sld [smem:$0x3FA1]  }
0x28: {  	s2 =	sld [smem:$0x3FA2]  }
0x29: {  	s4 =	sld [smem:$0x3FA4]  }
0x2a: {  	p0 =	seq.s32 s5, $0x0;
	s5 =	sld [smem:$0x3FA5]  }
0x2b: {  	s6 =	sld [smem:$0x3FA6]  }
0x2c: {  	s7 =	sld [smem:$0x3FA7]  }
0x2d: {  	s3 =	simm.s32 $0x108;
	s8 =	sld [smem:$0x3FA8]  }
0x2e: {  	s3 =	simm.s32 @!p0 $0x1082;
	s9 =	sld [smem:$0x3FA9]  }
0x2f: {  	lr =	sadd.s32 s0, s3;
	s0 =	sld [smem:$0x3FA0]  }
0x30: {  	s3 =	sld [smem:$0x3FA3]  }
0x31: {  	[smem:$0x3FAC] =	sst s10  }
0x32: {  	s10 =	sld [smem:$0x3FAA];
	_ =	sdelay $0x3  }
0x33: {  	p0 =	seq.s32 s10, $0x1;
	s10 =	sld [smem:$0x3FAC];
	_ =	sdelay $0x3  }
0x34: {  	[smem:$0x3FAC] =	sst s10  }
0x35: {  	s10 =	sld [smem:$0x3FAB];
	_ =	sdelay $0x3  }
0x36: {  	p1 =	seq.s32 s10, $0x1;
	s10 =	sld [smem:$0x3FAC];
	_ =	sdelay $0x3  }
0x37: {  	[smem:$0x3FAC] =	sst s10  }
0x38: {  	s10 =	sld [smem:$0x3FAD]  }
0x39: {  	_ = 	snop;
	(pc) =	sbr.ind lr, $3  }
0x3a: {  	_ = 	snop  }
0x3b: {  	_ = 	snop  }
0x3c: {  	p2 =	seq.s32 s10, $0x1;
	s10 =	sld [smem:$0x3FAC]  }
0x3d: {  	_ =	shalt  }
0x3e: {  	_ =	shalt  }
0x3f: {  	_ =	shalt  }
0x40: {  	_ =	shalt  }
0x41: {  	_ =	shalt  }
0x42: {  	_ =	shalt  }
0x43: {  	_ =	shalt  }
0x44: {  	_ =	shalt  }
0x45: {  	_ =	shalt  }
0x46: {  	_ =	shalt  }
0x47: {  	_ =	shalt  }
0x48: {  	_ =	shalt  }
0x49: {  	_ =	shalt  }
0x4a: {  	_ =	shalt  }
0x4b: {  	_ =	shalt  }
0x4c: {  	_ =	shalt  }
0x4d: {  	_ =	shalt  }
0x4e: {  	_ =	shalt  }
0x4f: {  	_ =	shalt  }
0x50: {  	_ =	shalt  }
0x51: {  	_ =	shalt  }
0x52: {  	_ =	shalt  }
0x53: {  	_ =	shalt  }
0x54: {  	_ =	shalt  }
0x55: {  	_ =	shalt  }
0x56: {  	_ =	shalt  }
0x57: {  	_ =	shalt  }
0x58: {  	_ =	shalt  }
0x59: {  	_ =	shalt  }
0x5a: {  	_ =	shalt  }
0x5b: {  	_ =	shalt  }
0x5c: {  	_ =	shalt  }
0x5d: {  	_ =	shalt  }
0x5e: {  	_ =	shalt  }
0x5f: {  	_ =	shalt  }
0x60: {  	_ =	shalt  }
0x61: {  	_ =	shalt  }
0x62: {  	_ =	shalt  }
0x63: {  	_ =	shalt  }
0x64: {  	_ =	shalt  }
0x65: {  	_ =	shalt  }
0x66: {  	_ =	shalt  }
0x67: {  	_ =	shalt  }
0x68: {  	_ =	shalt  }
0x69: {  	_ =	shalt  }
0x6a: {  	_ =	shalt  }
0x6b: {  	_ =	shalt  }
0x6c: {  	_ =	shalt  }
0x6d: {  	_ =	shalt  }
0x6e: {  	_ =	shalt  }
0x6f: {  	_ =	shalt  }
0x70: {  	_ =	shalt  }
0x71: {  	_ =	shalt  }
0x72: {  	_ =	shalt  }
0x73: {  	_ =	shalt  }
0x74: {  	_ =	shalt  }
0x75: {  	_ =	shalt  }
0x76: {  	_ =	shalt  }
0x77: {  	_ =	shalt  }
0x78: {  	_ =	shalt  }
0x79: {  	_ =	shalt  }
0x7a: {  	_ =	shalt  }
0x7b: {  	_ =	shalt  }
0x7c: {  	_ =	shalt  }
0x7d: {  	_ =	shalt  }
0x7e: {  	_ =	shalt  }
0x7f: {  	_ =	shalt  }
0x80: {  	_ =	shalt  }
0x81: {  	_ =	shalt  }
0x82: {  	_ =	shalt  }
0x83: {  	_ =	shalt  }
0x84: {  	_ =	shalt  }
0x85: {  	_ =	shalt  }
0x86: {  	_ =	shalt  }
0x87: {  	_ =	shalt  }
.Lfunc_end0:
.L_simem_size_0:
called_computation_lowered:
.L_overlay_start_0:
0x88: {  	s2 =	sld [smem:$0x3FD9]  }
0x89: {  	s3 =	sld [smem:$0x3FFE];
	_ =	sdelay $0x1  }
0x8a: {  	s1 =	srdreg.scid  }
0x8b: {  	s0 =	sand.u32 $0x1, s1  }
0x8c: {  	s17 =	sshll.u32 s0, $0xA;
	s2 =	sadd.s32 s3, s2  }
0x8d: {  	s2 =	sadd.s32 s2, s17  }
0x8e: {  	[smem:$0x3FB8] =	sst s2  }
0x8f: {  	_ = 	snop  }
0x90: {  	s2 =	sld [smem:$0x3FD0];
	(tm) =	ssettm $0x1  }
0x91: {  	s18 =	sld [smem:$0x3FFB];
	_ =	sdelay $0x3  }
0x92: {  	_ =	strace s18  }
0x93: {  	s3 =	sld [smem:$0x3FFC];
	_ =	sdelay $0x3  }
0x94: {  	_ =	strace s3  }
0x95: {  	s3 =	sld [smem:$0x3FFD];
	_ =	sdelay $0x3  }
0x96: {  	_ =	strace s3  }
0x97: {  	_ =	strace $0x8FFFFFFF  }
0x98: {  	s19 =	sld [smem:$0x3FDB];
	_ =	sdelay $0x1  }
0x99: {  	s4 =	simm.s32 $_scs_section_size  }
0x9a: {  	s5 =	simm.s32 $_size__tile_overlayer_lowered;
	s6 =	simm.s32 $_tile_overlayer_lowered  }
0x9b: {  	s22 =	simm.s32 $0x1BFF;
	s21 =	sshll.u32 s6, $0x1;
	s3 =	sadd.s32 s4, s19  }
0x9c: {  	s7 =	simm.s32 $0x0;
	s20 =	sshll.u32 s5, $0x1;
	s5 =	sadd.s32 s21, s3  }
0x9d: {  	[timem:s7], [sflag:s22] =	dma.local [hbm:s5], s20  }
0x9e: {  	_ =	swait.ge [sflag:s22], s20  }
0x9f: {  	s4 =	ssub.s32 $0x0, s20;
	[sflag:s22] =	ssyncset.done $0x0  }
0xa0: {  	[sflag:s22] =	ssyncadd.s32 s4;
	_ =	sdelay $0x1  }
0xa1: {  	s23 =	simm.s32 $0x1B8B  }
0xa2: {  	_ =	swait.ge [sflag:s23], $0x1  }
0xa3: {  	[sflag:s23] =	ssyncset.done $0x0  }
0xa4: {  	s25 =	simm.s32 $0x1B8E;
	s24 =	sld [smem:$0x3FFE];
	[sflag:s23] =	ssyncadd.s32 $0xFFFFFFFF  }
0xa5: {  	s26 =	simm.s32 $execute0_lowered;
	[smem:$0x3FD2] =	sst s25  }
0xa6: {  	s5 =	sshll.u32 s26, $0x1;
	_ =	strace $0x80000046;
	[dreg:$0x1] =	wrdreg $0xFFFFFFFF  }
0xa7: {  	s28 =	simm.s32 $_size_execute0_lowered;
	s3 =	sadd.s32 s3, s5;
	[dreg:$0x0] =	wrdreg $0x0  }
0xa8: {  	s5 =	sshll.u32 s28, $0x1;
	[dreg:$0x2] =	wrdreg s3  }
0xa9: {  	[dreg:$0x3] =	wrdreg s5  }
0xaa: {  	[dreg:$0x4] =	wrdreg $0xC0  }
0xab: {  	_ =	task [dreg:s7], $0x5FFFF  }
0xac: {  	[dreg:$0x1] =	wrdreg $0xFFFFFFFF  }
0xad: {  	[dreg:$0x0] =	wrdreg $0x60  }
0xae: {  	[dreg:$0x2] =	wrdreg s24  }
0xaf: {  	[dreg:$0x3] =	wrdreg s2  }
0xb0: {  	[dreg:$0x4] =	wrdreg $0x9  }
0xb1: {  	_ =	task.clear_ibuf [dreg:s7], $0x5FFFF;
	_ =	strace $0x90000046  }
0xb2: {  	s29 =	simm.s32 $0x9;
	_ =	strace $0x80000048  }
0xb3: {  	_ =	swait.ge [sflag:s29], $0x1  }
0xb4: {  	[sflag:s29] =	ssyncadd.s32 $0xFFFFFFFF  }
0xb5: {  	_ =	strace $0x90000048  }
0xb6: {  	_ =	sfence  }
0xb7: {  	s30 =	sld [smem:$0x0];
	_ =	sdelay $0x2  }
0xb8: {  	s31 =	sshll.u32 s1, $0xD;
	s1 =	sshrl.u32 s1, $0x2  }
0xb9: {  	s3 =	sand.u32 $0x4000, s31;
	s1 =	sadd.s32 s1, s30  }
0xba: {  	s0 =	sor.u32 s3, s0;
	s1 =	sshll.u32 s1, $0x11  }
0xbb: {  	s0 =	sor.u32 s1, s0  }
0xbc: {  	s0 =	sadd.s32 $0x8F2B, s0  }
0xbd: {  	[sflag:s0] =	ssyncadd.remote.s32 $0x1  }
0xbe: {  	_ =	sfence.sel $0xFFFF  }
0xbf: {  	[dreg:$0x0] =	wrdreg $0xFFFFFFFF;
	(pc) =	sbr.abs _section_cstart, $3  }
0xc0: {  	[dreg:$0x1] =	wrdreg $0xFFFFFFFF  }
0xc1: {  	_ =	task.clear_ibuf [dreg:s7], $0x2FFFF;
	_ =	strace $0x9FFFFFFF  }
0xc2: {  	(tm) =	ssettm $0x7FFFFFFF  }
0xc3: {  	_ =	shalt  }
tec
execute0_lowered:
.L_overlay_start_1:
0x0: {  	(tag) =	ssettag $0x1  }
0x1: {  	s0 =	rddreg [dreg:$0x0]  }
0x2: {  	s1 =	rddreg [dreg:$0x1];
	s2 =	srdreg.scid  }
0x3: {  	s3 =	stileid.u32;
	s14 =	simm.s32 $0x2;
	s15 =	simm.s32 $0x9880  }
0x4: {  	s16 =	simm.s32 $0xA080;
	s17 =	simm.s32 $0xA880;
	s18 =	simm.s32 $0xB080  }
0x5: {  	s19 =	simm.s32 $0xC080;
	s20 =	simm.s32 $0xC880;
	s21 =	simm.s32 $0xD080  }
0x6: {  	s22 =	simm.s32 $0xE080;
	s23 =	simm.s32 $0xF080;
	s24 =	simm.s32 $0xF880  }
0x7: {  	s25 =	simm.s32 $0x10080;
	s4 =	sand.u32 $0x1, s2;
	s2 =	simm.s32 $0x0  }
0x8: {  	s3 =	sshll.u32 s3, $0x7;
	s11 =	sadd.s32 $0x2400, s0;
	s8 =	sadd.s32 $0x2900, s0  }
0x9: {  	s5 =	sshll.u32 s4, $0x6;
	[smem:$0x7FF] =	sst s2;
	s4 =	ssub.s32 $0x2, s4  }
0xa: {  	s9 =	sor.u32 s5, s3;
	_ =	strace $0x80000047;
	s6 =	sshrl.u32 s4, $0x1  }
0xb: {  	s3 =	sadd.s32 $0x2600, s0;
	s10 =	sshll.u32 s9, $0x1;
	s4 =	ssub.s32 s4, s6  }
0xc: {  	s13 =	sor.u32 $0x20, s9;
	s9 =	sshll.u32 s9, $0x7;
	s12 =	sand.u32 $0xF00, s10  }
0xd: {  	s28 =	sand.u32 $0x60, s13;
	s9 =	sadd.s32 s1, s9;
	s30 =	sshll.u32 s13, $0x7  }
0xe: {  	s31 =	smax.u32 s4, $0x1;
	s4 =	simm.s32 $0x8880;
	s13 =	simm.s32 $0x0  }
0xf: {  	s7 =	sor.u32 s5, s12;
	s5 =	sor.u32 s5, s10;
	[dreg:$0x5] =	wrdreg s9  }
0x10: {  	s29 =	sor.u32 s10, s28;
	[dreg:$0x9] =	wrdreg s31;
	s26 =	sshrl.u32 s7, $0x3  }
0x11: {  	s9 =	simm.s32 $0xB880;
	s5 =	sshrl.u32 s5, $0x3;
	s6 =	sadd.s32 s11, s26  }
0x12: {  	s7 =	sadd.s32 $0x2800, s0;
	s5 =	sor.u32 $0x10, s5;
	[dreg:$0x3] =	wrdreg s6  }
0x13: {  	s5 =	sadd.s32 s11, s5;
	s6 =	sadd.s32 $0x2700, s0;
	s0 =	sshrl.u32 s29, $0x3  }
0x14: {  	[dreg:$0x4] =	wrdreg s5;
	s5 =	sor.u32 s28, s12;
	s0 =	sor.u32 $0x10, s0  }
0x15: {  	s10 =	simm.s32 $0xD880;
	s5 =	sshrl.u32 s5, $0x3;
	s0 =	sadd.s32 s11, s0  }
0x16: {  	v2 =	vlaneseq.u32;
	s12 =	simm.s32 $0x1;
	s5 =	sadd.s32 s11, s5;
	[dreg:$0x7] =	wrdreg s0  }
0x17: {  	vm0 =	vmmov $0xffff;
	v1 =	vshrl.u32 v2, $0x3;
	s0 =	sadd.s32 s1, s30;
	s1 =	simm.s32 $0x8080;
	[dreg:$0x6] =	wrdreg s5  }
0x18: {  	v0 =	vand.u32 $0x7, v2;
	v2 =	vor.u32 $0x8, v2;
	v1 =	vmul.u32 $0x8, v1;
	s11 =	simm.s32 $0xE880;
	[dreg:$0x8] =	wrdreg s0;
	s5 =	simm.s32 $0x9080  }
.LBB2_1:
0x19: {  	s0 =	rddreg [dreg:$0x3]  }
0x1a: {  	[tilespmem:s2], [sflag:$0x2] =	stream.linear.gather [hbm4b:s0+s2], $0x20, $0x38;
	[tilespmem:$0x18080] =	vst v63  }
0x1b: {  	_ =	swait.ge [sflag:s14], $0x20  }
0x1c: {  	[sflag:s14] =	ssyncset.done $0x0  }
0x1d: {  	s26 =	simm.s32 $0x20;
	s30 =	rddreg [dreg:$0x4];
	[sflag:s14] =	ssyncadd.s32 $0xFFFFFFE0  }
0x1e: {  	[tilespmem:s26], [sflag:$0x2] =	stream.linear.gather [hbm4b:s30+s2], $0x20, $0x38;
	[tilespmem:$0x18080] =	vst v63  }
0x1f: {  	_ =	swait.ge [sflag:s14], $0x20  }
0x20: {  	[sflag:s14] =	ssyncset.done $0x0  }
0x21: {  	[sflag:s14] =	ssyncadd.s32 $0xFFFFFFE0  }
0x22: {  	v3 =	vld [tilespmem:$0x0];
	_ =	sdelay $0x4  }
0x23: {  	v4 =	vshll.u32 v3, $0x3  }
0x24: {  	v3 =	vand.u32 $0x7, v3;
	v4 =	vand.u32 $0xFFFFFFC0, v4  }
0x25: {  	v3 =	vor.u32 v3, v4  }
0x26: {  	v4 =	vperm.xlane v3, v0;
	_ =	sdelay $0x1  }
0x27: {  	v4 =	vadd.s32 v1, v4;
	_ =	sdelay $0x3  }
0x28: {  	s31 =	simm.s32 $0x80  }
0x29: {  	[tilespmem:s31], [sflag:$0x1] =	stream.indirect_vreg.gather [hbm4b:s3+s2], $0x80, v4, vm0, $0xb8;
	[tilespmem:$0x18080] =	vst v63  }
0x2a: {  	s26 =	simm.s32 $0x880;
	v3 =	vperm.xlane v3, v2  }
0x2b: {  	[tilespmem:s26], [sflag:$0x1] =	stream.indirect_vreg.gather [hbm4b:s6+s2], $0x80, v4, vm0, $0xb8;
	[tilespmem:$0x18080] =	vst v63  }
0x2c: {  	s30 =	simm.s32 $0x1080;
	v3 =	vadd.s32 v1, v3  }
0x2d: {  	[tilespmem:s30], [sflag:$0x1] =	stream.indirect_vreg.gather [hbm4b:s7+s2], $0x80, v4, vm0, $0xb8;
	[tilespmem:$0x18080] =	vst v63  }
0x2e: {  	s31 =	simm.s32 $0x1880  }
0x2f: {  	[tilespmem:s31], [sflag:$0x1] =	stream.indirect_vreg.gather [hbm4b:s8+s2], $0x80, v4, vm0, $0xb8;
	[tilespmem:$0x18080] =	vst v63  }
0x30: {  	s26 =	simm.s32 $0x2080  }
0x31: {  	[tilespmem:s26], [sflag:$0x1] =	stream.indirect_vreg.gather [hbm4b:s3+s2], $0x80, v3, vm0, $0xb8;
	[tilespmem:$0x18080] =	vst v63  }
0x32: {  	s30 =	simm.s32 $0x2880  }
0x33: {  	[tilespmem:s30], [sflag:$0x1] =	stream.indirect_vreg.gather [hbm4b:s6+s2], $0x80, v3, vm0, $0xb8;
	[tilespmem:$0x18080] =	vst v63  }
0x34: {  	s31 =	simm.s32 $0x3080  }
0x35: {  	[tilespmem:s31], [sflag:$0x1] =	stream.indirect_vreg.gather [hbm4b:s7+s2], $0x80, v3, vm0, $0xb8;
	[tilespmem:$0x18080] =	vst v63  }
0x36: {  	s26 =	simm.s32 $0x3880  }
0x37: {  	[tilespmem:s26], [sflag:$0x1] =	stream.indirect_vreg.gather [hbm4b:s8+s2], $0x80, v3, vm0, $0xb8;
	[tilespmem:$0x18080] =	vst v63  }
0x38: {  	v3 =	vld [tilespmem:$0x10];
	_ =	sdelay $0x4  }
0x39: {  	v61 =	vshll.u32 v3, $0x3  }
0x3a: {  	v3 =	vand.u32 $0x7, v3;
	v4 =	vand.u32 $0xFFFFFFC0, v61  }
0x3b: {  	v3 =	vor.u32 v3, v4  }
0x3c: {  	v4 =	vperm.xlane v3, v0;
	_ =	sdelay $0x1  }
0x3d: {  	v4 =	vadd.s32 v1, v4;
	_ =	sdelay $0x3  }
0x3e: {  	s30 =	simm.s32 $0x4080  }
0x3f: {  	[tilespmem:s30], [sflag:$0x1] =	stream.indirect_vreg.gather [hbm4b:s3+s2], $0x80, v4, vm0, $0xb8;
	[tilespmem:$0x18080] =	vst v63  }
0x40: {  	s31 =	simm.s32 $0x4880;
	v3 =	vperm.xlane v3, v2  }
0x41: {  	[tilespmem:s31], [sflag:$0x1] =	stream.indirect_vreg.gather [hbm4b:s6+s2], $0x80, v4, vm0, $0xb8;
	[tilespmem:$0x18080] =	vst v63  }
0x42: {  	s26 =	simm.s32 $0x5080;
	v3 =	vadd.s32 v1, v3  }
0x43: {  	[tilespmem:s26], [sflag:$0x1] =	stream.indirect_vreg.gather [hbm4b:s7+s2], $0x80, v4, vm0, $0xb8;
	[tilespmem:$0x18080] =	vst v63  }
0x44: {  	s30 =	simm.s32 $0x5880  }
0x45: {  	[tilespmem:s30], [sflag:$0x1] =	stream.indirect_vreg.gather [hbm4b:s8+s2], $0x80, v4, vm0, $0xb8;
	[tilespmem:$0x18080] =	vst v63  }
0x46: {  	s31 =	simm.s32 $0x6080  }
0x47: {  	[tilespmem:s31], [sflag:$0x1] =	stream.indirect_vreg.gather [hbm4b:s3+s2], $0x80, v3, vm0, $0xb8;
	[tilespmem:$0x18080] =	vst v63  }
0x48: {  	s26 =	simm.s32 $0x6880  }
0x49: {  	[tilespmem:s26], [sflag:$0x1] =	stream.indirect_vreg.gather [hbm4b:s6+s2], $0x80, v3, vm0, $0xb8;
	[tilespmem:$0x18080] =	vst v63  }
0x4a: {  	s30 =	simm.s32 $0x7080  }
0x4b: {  	[tilespmem:s30], [sflag:$0x1] =	stream.indirect_vreg.gather [hbm4b:s7+s2], $0x80, v3, vm0, $0xb8;
	[tilespmem:$0x18080] =	vst v63  }
0x4c: {  	s31 =	simm.s32 $0x7880  }
0x4d: {  	[tilespmem:s31], [sflag:$0x1] =	stream.indirect_vreg.gather [hbm4b:s8+s2], $0x80, v3, vm0, $0xb8;
	[tilespmem:$0x18080] =	vst v63  }
0x4e: {  	v3 =	vld [tilespmem:$0x20];
	_ =	sdelay $0x4  }
0x4f: {  	v62 =	vshll.u32 v3, $0x3  }
0x50: {  	v3 =	vand.u32 $0x7, v3;
	v4 =	vand.u32 $0xFFFFFFC0, v62  }
0x51: {  	v3 =	vor.u32 v3, v4  }
0x52: {  	v4 =	vperm.xlane v3, v0;
	_ =	sdelay $0x1  }
0x53: {  	v4 =	vadd.s32 v1, v4;
	_ =	sdelay $0x4  }
0x54: {  	[tilespmem:s1], [sflag:$0x1] =	stream.indirect_vreg.gather [hbm4b:s3+s2], $0x80, v4, vm0, $0xb8;
	[tilespmem:$0x18080] =	vst v63  }
0x55: {  	v3 =	vperm.xlane v3, v2  }
0x56: {  	[tilespmem:s4], [sflag:$0x1] =	stream.indirect_vreg.gather [hbm4b:s6+s2], $0x80, v4, vm0, $0xb8;
	[tilespmem:$0x18080] =	vst v63  }
0x57: {  	v3 =	vadd.s32 v1, v3  }
0x58: {  	[tilespmem:s5], [sflag:$0x1] =	stream.indirect_vreg.gather [hbm4b:s7+s2], $0x80, v4, vm0, $0xb8;
	[tilespmem:$0x18080] =	vst v63  }
0x59: {  	_ = 	snop  }
0x5a: {  	[tilespmem:s15], [sflag:$0x1] =	stream.indirect_vreg.gather [hbm4b:s8+s2], $0x80, v4, vm0, $0xb8;
	[tilespmem:$0x18080] =	vst v63  }
0x5b: {  	_ = 	snop  }
0x5c: {  	[tilespmem:s16], [sflag:$0x1] =	stream.indirect_vreg.gather [hbm4b:s3+s2], $0x80, v3, vm0, $0xb8;
	[tilespmem:$0x18080] =	vst v63  }
0x5d: {  	_ = 	snop  }
0x5e: {  	[tilespmem:s17], [sflag:$0x1] =	stream.indirect_vreg.gather [hbm4b:s6+s2], $0x80, v3, vm0, $0xb8;
	[tilespmem:$0x18080] =	vst v63  }
0x5f: {  	_ = 	snop  }
0x60: {  	[tilespmem:s18], [sflag:$0x1] =	stream.indirect_vreg.gather [hbm4b:s7+s2], $0x80, v3, vm0, $0xb8;
	[tilespmem:$0x18080] =	vst v63  }
0x61: {  	_ = 	snop  }
0x62: {  	[tilespmem:s9], [sflag:$0x1] =	stream.indirect_vreg.gather [hbm4b:s8+s2], $0x80, v3, vm0, $0xb8;
	[tilespmem:$0x18080] =	vst v63  }
0x63: {  	v3 =	vld [tilespmem:$0x30];
	_ =	sdelay $0x4  }
0x64: {  	v63 =	vshll.u32 v3, $0x3  }
0x65: {  	v3 =	vand.u32 $0x7, v3;
	v4 =	vand.u32 $0xFFFFFFC0, v63  }
0x66: {  	v3 =	vor.u32 v3, v4  }
0x67: {  	v4 =	vperm.xlane v3, v0;
	_ =	sdelay $0x1  }
0x68: {  	v4 =	vadd.s32 v1, v4;
	_ =	sdelay $0x4  }
0x69: {  	[tilespmem:s19], [sflag:$0x1] =	stream.indirect_vreg.gather [hbm4b:s3+s2], $0x80, v4, vm0, $0xb8;
	[tilespmem:$0x18080] =	vst v63  }
0x6a: {  	v3 =	vperm.xlane v3, v2  }
0x6b: {  	[tilespmem:s20], [sflag:$0x1] =	stream.indirect_vreg.gather [hbm4b:s6+s2], $0x80, v4, vm0, $0xb8;
	[tilespmem:$0x18080] =	vst v63  }
0x6c: {  	v3 =	vadd.s32 v1, v3  }
0x6d: {  	[tilespmem:s21], [sflag:$0x1] =	stream.indirect_vreg.gather [hbm4b:s7+s2], $0x80, v4, vm0, $0xb8;
	[tilespmem:$0x18080] =	vst v63  }
0x6e: {  	_ = 	snop  }
0x6f: {  	[tilespmem:s10], [sflag:$0x1] =	stream.indirect_vreg.gather [hbm4b:s8+s2], $0x80, v4, vm0, $0xb8;
	[tilespmem:$0x18080] =	vst v63  }
0x70: {  	_ = 	snop  }
0x71: {  	[tilespmem:s22], [sflag:$0x1] =	stream.indirect_vreg.gather [hbm4b:s3+s2], $0x80, v3, vm0, $0xb8;
	[tilespmem:$0x18080] =	vst v63  }
0x72: {  	_ = 	snop  }
0x73: {  	[tilespmem:s11], [sflag:$0x1] =	stream.indirect_vreg.gather [hbm4b:s6+s2], $0x80, v3, vm0, $0xb8;
	[tilespmem:$0x18080] =	vst v63  }
0x74: {  	_ = 	snop  }
0x75: {  	[tilespmem:s23], [sflag:$0x1] =	stream.indirect_vreg.gather [hbm4b:s7+s2], $0x80, v3, vm0, $0xb8;
	[tilespmem:$0x18080] =	vst v63  }
0x76: {  	_ = 	snop  }
0x77: {  	[tilespmem:s24], [sflag:$0x1] =	stream.indirect_vreg.gather [hbm4b:s8+s2], $0x80, v3, vm0, $0xb8;
	[tilespmem:$0x18080] =	vst v63  }
0x78: {  	_ =	swait.ge [sflag:s12], $0x10000  }
0x79: {  	s28 =	simm.s32 $0x0;
	[sflag:s12] =	ssyncset.done $0x0  }
0x7a: {  	s29 =	simm.s32 $0x0;
	s26 =	simm.s32 $0x0;
	[sflag:s12] =	ssyncadd.s32 $0xFFFF0000  }
.LBB2_2:
0x7b: {  	s31 =	sand.u32 $0x6000, s29;
	s30 =	sand.u32 $0x380, s28  }
0x7c: {  	s30 =	sor.u32 s30, s31  }
0x7d: {  	v3 =	vld [tilespmem:s30+$0x80]  }
0x7e: {  	v4 =	vld [tilespmem:s30+$0x8080]  }
0x7f: {  	v5 =	vld [tilespmem:s30+$0x90]  }
0x80: {  	v6 =	vld [tilespmem:s30+$0x8090]  }
0x81: {  	v7 =	vld [tilespmem:s30+$0xA0]  }
0x82: {  	v8 =	vld [tilespmem:s30+$0x80A0]  }
0x83: {  	v9 =	vld [tilespmem:s30+$0xB0]  }
0x84: {  	v10 =	vld [tilespmem:s30+$0x80B0]  }
0x85: {  	v11 =	vld [tilespmem:s30+$0xC0]  }
0x86: {  	v12 =	vld [tilespmem:s30+$0x80C0]  }
0x87: {  	v13 =	vld [tilespmem:s30+$0xD0]  }
0x88: {  	v14 =	vld [tilespmem:s30+$0x80D0]  }
0x89: {  	v15 =	vld [tilespmem:s30+$0xE0]  }
0x8a: {  	v16 =	vld [tilespmem:s30+$0x80E0]  }
0x8b: {  	v17 =	vld [tilespmem:s30+$0xF0]  }
0x8c: {  	v18 =	vld [tilespmem:s30+$0x80F0]  }
0x8d: {  	v19 =	vld [tilespmem:s30+$0x480]  }
0x8e: {  	v20 =	vld [tilespmem:s30+$0x8480]  }
0x8f: {  	v21 =	vld [tilespmem:s30+$0x490]  }
0x90: {  	v22 =	vld [tilespmem:s30+$0x8490]  }
0x91: {  	v23 =	vld [tilespmem:s30+$0x4A0]  }
0x92: {  	v24 =	vld [tilespmem:s30+$0x84A0]  }
0x93: {  	v25 =	vld [tilespmem:s30+$0x4B0]  }
0x94: {  	v26 =	vld [tilespmem:s30+$0x84B0]  }
0x95: {  	v27 =	vld [tilespmem:s30+$0x4C0]  }
0x96: {  	v28 =	vld [tilespmem:s30+$0x84C0]  }
0x97: {  	v29 =	vld [tilespmem:s30+$0x4D0]  }
0x98: {  	v30 =	vld [tilespmem:s30+$0x84D0]  }
0x99: {  	v31 =	vld [tilespmem:s30+$0x4E0]  }
0x9a: {  	v55 =	vld [tilespmem:s30+$0x84E0];
	v3 =	vadd.f32 v4, v3  }
0x9b: {  	v56 =	vld [tilespmem:s30+$0x4F0];
	v5 =	vadd.f32 v6, v5  }
0x9c: {  	v57 =	vld [tilespmem:s30+$0x84F0];
	v58 =	vadd.f32 v10, v9;
	[tilespmem:s30+$0x10080] =	vst v3  }
0x9d: {  	v59 =	vld [tilespmem:s30+$0x880];
	v3 =	vadd.f32 v8, v7;
	[tilespmem:s30+$0x10090] =	vst v5  }
0x9e: {  	v60 =	vld [tilespmem:s30+$0x8880];
	v61 =	vadd.f32 v14, v13;
	[tilespmem:s30+$0x100B0] =	vst v58  }
0x9f: {  	v62 =	vld [tilespmem:s30+$0x890];
	[tilespmem:s30+$0x100A0] =	vst v3;
	v3 =	vadd.f32 v12, v11  }
0xa0: {  	v63 =	vld [tilespmem:s30+$0x8890];
	v32 =	vadd.f32 v18, v17;
	[tilespmem:s30+$0x100D0] =	vst v61  }
0xa1: {  	v33 =	vld [tilespmem:s30+$0x8A0];
	[tilespmem:s30+$0x100C0] =	vst v3;
	v3 =	vadd.f32 v16, v15  }
0xa2: {  	v34 =	vld [tilespmem:s30+$0x88A0];
	v35 =	vadd.f32 v22, v21;
	[tilespmem:s30+$0x100F0] =	vst v32  }
0xa3: {  	v36 =	vld [tilespmem:s30+$0x8B0];
	[tilespmem:s30+$0x100E0] =	vst v3;
	v3 =	vadd.f32 v20, v19  }
0xa4: {  	v37 =	vld [tilespmem:s30+$0x88B0];
	v38 =	vadd.f32 v26, v25;
	[tilespmem:s30+$0x10490] =	vst v35  }
0xa5: {  	v39 =	vld [tilespmem:s30+$0x8C0];
	[tilespmem:s30+$0x10480] =	vst v3;
	v3 =	vadd.f32 v24, v23  }
0xa6: {  	v40 =	vld [tilespmem:s30+$0x88C0];
	v41 =	vadd.f32 v30, v29;
	[tilespmem:s30+$0x104B0] =	vst v38  }
0xa7: {  	v42 =	vld [tilespmem:s30+$0x8D0];
	[tilespmem:s30+$0x104A0] =	vst v3;
	v3 =	vadd.f32 v28, v27  }
0xa8: {  	v43 =	vld [tilespmem:s30+$0x88D0];
	v44 =	vadd.f32 v57, v56;
	[tilespmem:s30+$0x104D0] =	vst v41  }
0xa9: {  	v45 =	vld [tilespmem:s30+$0x8E0];
	[tilespmem:s30+$0x104C0] =	vst v3;
	v3 =	vadd.f32 v55, v31  }
0xaa: {  	v48 =	vld [tilespmem:s30+$0x8F0];
	v47 =	vadd.f32 v63, v62;
	[tilespmem:s30+$0x104F0] =	vst v44  }
0xab: {  	v49 =	vld [tilespmem:s30+$0x88F0];
	[tilespmem:s30+$0x104E0] =	vst v3;
	v3 =	vadd.f32 v60, v59  }
0xac: {  	v46 =	vld [tilespmem:s30+$0x88E0];
	v50 =	vadd.f32 v37, v36;
	[tilespmem:s30+$0x10890] =	vst v47  }
0xad: {  	[tilespmem:s30+$0x10880] =	vst v3;
	v3 =	vadd.f32 v34, v33  }
0xae: {  	v4 =	vadd.f32 v43, v42;
	[tilespmem:s30+$0x108B0] =	vst v50  }
0xaf: {  	[tilespmem:s30+$0x108A0] =	vst v3;
	v3 =	vadd.f32 v40, v39  }
0xb0: {  	v51 =	vadd.f32 v49, v48;
	[tilespmem:s30+$0x108D0] =	vst v4  }
0xb1: {  	[tilespmem:s30+$0x108C0] =	vst v3;
	v3 =	vadd.f32 v46, v45  }
0xb2: {  	s31 =	sor.u32 s31, s28;
	[tilespmem:s30+$0x108F0] =	vst v51  }
0xb3: {  	s31 =	sor.u32 $0x8C00, s31;
	[tilespmem:s30+$0x108E0] =	vst v3;
	v3 =	vld [tilespmem:s30+$0xC80]  }
0xb4: {  	v4 =	vld [tilespmem:s31+$0x80];
	_ =	sdelay $0x4  }
0xb5: {  	v3 =	vadd.f32 v4, v3;
	_ =	sdelay $0x1  }
0xb6: {  	[tilespmem:s30+$0x10C80] =	vst v3;
	v3 =	vld [tilespmem:s30+$0xC90]  }
0xb7: {  	v52 =	vld [tilespmem:s31+$0x90];
	_ =	sdelay $0x4  }
0xb8: {  	v3 =	vadd.f32 v52, v3;
	_ =	sdelay $0x1  }
0xb9: {  	[tilespmem:s30+$0x10C90] =	vst v3;
	v3 =	vld [tilespmem:s30+$0xCA0]  }
0xba: {  	v53 =	vld [tilespmem:s31+$0xA0];
	_ =	sdelay $0x4  }
0xbb: {  	v3 =	vadd.f32 v53, v3;
	_ =	sdelay $0x1  }
0xbc: {  	[tilespmem:s30+$0x10CA0] =	vst v3;
	v3 =	vld [tilespmem:s30+$0xCB0]  }
0xbd: {  	v54 =	vld [tilespmem:s31+$0xB0]  }
0xbe: {  	v62 =	vld [tilespmem:s30+$0x9090]  }
0xbf: {  	v63 =	vld [tilespmem:s30+$0x10A0]  }
0xc0: {  	v36 =	vld [tilespmem:s30+$0x90A0]  }
0xc1: {  	v37 =	vld [tilespmem:s30+$0x10B0]  }
0xc2: {  	v42 =	vld [tilespmem:s30+$0x90D0];
	v3 =	vadd.f32 v54, v3  }
0xc3: {  	v43 =	vld [tilespmem:s30+$0x10E0]  }
0xc4: {  	[tilespmem:s30+$0x10CB0] =	vst v3;
	v3 =	vld [tilespmem:s30+$0xCC0]  }
0xc5: {  	v55 =	vld [tilespmem:s31+$0xC0]  }
0xc6: {  	v48 =	vld [tilespmem:s30+$0x9480]  }
0xc7: {  	v49 =	vld [tilespmem:s30+$0x1490]  }
0xc8: {  	v61 =	vld [tilespmem:s30+$0x1090]  }
0xc9: {  	v38 =	vld [tilespmem:s30+$0x90B0]  }
0xca: {  	v41 =	vld [tilespmem:s30+$0x10D0];
	v3 =	vadd.f32 v55, v3  }
0xcb: {  	v44 =	vld [tilespmem:s30+$0x90E0]  }
0xcc: {  	[tilespmem:s30+$0x10CC0] =	vst v3;
	v3 =	vld [tilespmem:s30+$0xCD0]  }
0xcd: {  	v56 =	vld [tilespmem:s31+$0xD0]  }
0xce: {  	v47 =	vld [tilespmem:s30+$0x1480]  }
0xcf: {  	v50 =	vld [tilespmem:s30+$0x9490]  }
0xd0: {  	v51 =	vld [tilespmem:s30+$0x14A0]  }
0xd1: {  	v32 =	vld [tilespmem:s30+$0x94D0]  }
0xd2: {  	v59 =	vld [tilespmem:s30+$0x1080];
	v3 =	vadd.f32 v56, v3  }
0xd3: {  	v60 =	vld [tilespmem:s30+$0x9080]  }
0xd4: {  	[tilespmem:s30+$0x10CD0] =	vst v3;
	v3 =	vld [tilespmem:s30+$0xCE0]  }
0xd5: {  	v57 =	vld [tilespmem:s31+$0xE0]  }
0xd6: {  	v35 =	vld [tilespmem:s30+$0x1890]  }
0xd7: {  	v34 =	vld [tilespmem:s30+$0x9880]  }
0xd8: {  	v39 =	vld [tilespmem:s30+$0x10C0]  }
0xd9: {  	v40 =	vld [tilespmem:s30+$0x90C0]  }
0xda: {  	v5 =	vadd.f32 v60, v59;
	v59 =	vld [tilespmem:s30+$0x94E0];
	v3 =	vadd.f32 v57, v3  }
0xdb: {  	v60 =	vld [tilespmem:s30+$0x14F0]  }
0xdc: {  	[tilespmem:s30+$0x10CE0] =	vst v3;
	v3 =	vld [tilespmem:s30+$0xCF0]  }
0xdd: {  	v58 =	vld [tilespmem:s31+$0xF0]  }
0xde: {  	v45 =	vld [tilespmem:s30+$0x10F0]  }
0xdf: {  	v46 =	vld [tilespmem:s30+$0x90F0]  }
0xe0: {  	v33 =	vadd.f32 v40, v39;
	v40 =	vld [tilespmem:s30+$0x98A0]  }
0xe1: {  	v39 =	vadd.f32 v48, v47;
	v47 =	vld [tilespmem:s30+$0x18D0]  }
0xe2: {  	v48 =	vld [tilespmem:s30+$0x98D0];
	v3 =	vadd.f32 v58, v3  }
0xe3: {  	v52 =	vld [tilespmem:s30+$0x94A0]  }
0xe4: {  	v53 =	vld [tilespmem:s30+$0x14B0];
	[tilespmem:s30+$0x10CF0] =	vst v3;
	v3 =	vadd.f32 v62, v61  }
0xe5: {  	v54 =	vld [tilespmem:s30+$0x94B0];
	[tilespmem:s30+$0x11080] =	vst v5  }
0xe6: {  	v55 =	vld [tilespmem:s30+$0x14C0];
	[tilespmem:s30+$0x11090] =	vst v3;
	v3 =	vadd.f32 v38, v37  }
0xe7: {  	v56 =	vld [tilespmem:s30+$0x94C0];
	[tilespmem:s30+$0x110C0] =	vst v33  }
0xe8: {  	v58 =	vld [tilespmem:s30+$0x14E0];
	[tilespmem:s30+$0x110B0] =	vst v3;
	v3 =	vadd.f32 v42, v41  }
0xe9: {  	v57 =	vld [tilespmem:s30+$0x14D0];
	[tilespmem:s30+$0x11480] =	vst v39;
	v61 =	vadd.f32 v36, v63  }
0xea: {  	v62 =	vld [tilespmem:s30+$0x94F0];
	[tilespmem:s30+$0x110D0] =	vst v3;
	v3 =	vadd.f32 v46, v45  }
0xeb: {  	v63 =	vld [tilespmem:s30+$0x1880];
	v36 =	vadd.f32 v44, v43;
	[tilespmem:s30+$0x110A0] =	vst v61  }
0xec: {  	v43 =	vld [tilespmem:s30+$0x98B0];
	[tilespmem:s30+$0x110F0] =	vst v3;
	v3 =	vadd.f32 v50, v49  }
0xed: {  	v44 =	vld [tilespmem:s30+$0x18C0];
	[tilespmem:s30+$0x110E0] =	vst v36;
	v4 =	vadd.f32 v59, v58  }
0xee: {  	v37 =	vld [tilespmem:s30+$0x9890];
	[tilespmem:s30+$0x11490] =	vst v3;
	v3 =	vadd.f32 v54, v53  }
0xef: {  	v38 =	vld [tilespmem:s30+$0x18A0];
	v42 =	vadd.f32 v52, v51;
	[tilespmem:s30+$0x114E0] =	vst v4  }
0xf0: {  	v41 =	vld [tilespmem:s30+$0x18B0];
	[tilespmem:s30+$0x114B0] =	vst v3;
	v3 =	vadd.f32 v32, v57  }
0xf1: {  	v51 =	vld [tilespmem:s30+$0x98E0];
	[tilespmem:s30+$0x114A0] =	vst v42;
	v45 =	vadd.f32 v56, v55  }
0xf2: {  	v46 =	vld [tilespmem:s30+$0x98C0];
	[tilespmem:s30+$0x114D0] =	vst v3;
	v3 =	vadd.f32 v62, v60  }
0xf3: {  	v52 =	vld [tilespmem:s30+$0x18F0];
	[tilespmem:s30+$0x114C0] =	vst v45;
	v50 =	vadd.f32 v34, v63  }
0xf4: {  	v49 =	vld [tilespmem:s30+$0x18E0];
	[tilespmem:s30+$0x114F0] =	vst v3;
	v3 =	vadd.f32 v37, v35  }
0xf5: {  	[tilespmem:s30+$0x11880] =	vst v50;
	v53 =	vadd.f32 v40, v38;
	v54 =	vld [tilespmem:s30+$0x98F0]  }
0xf6: {  	[tilespmem:s30+$0x11890] =	vst v3;
	v3 =	vadd.f32 v43, v41  }
0xf7: {  	v55 =	vadd.f32 v46, v44;
	[tilespmem:s30+$0x118A0] =	vst v53  }
0xf8: {  	[tilespmem:s30+$0x118B0] =	vst v3;
	v3 =	vadd.f32 v48, v47  }
0xf9: {  	s0 =	sand.u32 $0x7, s26;
	[tilespmem:s30+$0x118C0] =	vst v55;
	v56 =	vadd.f32 v51, v49  }
0xfa: {  	s31 =	sshll.u32 s0, $0x7;
	[tilespmem:s30+$0x118D0] =	vst v3;
	v3 =	vadd.f32 v54, v52  }
0xfb: {  	s31 =	sadd.s32 s31, s29;
	[tilespmem:s30+$0x118E0] =	vst v56  }
0xfc: {  	s0 =	sor.u32 s29, s28;
	[tilespmem:s30+$0x118F0] =	vst v3;
	s30 =	sor.u32 $0x1C00, s31  }
0xfd: {  	s0 =	sor.u32 $0x9C00, s0;
	v3 =	vld [tilespmem:s30+$0x80]  }
0xfe: {  	v4 =	vld [tilespmem:s0+$0x80];
	_ =	sdelay $0x4  }
0xff: {  	v3 =	vadd.f32 v4, v3;
	_ =	sdelay $0x1  }
0x100: {  	[tilespmem:s30+$0x10080] =	vst v3;
	s30 =	sor.u32 $0x1C10, s31  }
0x101: {  	v3 =	vld [tilespmem:s30+$0x80]  }
0x102: {  	v57 =	vld [tilespmem:s0+$0x90];
	_ =	sdelay $0x4  }
0x103: {  	v3 =	vadd.f32 v57, v3;
	_ =	sdelay $0x1  }
0x104: {  	[tilespmem:s30+$0x10080] =	vst v3;
	s30 =	sor.u32 $0x1C20, s31  }
0x105: {  	v3 =	vld [tilespmem:s30+$0x80]  }
0x106: {  	v58 =	vld [tilespmem:s0+$0xA0];
	_ =	sdelay $0x4  }
0x107: {  	v3 =	vadd.f32 v58, v3;
	_ =	sdelay $0x1  }
0x108: {  	[tilespmem:s30+$0x10080] =	vst v3;
	s30 =	sor.u32 $0x1C30, s31  }
0x109: {  	v3 =	vld [tilespmem:s30+$0x80]  }
0x10a: {  	v59 =	vld [tilespmem:s0+$0xB0];
	_ =	sdelay $0x4  }
0x10b: {  	v3 =	vadd.f32 v59, v3;
	_ =	sdelay $0x1  }
0x10c: {  	[tilespmem:s30+$0x10080] =	vst v3;
	s30 =	sor.u32 $0x1C40, s31  }
0x10d: {  	v3 =	vld [tilespmem:s30+$0x80]  }
0x10e: {  	v60 =	vld [tilespmem:s0+$0xC0];
	_ =	sdelay $0x4  }
0x10f: {  	v3 =	vadd.f32 v60, v3;
	_ =	sdelay $0x1  }
0x110: {  	[tilespmem:s30+$0x10080] =	vst v3;
	s30 =	sor.u32 $0x1C50, s31  }
0x111: {  	v3 =	vld [tilespmem:s30+$0x80]  }
0x112: {  	v61 =	vld [tilespmem:s0+$0xD0];
	_ =	sdelay $0x4  }
0x113: {  	v3 =	vadd.f32 v61, v3;
	_ =	sdelay $0x1  }
0x114: {  	[tilespmem:s30+$0x10080] =	vst v3;
	s30 =	sor.u32 $0x1C60, s31  }
0x115: {  	v3 =	vld [tilespmem:s30+$0x80]  }
0x116: {  	v62 =	vld [tilespmem:s0+$0xE0];
	_ =	sdelay $0x4  }
0x117: {  	v3 =	vadd.f32 v62, v3;
	_ =	sdelay $0x1  }
0x118: {  	s31 =	sor.u32 $0x1C70, s31;
	[tilespmem:s30+$0x10080] =	vst v3  }
0x119: {  	v3 =	vld [tilespmem:s31+$0x80]  }
0x11a: {  	v63 =	vld [tilespmem:s0+$0xF0];
	_ =	sdelay $0x1  }
0x11b: {  	p0 =	sne.s32 s29, $0x7C00  }
.Ltmp0:
0x11c: {  	_ = 	snop;
	(pc) =	sbr.rel @p0 .LBB2_2-.Ltmp0, $3  }
0x11d: {  	_ = 	snop  }
0x11e: {  	v3 =	vadd.f32 v63, v3;
	_ =	sdelay $0x1  }
0x11f: {  	s26 =	sadd.s32 $0x1, s26;
	s28 =	sadd.s32 $0x80, s28;
	s29 =	sadd.s32 $0x400, s29;
	[tilespmem:s31+$0x10080] =	vst v3  }
0x120: {  	s26 =	simm.s32 $0x0;
	s0 =	rddreg [dreg:$0x5]  }
0x121: {  	[hbm4b:s0+s26] =	stream.linear.scatter [tilespmem:s25], [sflag:$0x2], $0x8000, $0x38;
	[tilespmem:$0x18080] =	vst v63  }
0x122: {  	_ =	swait.ge [sflag:s14], $0x8000  }
0x123: {  	[sflag:s14] =	ssyncset.done $0x0  }
0x124: {  	s30 =	rddreg [dreg:$0x6];
	[sflag:s14] =	ssyncadd.s32 $0xFFFF8000  }
0x125: {  	[tilespmem:s26], [sflag:$0x2] =	stream.linear.gather [hbm4b:s30+s26], $0x20, $0x38;
	[tilespmem:$0x18080] =	vst v63  }
0x126: {  	_ =	swait.ge [sflag:s14], $0x20  }
0x127: {  	[sflag:s14] =	ssyncset.done $0x0  }
0x128: {  	s28 =	simm.s32 $0x20;
	s31 =	rddreg [dreg:$0x7];
	[sflag:s14] =	ssyncadd.s32 $0xFFFFFFE0  }
0x129: {  	[tilespmem:s28], [sflag:$0x2] =	stream.linear.gather [hbm4b:s31+s26], $0x20, $0x38;
	[tilespmem:$0x18080] =	vst v63  }
0x12a: {  	_ =	swait.ge [sflag:s14], $0x20  }
0x12b: {  	[sflag:s14] =	ssyncset.done $0x0  }
0x12c: {  	[sflag:s14] =	ssyncadd.s32 $0xFFFFFFE0  }
0x12d: {  	v3 =	vld [tilespmem:$0x0];
	_ =	sdelay $0x4  }
0x12e: {  	v4 =	vshll.u32 v3, $0x3  }
0x12f: {  	v3 =	vand.u32 $0x7, v3;
	v4 =	vand.u32 $0xFFFFFFC0, v4  }
0x130: {  	v3 =	vor.u32 v3, v4  }
0x131: {  	v4 =	vperm.xlane v3, v0;
	_ =	sdelay $0x1  }
0x132: {  	v4 =	vadd.s32 v1, v4;
	_ =	sdelay $0x3  }
0x133: {  	s30 =	simm.s32 $0x80  }
0x134: {  	[tilespmem:s30], [sflag:$0x1] =	stream.indirect_vreg.gather [hbm4b:s3+s26], $0x80, v4, vm0, $0xb8;
	[tilespmem:$0x18080] =	vst v63  }
0x135: {  	s31 =	simm.s32 $0x880;
	v3 =	vperm.xlane v3, v2  }
0x136: {  	[tilespmem:s31], [sflag:$0x1] =	stream.indirect_vreg.gather [hbm4b:s6+s26], $0x80, v4, vm0, $0xb8;
	[tilespmem:$0x18080] =	vst v63  }
0x137: {  	v3 =	vadd.s32 v1, v3;
	s30 =	simm.s32 $0x1080  }
0x138: {  	[tilespmem:s30], [sflag:$0x1] =	stream.indirect_vreg.gather [hbm4b:s7+s26], $0x80, v4, vm0, $0xb8;
	[tilespmem:$0x18080] =	vst v63  }
0x139: {  	s31 =	simm.s32 $0x1880  }
0x13a: {  	[tilespmem:s31], [sflag:$0x1] =	stream.indirect_vreg.gather [hbm4b:s8+s26], $0x80, v4, vm0, $0xb8;
	[tilespmem:$0x18080] =	vst v63  }
0x13b: {  	s30 =	simm.s32 $0x2080  }
0x13c: {  	[tilespmem:s30], [sflag:$0x1] =	stream.indirect_vreg.gather [hbm4b:s3+s26], $0x80, v3, vm0, $0xb8;
	[tilespmem:$0x18080] =	vst v63  }
0x13d: {  	s31 =	simm.s32 $0x2880  }
0x13e: {  	[tilespmem:s31], [sflag:$0x1] =	stream.indirect_vreg.gather [hbm4b:s6+s26], $0x80, v3, vm0, $0xb8;
	[tilespmem:$0x18080] =	vst v63  }
0x13f: {  	s30 =	simm.s32 $0x3080  }
0x140: {  	[tilespmem:s30], [sflag:$0x1] =	stream.indirect_vreg.gather [hbm4b:s7+s26], $0x80, v3, vm0, $0xb8;
	[tilespmem:$0x18080] =	vst v63  }
0x141: {  	s31 =	simm.s32 $0x3880  }
0x142: {  	[tilespmem:s31], [sflag:$0x1] =	stream.indirect_vreg.gather [hbm4b:s8+s26], $0x80, v3, vm0, $0xb8;
	[tilespmem:$0x18080] =	vst v63  }
0x143: {  	v3 =	vld [tilespmem:$0x10];
	_ =	sdelay $0x4  }
0x144: {  	v61 =	vshll.u32 v3, $0x3  }
0x145: {  	v3 =	vand.u32 $0x7, v3;
	v4 =	vand.u32 $0xFFFFFFC0, v61  }
0x146: {  	v3 =	vor.u32 v3, v4  }
0x147: {  	v4 =	vperm.xlane v3, v0;
	_ =	sdelay $0x1  }
0x148: {  	v4 =	vadd.s32 v1, v4;
	_ =	sdelay $0x3  }
0x149: {  	s30 =	simm.s32 $0x4080  }
0x14a: {  	[tilespmem:s30], [sflag:$0x1] =	stream.indirect_vreg.gather [hbm4b:s3+s26], $0x80, v4, vm0, $0xb8;
	[tilespmem:$0x18080] =	vst v63  }
0x14b: {  	s31 =	simm.s32 $0x4880;
	v3 =	vperm.xlane v3, v2  }
0x14c: {  	[tilespmem:s31], [sflag:$0x1] =	stream.indirect_vreg.gather [hbm4b:s6+s26], $0x80, v4, vm0, $0xb8;
	[tilespmem:$0x18080] =	vst v63  }
0x14d: {  	v3 =	vadd.s32 v1, v3;
	s30 =	simm.s32 $0x5080  }
0x14e: {  	[tilespmem:s30], [sflag:$0x1] =	stream.indirect_vreg.gather [hbm4b:s7+s26], $0x80, v4, vm0, $0xb8;
	[tilespmem:$0x18080] =	vst v63  }
0x14f: {  	s31 =	simm.s32 $0x5880  }
0x150: {  	[tilespmem:s31], [sflag:$0x1] =	stream.indirect_vreg.gather [hbm4b:s8+s26], $0x80, v4, vm0, $0xb8;
	[tilespmem:$0x18080] =	vst v63  }
0x151: {  	s30 =	simm.s32 $0x6080  }
0x152: {  	[tilespmem:s30], [sflag:$0x1] =	stream.indirect_vreg.gather [hbm4b:s3+s26], $0x80, v3, vm0, $0xb8;
	[tilespmem:$0x18080] =	vst v63  }
0x153: {  	s31 =	simm.s32 $0x6880  }
0x154: {  	[tilespmem:s31], [sflag:$0x1] =	stream.indirect_vreg.gather [hbm4b:s6+s26], $0x80, v3, vm0, $0xb8;
	[tilespmem:$0x18080] =	vst v63  }
0x155: {  	s30 =	simm.s32 $0x7080  }
0x156: {  	[tilespmem:s30], [sflag:$0x1] =	stream.indirect_vreg.gather [hbm4b:s7+s26], $0x80, v3, vm0, $0xb8;
	[tilespmem:$0x18080] =	vst v63  }
0x157: {  	s31 =	simm.s32 $0x7880  }
0x158: {  	[tilespmem:s31], [sflag:$0x1] =	stream.indirect_vreg.gather [hbm4b:s8+s26], $0x80, v3, vm0, $0xb8;
	[tilespmem:$0x18080] =	vst v63  }
0x159: {  	v3 =	vld [tilespmem:$0x20];
	_ =	sdelay $0x4  }
0x15a: {  	v62 =	vshll.u32 v3, $0x3  }
0x15b: {  	v3 =	vand.u32 $0x7, v3;
	v4 =	vand.u32 $0xFFFFFFC0, v62  }
0x15c: {  	v3 =	vor.u32 v3, v4  }
0x15d: {  	v4 =	vperm.xlane v3, v0;
	_ =	sdelay $0x1  }
0x15e: {  	v4 =	vadd.s32 v1, v4;
	_ =	sdelay $0x4  }
0x15f: {  	[tilespmem:s1], [sflag:$0x1] =	stream.indirect_vreg.gather [hbm4b:s3+s26], $0x80, v4, vm0, $0xb8;
	[tilespmem:$0x18080] =	vst v63  }
0x160: {  	v3 =	vperm.xlane v3, v2  }
0x161: {  	[tilespmem:s4], [sflag:$0x1] =	stream.indirect_vreg.gather [hbm4b:s6+s26], $0x80, v4, vm0, $0xb8;
	[tilespmem:$0x18080] =	vst v63  }
0x162: {  	v3 =	vadd.s32 v1, v3  }
0x163: {  	[tilespmem:s5], [sflag:$0x1] =	stream.indirect_vreg.gather [hbm4b:s7+s26], $0x80, v4, vm0, $0xb8;
	[tilespmem:$0x18080] =	vst v63  }
0x164: {  	_ = 	snop  }
0x165: {  	[tilespmem:s15], [sflag:$0x1] =	stream.indirect_vreg.gather [hbm4b:s8+s26], $0x80, v4, vm0, $0xb8;
	[tilespmem:$0x18080] =	vst v63  }
0x166: {  	_ = 	snop  }
0x167: {  	[tilespmem:s16], [sflag:$0x1] =	stream.indirect_vreg.gather [hbm4b:s3+s26], $0x80, v3, vm0, $0xb8;
	[tilespmem:$0x18080] =	vst v63  }
0x168: {  	_ = 	snop  }
0x169: {  	[tilespmem:s17], [sflag:$0x1] =	stream.indirect_vreg.gather [hbm4b:s6+s26], $0x80, v3, vm0, $0xb8;
	[tilespmem:$0x18080] =	vst v63  }
0x16a: {  	_ = 	snop  }
0x16b: {  	[tilespmem:s18], [sflag:$0x1] =	stream.indirect_vreg.gather [hbm4b:s7+s26], $0x80, v3, vm0, $0xb8;
	[tilespmem:$0x18080] =	vst v63  }
0x16c: {  	_ = 	snop  }
0x16d: {  	[tilespmem:s9], [sflag:$0x1] =	stream.indirect_vreg.gather [hbm4b:s8+s26], $0x80, v3, vm0, $0xb8;
	[tilespmem:$0x18080] =	vst v63  }
0x16e: {  	v3 =	vld [tilespmem:$0x30];
	_ =	sdelay $0x4  }
0x16f: {  	v63 =	vshll.u32 v3, $0x3  }
0x170: {  	v3 =	vand.u32 $0x7, v3;
	v4 =	vand.u32 $0xFFFFFFC0, v63  }
0x171: {  	v3 =	vor.u32 v3, v4  }
0x172: {  	v4 =	vperm.xlane v3, v0;
	_ =	sdelay $0x1  }
0x173: {  	v4 =	vadd.s32 v1, v4;
	_ =	sdelay $0x4  }
0x174: {  	[tilespmem:s19], [sflag:$0x1] =	stream.indirect_vreg.gather [hbm4b:s3+s26], $0x80, v4, vm0, $0xb8;
	[tilespmem:$0x18080] =	vst v63  }
0x175: {  	v3 =	vperm.xlane v3, v2  }
0x176: {  	[tilespmem:s20], [sflag:$0x1] =	stream.indirect_vreg.gather [hbm4b:s6+s26], $0x80, v4, vm0, $0xb8;
	[tilespmem:$0x18080] =	vst v63  }
0x177: {  	v3 =	vadd.s32 v1, v3  }
0x178: {  	[tilespmem:s21], [sflag:$0x1] =	stream.indirect_vreg.gather [hbm4b:s7+s26], $0x80, v4, vm0, $0xb8;
	[tilespmem:$0x18080] =	vst v63  }
0x179: {  	_ = 	snop  }
0x17a: {  	[tilespmem:s10], [sflag:$0x1] =	stream.indirect_vreg.gather [hbm4b:s8+s26], $0x80, v4, vm0, $0xb8;
	[tilespmem:$0x18080] =	vst v63  }
0x17b: {  	_ = 	snop  }
0x17c: {  	[tilespmem:s22], [sflag:$0x1] =	stream.indirect_vreg.gather [hbm4b:s3+s26], $0x80, v3, vm0, $0xb8;
	[tilespmem:$0x18080] =	vst v63  }
0x17d: {  	_ = 	snop  }
0x17e: {  	[tilespmem:s11], [sflag:$0x1] =	stream.indirect_vreg.gather [hbm4b:s6+s26], $0x80, v3, vm0, $0xb8;
	[tilespmem:$0x18080] =	vst v63  }
0x17f: {  	_ = 	snop  }
0x180: {  	[tilespmem:s23], [sflag:$0x1] =	stream.indirect_vreg.gather [hbm4b:s7+s26], $0x80, v3, vm0, $0xb8;
	[tilespmem:$0x18080] =	vst v63  }
0x181: {  	_ = 	snop  }
0x182: {  	[tilespmem:s24], [sflag:$0x1] =	stream.indirect_vreg.gather [hbm4b:s8+s26], $0x80, v3, vm0, $0xb8;
	[tilespmem:$0x18080] =	vst v63  }
0x183: {  	_ =	swait.ge [sflag:s12], $0x10000  }
0x184: {  	[sflag:s12] =	ssyncset.done $0x0  }
0x185: {  	s29 =	simm.s32 $0x0;
	s28 =	simm.s32 $0x0;
	[sflag:s12] =	ssyncadd.s32 $0xFFFF0000  }
.LBB2_4:
0x186: {  	s31 =	sand.u32 $0x6000, s29;
	s0 =	sand.u32 $0x380, s28  }
0x187: {  	s30 =	sor.u32 s0, s31  }
0x188: {  	v3 =	vld [tilespmem:s30+$0x80]  }
0x189: {  	v4 =	vld [tilespmem:s30+$0x8080]  }
0x18a: {  	v5 =	vld [tilespmem:s30+$0x90]  }
0x18b: {  	v6 =	vld [tilespmem:s30+$0x8090]  }
0x18c: {  	v7 =	vld [tilespmem:s30+$0xA0]  }
0x18d: {  	v8 =	vld [tilespmem:s30+$0x80A0]  }
0x18e: {  	v9 =	vld [tilespmem:s30+$0xB0]  }
0x18f: {  	v10 =	vld [tilespmem:s30+$0x80B0]  }
0x190: {  	v11 =	vld [tilespmem:s30+$0xC0]  }
0x191: {  	v12 =	vld [tilespmem:s30+$0x80C0]  }
0x192: {  	v13 =	vld [tilespmem:s30+$0xD0]  }
0x193: {  	v14 =	vld [tilespmem:s30+$0x80D0]  }
0x194: {  	v15 =	vld [tilespmem:s30+$0xE0]  }
0x195: {  	v16 =	vld [tilespmem:s30+$0x80E0]  }
0x196: {  	v17 =	vld [tilespmem:s30+$0xF0]  }
0x197: {  	v18 =	vld [tilespmem:s30+$0x80F0]  }
0x198: {  	v19 =	vld [tilespmem:s30+$0x480]  }
0x199: {  	v20 =	vld [tilespmem:s30+$0x8480]  }
0x19a: {  	v21 =	vld [tilespmem:s30+$0x490]  }
0x19b: {  	v22 =	vld [tilespmem:s30+$0x8490]  }
0x19c: {  	v23 =	vld [tilespmem:s30+$0x4A0]  }
0x19d: {  	v24 =	vld [tilespmem:s30+$0x84A0]  }
0x19e: {  	v25 =	vld [tilespmem:s30+$0x4B0]  }
0x19f: {  	v26 =	vld [tilespmem:s30+$0x84B0]  }
0x1a0: {  	v27 =	vld [tilespmem:s30+$0x4C0]  }
0x1a1: {  	v28 =	vld [tilespmem:s30+$0x84C0]  }
0x1a2: {  	v29 =	vld [tilespmem:s30+$0x4D0]  }
0x1a3: {  	v30 =	vld [tilespmem:s30+$0x84D0]  }
0x1a4: {  	v31 =	vld [tilespmem:s30+$0x4E0]  }
0x1a5: {  	v55 =	vld [tilespmem:s30+$0x84E0];
	v3 =	vadd.f32 v4, v3  }
0x1a6: {  	v56 =	vld [tilespmem:s30+$0x4F0];
	v5 =	vadd.f32 v6, v5  }
0x1a7: {  	v57 =	vld [tilespmem:s30+$0x84F0];
	v58 =	vadd.f32 v10, v9;
	[tilespmem:s30+$0x10080] =	vst v3  }
0x1a8: {  	v59 =	vld [tilespmem:s30+$0x880];
	v3 =	vadd.f32 v8, v7;
	[tilespmem:s30+$0x10090] =	vst v5  }
0x1a9: {  	v60 =	vld [tilespmem:s30+$0x8880];
	v61 =	vadd.f32 v14, v13;
	[tilespmem:s30+$0x100B0] =	vst v58  }
0x1aa: {  	v62 =	vld [tilespmem:s30+$0x890];
	[tilespmem:s30+$0x100A0] =	vst v3;
	v3 =	vadd.f32 v12, v11  }
0x1ab: {  	v63 =	vld [tilespmem:s30+$0x8890];
	v32 =	vadd.f32 v18, v17;
	[tilespmem:s30+$0x100D0] =	vst v61  }
0x1ac: {  	v33 =	vld [tilespmem:s30+$0x8A0];
	[tilespmem:s30+$0x100C0] =	vst v3;
	v3 =	vadd.f32 v16, v15  }
0x1ad: {  	v34 =	vld [tilespmem:s30+$0x88A0];
	v35 =	vadd.f32 v22, v21;
	[tilespmem:s30+$0x100F0] =	vst v32  }
0x1ae: {  	v36 =	vld [tilespmem:s30+$0x8B0];
	[tilespmem:s30+$0x100E0] =	vst v3;
	v3 =	vadd.f32 v20, v19  }
0x1af: {  	v37 =	vld [tilespmem:s30+$0x88B0];
	v38 =	vadd.f32 v26, v25;
	[tilespmem:s30+$0x10490] =	vst v35  }
0x1b0: {  	v39 =	vld [tilespmem:s30+$0x8C0];
	[tilespmem:s30+$0x10480] =	vst v3;
	v3 =	vadd.f32 v24, v23  }
0x1b1: {  	v40 =	vld [tilespmem:s30+$0x88C0];
	v41 =	vadd.f32 v30, v29;
	[tilespmem:s30+$0x104B0] =	vst v38  }
0x1b2: {  	v42 =	vld [tilespmem:s30+$0x8D0];
	[tilespmem:s30+$0x104A0] =	vst v3;
	v3 =	vadd.f32 v28, v27  }
0x1b3: {  	v43 =	vld [tilespmem:s30+$0x88D0];
	v44 =	vadd.f32 v57, v56;
	[tilespmem:s30+$0x104D0] =	vst v41  }
0x1b4: {  	v45 =	vld [tilespmem:s30+$0x8E0];
	[tilespmem:s30+$0x104C0] =	vst v3;
	v3 =	vadd.f32 v55, v31  }
0x1b5: {  	v48 =	vld [tilespmem:s30+$0x8F0];
	v47 =	vadd.f32 v63, v62;
	[tilespmem:s30+$0x104F0] =	vst v44  }
0x1b6: {  	v49 =	vld [tilespmem:s30+$0x88F0];
	[tilespmem:s30+$0x104E0] =	vst v3;
	v3 =	vadd.f32 v60, v59  }
0x1b7: {  	v46 =	vld [tilespmem:s30+$0x88E0];
	v50 =	vadd.f32 v37, v36;
	[tilespmem:s30+$0x10890] =	vst v47  }
0x1b8: {  	[tilespmem:s30+$0x10880] =	vst v3;
	v3 =	vadd.f32 v34, v33  }
0x1b9: {  	v4 =	vadd.f32 v43, v42;
	[tilespmem:s30+$0x108B0] =	vst v50  }
0x1ba: {  	[tilespmem:s30+$0x108A0] =	vst v3;
	v3 =	vadd.f32 v40, v39  }
0x1bb: {  	v51 =	vadd.f32 v49, v48;
	[tilespmem:s30+$0x108D0] =	vst v4  }
0x1bc: {  	[tilespmem:s30+$0x108C0] =	vst v3;
	v3 =	vadd.f32 v46, v45  }
0x1bd: {  	s31 =	sor.u32 s31, s28;
	[tilespmem:s30+$0x108F0] =	vst v51  }
0x1be: {  	s0 =	sor.u32 $0x8C00, s31;
	[tilespmem:s30+$0x108E0] =	vst v3;
	v3 =	vld [tilespmem:s30+$0xC80]  }
0x1bf: {  	v4 =	vld [tilespmem:s0+$0x80];
	_ =	sdelay $0x4  }
0x1c0: {  	v3 =	vadd.f32 v4, v3;
	_ =	sdelay $0x1  }
0x1c1: {  	[tilespmem:s30+$0x10C80] =	vst v3;
	v3 =	vld [tilespmem:s30+$0xC90]  }
0x1c2: {  	v52 =	vld [tilespmem:s0+$0x90];
	_ =	sdelay $0x4  }
0x1c3: {  	v3 =	vadd.f32 v52, v3;
	_ =	sdelay $0x1  }
0x1c4: {  	[tilespmem:s30+$0x10C90] =	vst v3;
	v3 =	vld [tilespmem:s30+$0xCA0]  }
0x1c5: {  	v53 =	vld [tilespmem:s0+$0xA0];
	_ =	sdelay $0x4  }
0x1c6: {  	v3 =	vadd.f32 v53, v3;
	_ =	sdelay $0x1  }
0x1c7: {  	[tilespmem:s30+$0x10CA0] =	vst v3;
	v3 =	vld [tilespmem:s30+$0xCB0]  }
0x1c8: {  	v54 =	vld [tilespmem:s0+$0xB0]  }
0x1c9: {  	v62 =	vld [tilespmem:s30+$0x9090]  }
0x1ca: {  	v63 =	vld [tilespmem:s30+$0x10A0]  }
0x1cb: {  	v36 =	vld [tilespmem:s30+$0x90A0]  }
0x1cc: {  	v37 =	vld [tilespmem:s30+$0x10B0]  }
0x1cd: {  	v42 =	vld [tilespmem:s30+$0x90D0];
	v3 =	vadd.f32 v54, v3  }
0x1ce: {  	v43 =	vld [tilespmem:s30+$0x10E0]  }
0x1cf: {  	[tilespmem:s30+$0x10CB0] =	vst v3;
	v3 =	vld [tilespmem:s30+$0xCC0]  }
0x1d0: {  	v55 =	vld [tilespmem:s0+$0xC0]  }
0x1d1: {  	v48 =	vld [tilespmem:s30+$0x9480]  }
0x1d2: {  	v49 =	vld [tilespmem:s30+$0x1490]  }
0x1d3: {  	v61 =	vld [tilespmem:s30+$0x1090]  }
0x1d4: {  	v38 =	vld [tilespmem:s30+$0x90B0]  }
0x1d5: {  	v41 =	vld [tilespmem:s30+$0x10D0];
	v3 =	vadd.f32 v55, v3  }
0x1d6: {  	v44 =	vld [tilespmem:s30+$0x90E0]  }
0x1d7: {  	[tilespmem:s30+$0x10CC0] =	vst v3;
	v3 =	vld [tilespmem:s30+$0xCD0]  }
0x1d8: {  	v56 =	vld [tilespmem:s0+$0xD0]  }
0x1d9: {  	v47 =	vld [tilespmem:s30+$0x1480]  }
0x1da: {  	v50 =	vld [tilespmem:s30+$0x9490]  }
0x1db: {  	v51 =	vld [tilespmem:s30+$0x14A0]  }
0x1dc: {  	v32 =	vld [tilespmem:s30+$0x94D0]  }
0x1dd: {  	v59 =	vld [tilespmem:s30+$0x1080];
	v3 =	vadd.f32 v56, v3  }
0x1de: {  	v60 =	vld [tilespmem:s30+$0x9080]  }
0x1df: {  	[tilespmem:s30+$0x10CD0] =	vst v3;
	v3 =	vld [tilespmem:s30+$0xCE0]  }
0x1e0: {  	v57 =	vld [tilespmem:s0+$0xE0]  }
0x1e1: {  	v35 =	vld [tilespmem:s30+$0x1890]  }
0x1e2: {  	v34 =	vld [tilespmem:s30+$0x9880]  }
0x1e3: {  	v39 =	vld [tilespmem:s30+$0x10C0]  }
0x1e4: {  	v40 =	vld [tilespmem:s30+$0x90C0]  }
0x1e5: {  	v5 =	vadd.f32 v60, v59;
	v59 =	vld [tilespmem:s30+$0x94E0];
	v3 =	vadd.f32 v57, v3  }
0x1e6: {  	v60 =	vld [tilespmem:s30+$0x14F0]  }
0x1e7: {  	[tilespmem:s30+$0x10CE0] =	vst v3;
	v3 =	vld [tilespmem:s30+$0xCF0]  }
0x1e8: {  	v58 =	vld [tilespmem:s0+$0xF0]  }
0x1e9: {  	v45 =	vld [tilespmem:s30+$0x10F0]  }
0x1ea: {  	v46 =	vld [tilespmem:s30+$0x90F0]  }
0x1eb: {  	v33 =	vadd.f32 v40, v39;
	v40 =	vld [tilespmem:s30+$0x98A0]  }
0x1ec: {  	v39 =	vadd.f32 v48, v47;
	v47 =	vld [tilespmem:s30+$0x18D0]  }
0x1ed: {  	v48 =	vld [tilespmem:s30+$0x98D0];
	v3 =	vadd.f32 v58, v3  }
0x1ee: {  	v52 =	vld [tilespmem:s30+$0x94A0]  }
0x1ef: {  	v53 =	vld [tilespmem:s30+$0x14B0];
	[tilespmem:s30+$0x10CF0] =	vst v3;
	v3 =	vadd.f32 v62, v61  }
0x1f0: {  	v54 =	vld [tilespmem:s30+$0x94B0];
	[tilespmem:s30+$0x11080] =	vst v5  }
0x1f1: {  	v55 =	vld [tilespmem:s30+$0x14C0];
	[tilespmem:s30+$0x11090] =	vst v3;
	v3 =	vadd.f32 v38, v37  }
0x1f2: {  	v56 =	vld [tilespmem:s30+$0x94C0];
	[tilespmem:s30+$0x110C0] =	vst v33  }
0x1f3: {  	v58 =	vld [tilespmem:s30+$0x14E0];
	[tilespmem:s30+$0x110B0] =	vst v3;
	v3 =	vadd.f32 v42, v41  }
0x1f4: {  	v57 =	vld [tilespmem:s30+$0x14D0];
	[tilespmem:s30+$0x11480] =	vst v39;
	v61 =	vadd.f32 v36, v63  }
0x1f5: {  	v62 =	vld [tilespmem:s30+$0x94F0];
	[tilespmem:s30+$0x110D0] =	vst v3;
	v3 =	vadd.f32 v46, v45  }
0x1f6: {  	v63 =	vld [tilespmem:s30+$0x1880];
	v36 =	vadd.f32 v44, v43;
	[tilespmem:s30+$0x110A0] =	vst v61  }
0x1f7: {  	v43 =	vld [tilespmem:s30+$0x98B0];
	[tilespmem:s30+$0x110F0] =	vst v3;
	v3 =	vadd.f32 v50, v49  }
0x1f8: {  	v44 =	vld [tilespmem:s30+$0x18C0];
	[tilespmem:s30+$0x110E0] =	vst v36;
	v4 =	vadd.f32 v59, v58  }
0x1f9: {  	v37 =	vld [tilespmem:s30+$0x9890];
	[tilespmem:s30+$0x11490] =	vst v3;
	v3 =	vadd.f32 v54, v53  }
0x1fa: {  	v38 =	vld [tilespmem:s30+$0x18A0];
	v42 =	vadd.f32 v52, v51;
	[tilespmem:s30+$0x114E0] =	vst v4  }
0x1fb: {  	v41 =	vld [tilespmem:s30+$0x18B0];
	[tilespmem:s30+$0x114B0] =	vst v3;
	v3 =	vadd.f32 v32, v57  }
0x1fc: {  	v51 =	vld [tilespmem:s30+$0x98E0];
	[tilespmem:s30+$0x114A0] =	vst v42;
	v45 =	vadd.f32 v56, v55  }
0x1fd: {  	v46 =	vld [tilespmem:s30+$0x98C0];
	[tilespmem:s30+$0x114D0] =	vst v3;
	v3 =	vadd.f32 v62, v60  }
0x1fe: {  	v52 =	vld [tilespmem:s30+$0x18F0];
	[tilespmem:s30+$0x114C0] =	vst v45;
	v50 =	vadd.f32 v34, v63  }
0x1ff: {  	v49 =	vld [tilespmem:s30+$0x18E0];
	[tilespmem:s30+$0x114F0] =	vst v3;
	v3 =	vadd.f32 v37, v35  }
0x200: {  	[tilespmem:s30+$0x11880] =	vst v50;
	v53 =	vadd.f32 v40, v38;
	v54 =	vld [tilespmem:s30+$0x98F0]  }
0x201: {  	[tilespmem:s30+$0x11890] =	vst v3;
	v3 =	vadd.f32 v43, v41  }
0x202: {  	v55 =	vadd.f32 v46, v44;
	[tilespmem:s30+$0x118A0] =	vst v53  }
0x203: {  	[tilespmem:s30+$0x118B0] =	vst v3;
	v3 =	vadd.f32 v48, v47  }
0x204: {  	s31 =	sand.u32 $0x7, s26;
	[tilespmem:s30+$0x118C0] =	vst v55;
	v56 =	vadd.f32 v51, v49  }
0x205: {  	s0 =	sshll.u32 s31, $0x7;
	[tilespmem:s30+$0x118D0] =	vst v3;
	v3 =	vadd.f32 v54, v52  }
0x206: {  	s0 =	sadd.s32 s0, s29;
	[tilespmem:s30+$0x118E0] =	vst v56  }
0x207: {  	s31 =	sor.u32 s29, s28;
	[tilespmem:s30+$0x118F0] =	vst v3;
	s30 =	sor.u32 $0x1C00, s0  }
0x208: {  	s31 =	sor.u32 $0x9C00, s31;
	v3 =	vld [tilespmem:s30+$0x80]  }
0x209: {  	v4 =	vld [tilespmem:s31+$0x80];
	_ =	sdelay $0x4  }
0x20a: {  	v3 =	vadd.f32 v4, v3;
	_ =	sdelay $0x1  }
0x20b: {  	[tilespmem:s30+$0x10080] =	vst v3;
	s30 =	sor.u32 $0x1C10, s0  }
0x20c: {  	v3 =	vld [tilespmem:s30+$0x80]  }
0x20d: {  	v57 =	vld [tilespmem:s31+$0x90];
	_ =	sdelay $0x4  }
0x20e: {  	v3 =	vadd.f32 v57, v3;
	_ =	sdelay $0x1  }
0x20f: {  	[tilespmem:s30+$0x10080] =	vst v3;
	s30 =	sor.u32 $0x1C20, s0  }
0x210: {  	v3 =	vld [tilespmem:s30+$0x80]  }
0x211: {  	v58 =	vld [tilespmem:s31+$0xA0];
	_ =	sdelay $0x4  }
0x212: {  	v3 =	vadd.f32 v58, v3;
	_ =	sdelay $0x1  }
0x213: {  	[tilespmem:s30+$0x10080] =	vst v3;
	s30 =	sor.u32 $0x1C30, s0  }
0x214: {  	v3 =	vld [tilespmem:s30+$0x80]  }
0x215: {  	v59 =	vld [tilespmem:s31+$0xB0];
	_ =	sdelay $0x4  }
0x216: {  	v3 =	vadd.f32 v59, v3;
	_ =	sdelay $0x1  }
0x217: {  	[tilespmem:s30+$0x10080] =	vst v3;
	s30 =	sor.u32 $0x1C40, s0  }
0x218: {  	v3 =	vld [tilespmem:s30+$0x80]  }
0x219: {  	v60 =	vld [tilespmem:s31+$0xC0];
	_ =	sdelay $0x4  }
0x21a: {  	v3 =	vadd.f32 v60, v3;
	_ =	sdelay $0x1  }
0x21b: {  	[tilespmem:s30+$0x10080] =	vst v3;
	s30 =	sor.u32 $0x1C50, s0  }
0x21c: {  	v3 =	vld [tilespmem:s30+$0x80]  }
0x21d: {  	v61 =	vld [tilespmem:s31+$0xD0];
	_ =	sdelay $0x4  }
0x21e: {  	v3 =	vadd.f32 v61, v3;
	_ =	sdelay $0x1  }
0x21f: {  	[tilespmem:s30+$0x10080] =	vst v3;
	s30 =	sor.u32 $0x1C60, s0  }
0x220: {  	v3 =	vld [tilespmem:s30+$0x80]  }
0x221: {  	v62 =	vld [tilespmem:s31+$0xE0];
	_ =	sdelay $0x4  }
0x222: {  	v3 =	vadd.f32 v62, v3;
	_ =	sdelay $0x1  }
0x223: {  	s0 =	sor.u32 $0x1C70, s0;
	[tilespmem:s30+$0x10080] =	vst v3  }
0x224: {  	v3 =	vld [tilespmem:s0+$0x80]  }
0x225: {  	v63 =	vld [tilespmem:s31+$0xF0];
	_ =	sdelay $0x1  }
0x226: {  	p0 =	sne.s32 s29, $0x7C00  }
.Ltmp1:
0x227: {  	_ = 	snop;
	(pc) =	sbr.rel @p0 .LBB2_4-.Ltmp1, $3  }
0x228: {  	_ = 	snop  }
0x229: {  	v3 =	vadd.f32 v63, v3;
	_ =	sdelay $0x1  }
0x22a: {  	s26 =	sadd.s32 $0x1, s26;
	s28 =	sadd.s32 $0x80, s28;
	s29 =	sadd.s32 $0x400, s29;
	[tilespmem:s0+$0x10080] =	vst v3  }
0x22b: {  	s0 =	rddreg [dreg:$0x8]  }
0x22c: {  	[hbm4b:s0+s2] =	stream.linear.scatter [tilespmem:s25], [sflag:$0x2], $0x8000, $0x38;
	[tilespmem:$0x18080] =	vst v63  }
0x22d: {  	_ =	swait.ge [sflag:s14], $0x8000  }
0x22e: {  	s13 =	sadd.s32 $0x1, s13;
	s31 =	rddreg [dreg:$0x9]  }
0x22f: {  	p0 =	sne.s32 s13, s31  }
.Ltmp2:
0x230: {  	_ = 	snop;
	(pc) =	sbr.rel @p0 .LBB2_1-.Ltmp2, $3  }
0x231: {  	_ =	sdelay $0x1  }
0x232: {  	[sflag:s14] =	ssyncset.done $0x0  }
0x233: {  	[sflag:s14] =	ssyncadd.s32 $0xFFFF8000  }
0x234: {  	_ =	sfence.sel $0x180000  }
0x235: {  	[bflag:$0x0] =	sbarrier.arrive $0xFFFF  }
0x236: {  	_ =	strace $0x90000047  }
0x237: {  	s0 =	stileid.u32;
	[bflag:$0x2] =	sbarrier.arrive $0xFFFF  }
0x238: {  	p0 =	sne.s32 s0, $0x0;
	s0 =	rddreg [dreg:$0x2]  }
0x239: {  	s0 =	sadd.s32 @!p0 $0x100000, s0  }
0x23a: {  	[sflag:s0] =	ssyncadd.tile.s32 @!p0 $0x1;
	_ =	shalt  }
.Lfunc_end2:
_tile_overlayer_lowered:
.L_overlay_start_2:
0x23b: {  	(tag) =	ssettag $0x2  }
0x23c: {  	s0 =	rddreg [dreg:$0x0];
	s2 =	stileid.u32  }
0x23d: {  	s1 =	rddreg [dreg:$0x1];
	p0 =	sne.s32 s2, $0x0  }
0x23e: {  	s3 =	rddreg [dreg:$0x2];
	[bflag:$0x3] =	sbarrier.arrive $0xFFFF;
	s2 =	simm.s32 @!p0 $0x1C02  }
0x23f: {  	[timem:s3], [sflag:s2] =	dma.local @!p0 [hbm:s0], s1  }
0x240: {  	s0 =	simm.s32 @!p0 $0x2  }
0x241: {  	_ =	swait.ge @!p0 [sflag:s0], s1  }
0x242: {  	s1 =	ssub.s32 @!p0 $0x0, s1;
	[sflag:s0] =	ssyncset.done @!p0 $0x0  }
0x243: {  	[sflag:s0] =	ssyncadd.s32 @!p0 s1  }
0x244: {  	[bflag:$0x3] =	sbarrier.arrive $0xFFFF  }
0x245: {  	_ =	shalt  }

</sc_bundles>
